<compile_context>
chip_gen: v7x
topology: tpu7x:2x2x1
jax: 0.10.2.dev20260603
libtpu: 0.0.44.dev20260713+nightly
codegen_flags: <defaults>
</compile_context>

<pallas_src>
import functools

import jax
import jax.numpy as jnp
from jax import lax
from jax.experimental import pallas as pl
from jax.experimental.pallas import tpu as pltpu
from jax.experimental.pallas import tpu_sc as plsc

B, C, H, W = 4, 192, 224, 224
HW = H * W
L = 16
ROWS_PER_BLK = 8
BLK = ROWS_PER_BLK * W
NBLK = H // ROWS_PER_BLK
NPAIR = NBLK // 2
VPB = BLK // L
VPR = W // L
NUNITS = B * C
NWORKERS = 32
UPW = NUNITS // NWORKERS
PPW = UPW // 2
WPB = NWORKERS // B
SX = W / (W - 1.0)
SY = H / (H - 1.0)
DIV14_MUL, DIV14_SHIFT = 18725, 18


def _floor_to_int(v):
    t = v.astype(jnp.int32)
    tf = t.astype(jnp.float32)
    i0 = t - jnp.where(tf > v, 1, 0).astype(jnp.int32)
    return i0, i0.astype(jnp.float32)


def _warp_body(img_hbm, flow_hbm, out_hbm, img0buf, img1buf, fbufA, fbufB,
               outbufA, outbufB, xsbuf, sem_i, sem_fA, sem_fB, sem_oA, sem_oB):
    wid = lax.axis_index("s") * 2 + lax.axis_index("c")
    b = wid // WPB

    def init_xs(i, _):
        xv = lax.iota(jnp.int32, L) + i * L
        xsbuf[pl.ds(i * L, L)] = xv.astype(jnp.float32) * SX - 0.5
        return 0
    lax.fori_loop(0, VPR, init_xs, 0)

    def compute_block(blk, fbuf, outbuf):
        @plsc.parallel_loop(0, VPB, unroll=4)
        def _(v):
            q = (v * DIV14_MUL) >> DIV14_SHIFT
            xv = v - q * VPR
            y = blk * ROWS_PER_BLK + q
            lv = v * L
            dxv = fbuf[0, pl.ds(lv, L)]
            dyv = fbuf[1, pl.ds(lv, L)]
            ix = xsbuf[pl.ds(xv * L, L)] + dxv * SX
            ys = y.astype(jnp.float32) * SY - 0.5
            iy = jnp.full((L,), ys, jnp.float32) + dyv * SY

            ix0, ix0f = _floor_to_int(ix)
            iy0, iy0f = _floor_to_int(iy)
            fx = ix - ix0f
            fy = iy - iy0f

            ix0c = jnp.minimum(jnp.maximum(ix0, 0), W - 1)
            ix1c = jnp.minimum(jnp.maximum(ix0 + 1, 0), W - 1)
            iy0c = jnp.minimum(jnp.maximum(iy0, 0), H - 1)
            iy1c = jnp.minimum(jnp.maximum(iy0 + 1, 0), H - 1)

            zero = jnp.zeros((L,), jnp.float32)
            wx0 = jnp.where((ix0f >= 0.0) & (ix0f <= W - 1.0), 1.0 - fx, zero)
            wx1 = jnp.where((ix0f >= -1.0) & (ix0f <= W - 2.0), fx, zero)
            wy0 = jnp.where((iy0f >= 0.0) & (iy0f <= H - 1.0), 1.0 - fy, zero)
            wy1 = jnp.where((iy0f >= -1.0) & (iy0f <= H - 2.0), fy, zero)

            a00 = plsc.load_gather(img0buf, [iy0c, ix0c])
            a01 = plsc.load_gather(img0buf, [iy0c, ix1c])
            a10 = plsc.load_gather(img0buf, [iy1c, ix0c])
            a11 = plsc.load_gather(img0buf, [iy1c, ix1c])
            acc0 = (a00 * wx0 + a01 * wx1) * wy0 + (a10 * wx0 + a11 * wx1) * wy1
            outbuf[0, q, pl.ds(xv * L, L)] = acc0

            b00 = plsc.load_gather(img1buf, [iy0c, ix0c])
            b01 = plsc.load_gather(img1buf, [iy0c, ix1c])
            b10 = plsc.load_gather(img1buf, [iy1c, ix0c])
            b11 = plsc.load_gather(img1buf, [iy1c, ix1c])
            acc1 = (b00 * wx0 + b01 * wx1) * wy0 + (b10 * wx0 + b11 * wx1) * wy1
            outbuf[1, q, pl.ds(xv * L, L)] = acc1

    def flow_copy(blk, fbuf, sem):
        return pltpu.make_async_copy(
            flow_hbm.at[b, :, pl.ds(blk * BLK, BLK)], fbuf, sem)

    def out_copy(unit2, blk, outbuf, sem):
        r0 = blk * ROWS_PER_BLK
        return pltpu.make_async_copy(
            outbuf, out_hbm.at[pl.ds(unit2, 2), pl.ds(r0, ROWS_PER_BLK), :],
            sem)

    def pair_unit_body(p, _):
        unit2 = wid * UPW + p * 2
        flow_copy(0, fbufA, sem_fA).start()
        pltpu.make_async_copy(img_hbm.at[unit2], img0buf, sem_i).start()
        pltpu.make_async_copy(img_hbm.at[unit2 + 1], img1buf, sem_i).start()
        pltpu.make_async_copy(img_hbm.at[unit2], img0buf, sem_i).wait()
        pltpu.make_async_copy(img_hbm.at[unit2 + 1], img1buf, sem_i).wait()

        def pair_body(gg, _):
            a_blk = gg * 2
            b_blk = gg * 2 + 1
            flow_copy(b_blk, fbufB, sem_fB).start()
            flow_copy(a_blk, fbufA, sem_fA).wait()

            @pl.when(gg > 0)
            def _():
                out_copy(unit2, a_blk - 2, outbufA, sem_oA).wait()
            compute_block(a_blk, fbufA, outbufA)
            out_copy(unit2, a_blk, outbufA, sem_oA).start()

            @pl.when(gg < NPAIR - 1)
            def _():
                flow_copy(a_blk + 2, fbufA, sem_fA).start()
            flow_copy(b_blk, fbufB, sem_fB).wait()

            @pl.when(gg > 0)
            def _():
                out_copy(unit2, b_blk - 2, outbufB, sem_oB).wait()
            compute_block(b_blk, fbufB, outbufB)
            out_copy(unit2, b_blk, outbufB, sem_oB).start()
            return 0
        lax.fori_loop(0, NPAIR, pair_body, 0)
        out_copy(unit2, NBLK - 2, outbufA, sem_oA).wait()
        out_copy(unit2, NBLK - 1, outbufB, sem_oB).wait()
        return 0
    lax.fori_loop(0, PPW, pair_unit_body, 0)


@jax.jit
def _warp(img3, flow):
    mesh = plsc.VectorSubcoreMesh(core_axis_name="c", subcore_axis_name="s")
    f = functools.partial(
        pl.kernel,
        mesh=mesh,
        compiler_params=pltpu.CompilerParams(needs_layout_passes=False),
        out_type=jax.ShapeDtypeStruct((NUNITS, H, W), jnp.float32),
        scratch_types=[
            pltpu.VMEM((H, W), jnp.float32),
            pltpu.VMEM((H, W), jnp.float32),
            pltpu.VMEM((2, BLK), jnp.float32),
            pltpu.VMEM((2, BLK), jnp.float32),
            pltpu.VMEM((2, ROWS_PER_BLK, W), jnp.float32),
            pltpu.VMEM((2, ROWS_PER_BLK, W), jnp.float32),
            pltpu.VMEM((W,), jnp.float32),
            pltpu.SemaphoreType.DMA,
            pltpu.SemaphoreType.DMA,
            pltpu.SemaphoreType.DMA,
            pltpu.SemaphoreType.DMA,
            pltpu.SemaphoreType.DMA,
        ],
    )(_warp_body)
    return f(img3, flow)


def kernel(input_image, delta_x, delta_y):
    flow = jnp.concatenate(
        [delta_x.reshape(B, 1, HW), delta_y.reshape(B, 1, HW)], axis=1)
    img3 = input_image.reshape(NUNITS, H, W)
    out = _warp(img3, flow)
    return out.reshape(B, C, H, W)

# --- scband reference (transcript-rebuilt; emitter-appended) ---
"""Pipeline reference for scband-warp-object-76020921139524 (READ-ONLY COPY).

The authoritative reference and input builder live on the scoring server;
editing this copy changes nothing except your own understanding.
"""

import jax, jax.numpy as jnp
import numpy as np


def _grid_sample_bilinear(img, grid):
    # img: [B, C, H, W], grid: [B, H, W, 2] in [-1, 1] (x, y order)
    # PyTorch grid_sample defaults: mode='bilinear', padding_mode='zeros', align_corners=False
    B, C, H, W = img.shape
    gx = grid[..., 0]
    gy = grid[..., 1]
    ix = ((gx + 1.0) * W - 1.0) / 2.0
    iy = ((gy + 1.0) * H - 1.0) / 2.0
    ix0 = jnp.floor(ix)
    iy0 = jnp.floor(iy)
    ix1 = ix0 + 1.0
    iy1 = iy0 + 1.0
    wx1 = ix - ix0
    wx0 = 1.0 - wx1
    wy1 = iy - iy0
    wy0 = 1.0 - wy1
    flat = img.reshape(B, C, H * W)

    def gather(xi, yi):
        valid = (xi >= 0) & (xi <= W - 1) & (yi >= 0) & (yi <= H - 1)
        xc = jnp.clip(xi, 0, W - 1).astype(jnp.int32)
        yc = jnp.clip(yi, 0, H - 1).astype(jnp.int32)
        idx = (yc * W + xc).reshape(B, 1, H * W)
        idx = jnp.broadcast_to(idx, (B, C, H * W))
        vals = jnp.take_along_axis(flat, idx, axis=2)
        mask = valid.reshape(B, 1, H * W).astype(img.dtype)
        return vals * mask

    v00 = gather(ix0, iy0)
    v01 = gather(ix1, iy0)
    v10 = gather(ix0, iy1)
    v11 = gather(ix1, iy1)
    w00 = (wx0 * wy0).reshape(B, 1, H * W)
    w01 = (wx1 * wy0).reshape(B, 1, H * W)
    w10 = (wx0 * wy1).reshape(B, 1, H * W)
    w11 = (wx1 * wy1).reshape(B, 1, H * W)
    out = v00 * w00 + v01 * w01 + v10 * w10 + v11 * w11
    return out.reshape(B, C, H, W)


def setup_inputs(seed: int = 0) -> dict:
    key = jax.random.key(seed)
    k1, k2, k3 = jax.random.split(key, 3)
    input_image = jax.random.normal(k1, (4, 192, 224, 224), dtype=jnp.float32)
    delta_x = jax.random.normal(k2, (4, 1, 224, 224), dtype=jnp.float32)
    delta_y = jax.random.normal(k3, (4, 1, 224, 224), dtype=jnp.float32)
    return {"input_image": input_image, "delta_x": delta_x, "delta_y": delta_y}


def reference(input_image, delta_x, delta_y):
    # delta_x/delta_y: [B, 1, H, W] -> same flow on all channels (bilinear path)
    B, C, H, W = input_image.shape
    X, Y = jnp.meshgrid(jnp.arange(W, dtype=jnp.float32), jnp.arange(H, dtype=jnp.float32))
    dx = jnp.transpose(delta_x, (0, 2, 3, 1))[..., 0]  # [B, H, W]
    dy = jnp.transpose(delta_y, (0, 2, 3, 1))[..., 0]
    new_X = 2.0 * (X[None, :, :] + dx) / max(W - 1, 1) - 1.0
    new_Y = 2.0 * (Y[None, :, :] + dy) / max(H - 1, 1) - 1.0
    grid = jnp.stack([new_X, new_Y], axis=-1)  # [B, H, W, 2]
    return _grid_sample_bilinear(input_image, grid)

if __name__ == "__main__":
    import jax
    _d = setup_inputs()
    print(jax.jit(kernel)(*tuple(_d.values())))

</pallas_src>

<mosaic_0001>
#map = affine_map<(d0, d1) -> (0, 0, 0)>
module attributes {stable_mosaic.version = 14 : i64} {
  func.func @_warp_body(%arg0: i32, %arg1: i32, %arg2: memref<768x224x224xf32, #tpu.memory_space<hbm>>, %arg3: memref<4x2x50176xf32, #tpu.memory_space<hbm>>, %arg4: memref<768x224x224xf32, #tpu.memory_space<hbm>>, %arg5: memref<224x224xf32, #tpu.memory_space<vmem>>, %arg6: memref<224x224xf32, #tpu.memory_space<vmem>>, %arg7: memref<2x1792xf32, #tpu.memory_space<vmem>>, %arg8: memref<2x1792xf32, #tpu.memory_space<vmem>>, %arg9: memref<2x8x224xf32, #tpu.memory_space<vmem>>, %arg10: memref<2x8x224xf32, #tpu.memory_space<vmem>>, %arg11: memref<224xf32, #tpu.memory_space<vmem>>, %arg12: memref<!tpu.dma_semaphore, #tpu.memory_space<semaphore_mem>>, %arg13: memref<!tpu.dma_semaphore, #tpu.memory_space<semaphore_mem>>, %arg14: memref<!tpu.dma_semaphore, #tpu.memory_space<semaphore_mem>>, %arg15: memref<!tpu.dma_semaphore, #tpu.memory_space<semaphore_mem>>, %arg16: memref<!tpu.dma_semaphore, #tpu.memory_space<semaphore_mem>>) attributes {dimension_semantics = [#tpu.dimension_semantics<core_parallel>, #tpu.dimension_semantics<subcore_parallel>], iteration_bounds = array<i64: 2, 16>, scalar_prefetch = 0 : i64, scratch_operands = 12 : i64, tpu.core_type = #tpu.core_type<sc_vector_subcore>, window_params = [{transform_indices = #map}, {transform_indices = #map}, {transform_indices = #map}]} {
    %mul3A = arith.constant 2 : i32
    %mul3A_0 = arith.muli %arg1, %mul3A : i32
    %add3A = arith.addi %mul3A_0, %arg0 : i32
    %jit3A = arith.constant 8 : i32
    %div3A = arith.divsi %add3A, %jit3A : i32
    %sign3A = arith.constant 0 : i32
    %sign3A_1 = arith.cmpi sgt, %add3A, %sign3A : i32
    %sign3A_2 = arith.extui %sign3A_1 : i1 to i32
    %sign3A_3 = arith.constant 0 : i32
    %sign3A_4 = arith.cmpi slt, %add3A, %sign3A_3 : i32
    %sign3A_5 = arith.extui %sign3A_4 : i1 to i32
    %sign3A_6 = arith.subi %sign3A_2, %sign3A_5 : i32
    %sign3A_7 = arith.constant 0 : i32
    %sign3A_8 = arith.cmpi sgt, %jit3A, %sign3A_7 : i32
    %sign3A_9 = arith.extui %sign3A_8 : i1 to i32
    %sign3A_10 = arith.constant 0 : i32
    %sign3A_11 = arith.cmpi slt, %jit3A, %sign3A_10 : i32
    %sign3A_12 = arith.extui %sign3A_11 : i1 to i32
    %sign3A_13 = arith.subi %sign3A_9, %sign3A_12 : i32
    %ne3A = arith.cmpi ne, %sign3A_6, %sign3A_13 : i32
    %rem3A = arith.remsi %add3A, %jit3A : i32
    %ne3A_14 = arith.constant 0 : i32
    %ne3A_15 = arith.cmpi ne, %rem3A, %ne3A_14 : i32
    %and3A = arith.andi %ne3A, %ne3A_15 : i1
    %sub3A = arith.constant 1 : i32
    %sub3A_16 = arith.subi %div3A, %sub3A : i32
    %select_n3A = arith.select %and3A, %sub3A_16, %div3A : i32
    %scan3A = arith.constant 0 : i32
    %scan3A_17 = arith.constant 0 : i32
    %scan3A_18 = arith.constant 14 : i32
    %scan3A_19 = arith.addi %scan3A_17, %scan3A_18 : i32
    %scan3A_20 = arith.constant 1 : i32
    %scan3A_21 = scf.for %scan3A_30 = %scan3A_17 to %scan3A_19 step %scan3A_20 iter_args(%scan3A_31 = %scan3A) -> (i32)  : i32 {
      %iota3A = tpu.iota {dimensions = array<i32: 0>} : vector<16xi32>
      %mul3A_32 = arith.constant 16 : i32
      %mul3A_33 = arith.muli %scan3A_30, %mul3A_32 : i32
      %add3A_34 = vector.broadcast %mul3A_33 : i32 to vector<16xi32>
      %add3A_35 = arith.addi %iota3A, %add3A_34 : vector<16xi32>
      %convert_element_type3A = arith.sitofp %add3A_35 : vector<16xi32> to vector<16xf32>
      %mul3A_36 = arith.constant 1.0044843 : f32
      %mul3A_37 = vector.broadcast %mul3A_36 : f32 to vector<16xf32>
      %mul3A_38 = arith.mulf %convert_element_type3A, %mul3A_37 : vector<16xf32>
      %sub3A_39 = arith.constant 5.000000e-01 : f32
      %sub3A_40 = vector.broadcast %sub3A_39 : f32 to vector<16xf32>
      %sub3A_41 = arith.subf %mul3A_38, %sub3A_40 : vector<16xf32>
      %mul3A_42 = arith.constant 16 : i32
      %mul3A_43 = arith.muli %scan3A_30, %mul3A_42 : i32
      %swap3A = arith.index_cast %mul3A_43 : i32 to index
      %swap3A_44 = tpu.vector_load %arg11[%swap3A] {strides = array<i32>} : memref<224xf32, #tpu.memory_space<vmem>>, vector<16xf32>,
      tpu.vector_store %arg11[%swap3A], %sub3A_41 {strides = array<i32>} : memref<224xf32, #tpu.memory_space<vmem>>, vector<16xf32>,
      %scan3A_45 = arith.constant 0 : i32
      scf.yield %scan3A_45 : i32
    }
    %scan3A_22 = arith.constant 14 : i32
    %scan3A_23 = arith.constant 0 : i32
    %scan3A_24 = arith.constant 0 : i32
    %scan3A_25 = arith.constant 12 : i32
    %scan3A_26 = arith.addi %scan3A_24, %scan3A_25 : i32
    %scan3A_27 = arith.constant 1 : i32
    %scan3A_28 = scf.for %scan3A_30 = %scan3A_24 to %scan3A_26 step %scan3A_27 iter_args(%scan3A_31 = %scan3A_23) -> (i32)  : i32 {
      %mul3A_32 = arith.constant 24 : i32
      %mul3A_33 = arith.muli %add3A, %mul3A_32 : i32
      %mul3A_34 = arith.constant 2 : i32
      %mul3A_35 = arith.muli %scan3A_30, %mul3A_34 : i32
      %add3A_36 = arith.addi %mul3A_33, %mul3A_35 : i32
      %dma_start3A = arith.constant 0 : i32
      %dma_start3A_37 = arith.constant 0 : i32
      %dma_start3A_38 = tpu.memref_slice %arg3[%select_n3A, %dma_start3A, %dma_start3A_37] : memref<4x2x50176xf32, #tpu.memory_space<hbm>> -> memref<1x2x1792xf32, #tpu.memory_space<hbm>>
      %dma_start3A_39 = tpu.memref_squeeze %dma_start3A_38 : memref<1x2x1792xf32, #tpu.memory_space<hbm>> -> memref<2x1792xf32, #tpu.memory_space<hbm>>
      %dma_start3A_40 = arith.constant 0 : i32
      %dma_start3A_41 = arith.constant 0 : i32
      %dma_start3A_42 = tpu.memref_slice %arg3[%select_n3A, %dma_start3A_40, %dma_start3A_41] : memref<4x2x50176xf32, #tpu.memory_space<hbm>> -> memref<1x2x1792xf32, #tpu.memory_space<hbm>>
      %dma_start3A_43 = tpu.memref_squeeze %dma_start3A_42 : memref<1x2x1792xf32, #tpu.memory_space<hbm>> -> memref<2x1792xf32, #tpu.memory_space<hbm>>
      tpu.enqueue_dma source(%dma_start3A_43 : memref<2x1792xf32, #tpu.memory_space<hbm>>) target(%arg7 : memref<2x1792xf32, #tpu.memory_space<vmem>>) target_semaphore(%arg13 : memref<!tpu.dma_semaphore, #tpu.memory_space<semaphore_mem>>)
      %dma_start3A_44 = arith.constant 0 : i32
      %dma_start3A_45 = arith.constant 0 : i32
      %dma_start3A_46 = tpu.memref_slice %arg2[%add3A_36, %dma_start3A_44, %dma_start3A_45] : memref<768x224x224xf32, #tpu.memory_space<hbm>> -> memref<1x224x224xf32, #tpu.memory_space<hbm>>
      %dma_start3A_47 = tpu.memref_squeeze %dma_start3A_46 : memref<1x224x224xf32, #tpu.memory_space<hbm>> -> memref<224x224xf32, #tpu.memory_space<hbm>>
      %dma_start3A_48 = arith.constant 0 : i32
      %dma_start3A_49 = arith.constant 0 : i32
      %dma_start3A_50 = tpu.memref_slice %arg2[%add3A_36, %dma_start3A_48, %dma_start3A_49] : memref<768x224x224xf32, #tpu.memory_space<hbm>> -> memref<1x224x224xf32, #tpu.memory_space<hbm>>
      %dma_start3A_51 = tpu.memref_squeeze %dma_start3A_50 : memref<1x224x224xf32, #tpu.memory_space<hbm>> -> memref<224x224xf32, #tpu.memory_space<hbm>>
      tpu.enqueue_dma source(%dma_start3A_51 : memref<224x224xf32, #tpu.memory_space<hbm>>) target(%arg5 : memref<224x224xf32, #tpu.memory_space<vmem>>) target_semaphore(%arg12 : memref<!tpu.dma_semaphore, #tpu.memory_space<semaphore_mem>>)
      %add3A_52 = arith.constant 1 : i32
      %add3A_53 = arith.addi %add3A_36, %add3A_52 : i32
      %dma_start3A_54 = arith.constant 0 : i32
      %dma_start3A_55 = arith.constant 0 : i32
      %dma_start3A_56 = tpu.memref_slice %arg2[%add3A_53, %dma_start3A_54, %dma_start3A_55] : memref<768x224x224xf32, #tpu.memory_space<hbm>> -> memref<1x224x224xf32, #tpu.memory_space<hbm>>
      %dma_start3A_57 = tpu.memref_squeeze %dma_start3A_56 : memref<1x224x224xf32, #tpu.memory_space<hbm>> -> memref<224x224xf32, #tpu.memory_space<hbm>>
      %dma_start3A_58 = arith.constant 0 : i32
      %dma_start3A_59 = arith.constant 0 : i32
      %dma_start3A_60 = tpu.memref_slice %arg2[%add3A_53, %dma_start3A_58, %dma_start3A_59] : memref<768x224x224xf32, #tpu.memory_space<hbm>> -> memref<1x224x224xf32, #tpu.memory_space<hbm>>
      %dma_start3A_61 = tpu.memref_squeeze %dma_start3A_60 : memref<1x224x224xf32, #tpu.memory_space<hbm>> -> memref<224x224xf32, #tpu.memory_space<hbm>>
      tpu.enqueue_dma source(%dma_start3A_61 : memref<224x224xf32, #tpu.memory_space<hbm>>) target(%arg6 : memref<224x224xf32, #tpu.memory_space<vmem>>) target_semaphore(%arg12 : memref<!tpu.dma_semaphore, #tpu.memory_space<semaphore_mem>>)
      %dma_wait3A = arith.constant 0 : i32
      %dma_wait3A_62 = arith.constant 0 : i32
      %dma_wait3A_63 = tpu.memref_slice %arg2[%add3A_36, %dma_wait3A, %dma_wait3A_62] : memref<768x224x224xf32, #tpu.memory_space<hbm>> -> memref<1x224x224xf32, #tpu.memory_space<hbm>>
      %dma_wait3A_64 = tpu.memref_squeeze %dma_wait3A_63 : memref<1x224x224xf32, #tpu.memory_space<hbm>> -> memref<224x224xf32, #tpu.memory_space<hbm>>
      %dma_wait3A_65 = arith.constant 0 : i32
      %dma_wait3A_66 = arith.constant 0 : i32
      %dma_wait3A_67 = tpu.memref_slice %arg2[%add3A_36, %dma_wait3A_65, %dma_wait3A_66] : memref<768x224x224xf32, #tpu.memory_space<hbm>> -> memref<1x224x224xf32, #tpu.memory_space<hbm>>
      %dma_wait3A_68 = tpu.memref_squeeze %dma_wait3A_67 : memref<1x224x224xf32, #tpu.memory_space<hbm>> -> memref<224x224xf32, #tpu.memory_space<hbm>>
      tpu.wait_dma2 semaphore(%arg12 : memref<!tpu.dma_semaphore, #tpu.memory_space<semaphore_mem>>) src(%dma_wait3A_68 : memref<224x224xf32, #tpu.memory_space<hbm>>) dst(%arg5 : memref<224x224xf32, #tpu.memory_space<vmem>>)
      %add3A_69 = arith.constant 1 : i32
      %add3A_70 = arith.addi %add3A_36, %add3A_69 : i32
      %dma_wait3A_71 = arith.constant 0 : i32
      %dma_wait3A_72 = arith.constant 0 : i32
      %dma_wait3A_73 = tpu.memref_slice %arg2[%add3A_70, %dma_wait3A_71, %dma_wait3A_72] : memref<768x224x224xf32, #tpu.memory_space<hbm>> -> memref<1x224x224xf32, #tpu.memory_space<hbm>>
      %dma_wait3A_74 = tpu.memref_squeeze %dma_wait3A_73 : memref<1x224x224xf32, #tpu.memory_space<hbm>> -> memref<224x224xf32, #tpu.memory_space<hbm>>
      %dma_wait3A_75 = arith.constant 0 : i32
      %dma_wait3A_76 = arith.constant 0 : i32
      %dma_wait3A_77 = tpu.memref_slice %arg2[%add3A_70, %dma_wait3A_75, %dma_wait3A_76] : memref<768x224x224xf32, #tpu.memory_space<hbm>> -> memref<1x224x224xf32, #tpu.memory_space<hbm>>
      %dma_wait3A_78 = tpu.memref_squeeze %dma_wait3A_77 : memref<1x224x224xf32, #tpu.memory_space<hbm>> -> memref<224x224xf32, #tpu.memory_space<hbm>>
      tpu.wait_dma2 semaphore(%arg12 : memref<!tpu.dma_semaphore, #tpu.memory_space<semaphore_mem>>) src(%dma_wait3A_78 : memref<224x224xf32, #tpu.memory_space<hbm>>) dst(%arg6 : memref<224x224xf32, #tpu.memory_space<vmem>>)
      %scan3A_79 = arith.constant 0 : i32
      %scan3A_80 = arith.constant 0 : i32
      %scan3A_81 = arith.constant 14 : i32
      %scan3A_82 = arith.addi %scan3A_80, %scan3A_81 : i32
      %scan3A_83 = arith.constant 1 : i32
      %scan3A_84 = scf.for %scan3A_99 = %scan3A_80 to %scan3A_82 step %scan3A_83 iter_args(%scan3A_100 = %scan3A_79) -> (i32)  : i32 {
        %mul3A_101 = arith.constant 2 : i32
        %mul3A_102 = arith.muli %scan3A_99, %mul3A_101 : i32
        %mul3A_103 = arith.constant 2 : i32
        %mul3A_104 = arith.muli %scan3A_99, %mul3A_103 : i32
        %add3A_105 = arith.constant 1 : i32
        %add3A_106 = arith.addi %mul3A_104, %add3A_105 : i32
        %mul3A_107 = arith.constant 1792 : i32
        %mul3A_108 = arith.muli %add3A_106, %mul3A_107 : i32
        %dma_start3A_109 = arith.constant 0 : i32
        %dma_start3A_110 = tpu.memref_slice %arg3[%select_n3A, %dma_start3A_109, %mul3A_108] : memref<4x2x50176xf32, #tpu.memory_space<hbm>> -> memref<1x2x1792xf32, #tpu.memory_space<hbm>>
        %dma_start3A_111 = tpu.memref_squeeze %dma_start3A_110 : memref<1x2x1792xf32, #tpu.memory_space<hbm>> -> memref<2x1792xf32, #tpu.memory_space<hbm>>
        %dma_start3A_112 = arith.constant 0 : i32
        %dma_start3A_113 = tpu.memref_slice %arg3[%select_n3A, %dma_start3A_112, %mul3A_108] : memref<4x2x50176xf32, #tpu.memory_space<hbm>> -> memref<1x2x1792xf32, #tpu.memory_space<hbm>>
        %dma_start3A_114 = tpu.memref_squeeze %dma_start3A_113 : memref<1x2x1792xf32, #tpu.memory_space<hbm>> -> memref<2x1792xf32, #tpu.memory_space<hbm>>
        tpu.enqueue_dma source(%dma_start3A_114 : memref<2x1792xf32, #tpu.memory_space<hbm>>) target(%arg8 : memref<2x1792xf32, #tpu.memory_space<vmem>>) target_semaphore(%arg14 : memref<!tpu.dma_semaphore, #tpu.memory_space<semaphore_mem>>)
        %mul3A_115 = arith.constant 1792 : i32
        %mul3A_116 = arith.muli %mul3A_102, %mul3A_115 : i32
        %dma_wait3A_117 = arith.constant 0 : i32
        %dma_wait3A_118 = tpu.memref_slice %arg3[%select_n3A, %dma_wait3A_117, %mul3A_116] : memref<4x2x50176xf32, #tpu.memory_space<hbm>> -> memref<1x2x1792xf32, #tpu.memory_space<hbm>>
        %dma_wait3A_119 = tpu.memref_squeeze %dma_wait3A_118 : memref<1x2x1792xf32, #tpu.memory_space<hbm>> -> memref<2x1792xf32, #tpu.memory_space<hbm>>
        %dma_wait3A_120 = arith.constant 0 : i32
        %dma_wait3A_121 = tpu.memref_slice %arg3[%select_n3A, %dma_wait3A_120, %mul3A_116] : memref<4x2x50176xf32, #tpu.memory_space<hbm>> -> memref<1x2x1792xf32, #tpu.memory_space<hbm>>
        %dma_wait3A_122 = tpu.memref_squeeze %dma_wait3A_121 : memref<1x2x1792xf32, #tpu.memory_space<hbm>> -> memref<2x1792xf32, #tpu.memory_space<hbm>>
        tpu.wait_dma2 semaphore(%arg13 : memref<!tpu.dma_semaphore, #tpu.memory_space<semaphore_mem>>) src(%dma_wait3A_122 : memref<2x1792xf32, #tpu.memory_space<hbm>>) dst(%arg7 : memref<2x1792xf32, #tpu.memory_space<vmem>>)
        %gt3A = arith.constant 0 : i32
        %gt3A_123 = arith.cmpi sgt, %scan3A_99, %gt3A : i32
        %convert_element_type3A = arith.extui %gt3A_123 : i1 to i32
        %cond3A = arith.constant 0 : i32
        %cond3A_124 = arith.cmpi ne, %convert_element_type3A, %cond3A : i32
        scf.if %cond3A_124 {
          %sub3A_160 = arith.constant 2 : i32
          %sub3A_161 = arith.subi %mul3A_102, %sub3A_160 : i32
          %mul3A_162 = arith.constant 8 : i32
          %mul3A_163 = arith.muli %sub3A_161, %mul3A_162 : i32
          %dma_wait3A_164 = arith.constant 0 : i32
          %dma_wait3A_165 = tpu.memref_slice %arg4[%add3A_36, %mul3A_163, %dma_wait3A_164] : memref<768x224x224xf32, #tpu.memory_space<hbm>> -> memref<2x8x224xf32, #tpu.memory_space<hbm>>
          %dma_wait3A_166 = arith.constant 0 : i32
          %dma_wait3A_167 = tpu.memref_slice %arg4[%add3A_36, %mul3A_163, %dma_wait3A_166] : memref<768x224x224xf32, #tpu.memory_space<hbm>> -> memref<2x8x224xf32, #tpu.memory_space<hbm>>
          tpu.wait_dma2 semaphore(%arg15 : memref<!tpu.dma_semaphore, #tpu.memory_space<semaphore_mem>>) src(%arg9 : memref<2x8x224xf32, #tpu.memory_space<vmem>>) dst(%dma_wait3A_167 : memref<2x8x224xf32, #tpu.memory_space<hbm>>)
        } else {
        }
        %parallel_loop3A = arith.constant 0 : i32
        %parallel_loop3A_125 = arith.constant 112 : i32
        %parallel_loop3A_126 = arith.constant 1 : i32
        scf.for %parallel_loop3A_160 = %parallel_loop3A to %parallel_loop3A_125 step %parallel_loop3A_126  : i32 {
          %parallel_loop3A_161 = arith.constant 18725 : i32
          %parallel_loop3A_162 = arith.muli %parallel_loop3A_160, %parallel_loop3A_161 : i32
          %parallel_loop3A_163 = arith.constant 18 : i32
          %parallel_loop3A_164 = arith.shrsi %parallel_loop3A_162, %parallel_loop3A_163 : i32
          %parallel_loop3A_165 = arith.constant 14 : i32
          %parallel_loop3A_166 = arith.muli %parallel_loop3A_164, %parallel_loop3A_165 : i32
          %parallel_loop3A_167 = arith.subi %parallel_loop3A_160, %parallel_loop3A_166 : i32
          %parallel_loop3A_168 = arith.constant 8 : i32
          %parallel_loop3A_169 = arith.muli %mul3A_102, %parallel_loop3A_168 : i32
          %parallel_loop3A_170 = arith.addi %parallel_loop3A_169, %parallel_loop3A_164 : i32
          %parallel_loop3A_171 = arith.constant 16 : i32
          %parallel_loop3A_172 = arith.muli %parallel_loop3A_160, %parallel_loop3A_171 : i32
          %parallel_loop3A_173 = arith.constant 0 : i32
          %parallel_loop3A_174 = arith.index_cast %parallel_loop3A_173 : i32 to index
          %parallel_loop3A_175 = arith.index_cast %parallel_loop3A_172 : i32 to index
          %parallel_loop3A_176 = tpu.vector_load %arg7[%parallel_loop3A_174, %parallel_loop3A_175] {strides = array<i32>} : memref<2x1792xf32, #tpu.memory_space<vmem>>, vector<16xf32>,
          %parallel_loop3A_177 = arith.constant 1 : i32
          %parallel_loop3A_178 = arith.index_cast %parallel_loop3A_177 : i32 to index
          %parallel_loop3A_179 = arith.index_cast %parallel_loop3A_172 : i32 to index
          %parallel_loop3A_180 = tpu.vector_load %arg7[%parallel_loop3A_178, %parallel_loop3A_179] {strides = array<i32>} : memref<2x1792xf32, #tpu.memory_space<vmem>>, vector<16xf32>,
          %parallel_loop3A_181 = arith.constant 16 : i32
          %parallel_loop3A_182 = arith.muli %parallel_loop3A_167, %parallel_loop3A_181 : i32
          %parallel_loop3A_183 = arith.index_cast %parallel_loop3A_182 : i32 to index
          %parallel_loop3A_184 = tpu.vector_load %arg11[%parallel_loop3A_183] {strides = array<i32>} : memref<224xf32, #tpu.memory_space<vmem>>, vector<16xf32>,
          %parallel_loop3A_185 = arith.constant 1.0044843 : f32
          %parallel_loop3A_186 = vector.broadcast %parallel_loop3A_185 : f32 to vector<16xf32>
          %parallel_loop3A_187 = arith.mulf %parallel_loop3A_176, %parallel_loop3A_186 : vector<16xf32>
          %parallel_loop3A_188 = arith.addf %parallel_loop3A_184, %parallel_loop3A_187 : vector<16xf32>
          %parallel_loop3A_189 = arith.sitofp %parallel_loop3A_170 : i32 to f32
          %parallel_loop3A_190 = arith.constant 1.0044843 : f32
          %parallel_loop3A_191 = arith.mulf %parallel_loop3A_189, %parallel_loop3A_190 : f32
          %parallel_loop3A_192 = arith.constant 5.000000e-01 : f32
          %parallel_loop3A_193 = arith.subf %parallel_loop3A_191, %parallel_loop3A_192 : f32
          %parallel_loop3A_194 = vector.broadcast %parallel_loop3A_193 : f32 to vector<16xf32>
          %parallel_loop3A_195 = arith.constant 1.0044843 : f32
          %parallel_loop3A_196 = vector.broadcast %parallel_loop3A_195 : f32 to vector<16xf32>
          %parallel_loop3A_197 = arith.mulf %parallel_loop3A_180, %parallel_loop3A_196 : vector<16xf32>
          %parallel_loop3A_198 = arith.addf %parallel_loop3A_194, %parallel_loop3A_197 : vector<16xf32>
          %parallel_loop3A_199 = arith.fptosi %parallel_loop3A_188 : vector<16xf32> to vector<16xi32>
          %parallel_loop3A_200 = arith.sitofp %parallel_loop3A_199 : vector<16xi32> to vector<16xf32>
          %parallel_loop3A_201 = arith.cmpf ogt, %parallel_loop3A_200, %parallel_loop3A_188 : vector<16xf32>
          %parallel_loop3A_202 = arith.constant 1 : i32
          %parallel_loop3A_203 = arith.constant 0 : i32
          %parallel_loop3A_204 = vector.broadcast %parallel_loop3A_202 : i32 to vector<16xi32>
          %parallel_loop3A_205 = vector.broadcast %parallel_loop3A_203 : i32 to vector<16xi32>
          %parallel_loop3A_206 = arith.select %parallel_loop3A_201, %parallel_loop3A_204, %parallel_loop3A_205 : vector<16xi1>, vector<16xi32>
          %parallel_loop3A_207 = arith.subi %parallel_loop3A_199, %parallel_loop3A_206 : vector<16xi32>
          %parallel_loop3A_208 = arith.sitofp %parallel_loop3A_207 : vector<16xi32> to vector<16xf32>
          %parallel_loop3A_209 = arith.fptosi %parallel_loop3A_198 : vector<16xf32> to vector<16xi32>
          %parallel_loop3A_210 = arith.sitofp %parallel_loop3A_209 : vector<16xi32> to vector<16xf32>
          %parallel_loop3A_211 = arith.cmpf ogt, %parallel_loop3A_210, %parallel_loop3A_198 : vector<16xf32>
          %parallel_loop3A_212 = arith.constant 1 : i32
          %parallel_loop3A_213 = arith.constant 0 : i32
          %parallel_loop3A_214 = vector.broadcast %parallel_loop3A_212 : i32 to vector<16xi32>
          %parallel_loop3A_215 = vector.broadcast %parallel_loop3A_213 : i32 to vector<16xi32>
          %parallel_loop3A_216 = arith.select %parallel_loop3A_211, %parallel_loop3A_214, %parallel_loop3A_215 : vector<16xi1>, vector<16xi32>
          %parallel_loop3A_217 = arith.subi %parallel_loop3A_209, %parallel_loop3A_216 : vector<16xi32>
          %parallel_loop3A_218 = arith.sitofp %parallel_loop3A_217 : vector<16xi32> to vector<16xf32>
          %parallel_loop3A_219 = arith.subf %parallel_loop3A_188, %parallel_loop3A_208 : vector<16xf32>
          %parallel_loop3A_220 = arith.subf %parallel_loop3A_198, %parallel_loop3A_218 : vector<16xf32>
          %parallel_loop3A_221 = arith.constant 0 : i32
          %parallel_loop3A_222 = vector.broadcast %parallel_loop3A_221 : i32 to vector<16xi32>
          %parallel_loop3A_223 = arith.maxsi %parallel_loop3A_207, %parallel_loop3A_222 : vector<16xi32>
          %parallel_loop3A_224 = arith.constant 223 : i32
          %parallel_loop3A_225 = vector.broadcast %parallel_loop3A_224 : i32 to vector<16xi32>
          %parallel_loop3A_226 = arith.minsi %parallel_loop3A_223, %parallel_loop3A_225 : vector<16xi32>
          %parallel_loop3A_227 = arith.constant 1 : i32
          %parallel_loop3A_228 = vector.broadcast %parallel_loop3A_227 : i32 to vector<16xi32>
          %parallel_loop3A_229 = arith.addi %parallel_loop3A_207, %parallel_loop3A_228 : vector<16xi32>
          %parallel_loop3A_230 = arith.constant 0 : i32
          %parallel_loop3A_231 = vector.broadcast %parallel_loop3A_230 : i32 to vector<16xi32>
          %parallel_loop3A_232 = arith.maxsi %parallel_loop3A_229, %parallel_loop3A_231 : vector<16xi32>
          %parallel_loop3A_233 = arith.constant 223 : i32
          %parallel_loop3A_234 = vector.broadcast %parallel_loop3A_233 : i32 to vector<16xi32>
          %parallel_loop3A_235 = arith.minsi %parallel_loop3A_232, %parallel_loop3A_234 : vector<16xi32>
          %parallel_loop3A_236 = arith.constant 0 : i32
          %parallel_loop3A_237 = vector.broadcast %parallel_loop3A_236 : i32 to vector<16xi32>
          %parallel_loop3A_238 = arith.maxsi %parallel_loop3A_217, %parallel_loop3A_237 : vector<16xi32>
          %parallel_loop3A_239 = arith.constant 223 : i32
          %parallel_loop3A_240 = vector.broadcast %parallel_loop3A_239 : i32 to vector<16xi32>
          %parallel_loop3A_241 = arith.minsi %parallel_loop3A_238, %parallel_loop3A_240 : vector<16xi32>
          %parallel_loop3A_242 = arith.constant 1 : i32
          %parallel_loop3A_243 = vector.broadcast %parallel_loop3A_242 : i32 to vector<16xi32>
          %parallel_loop3A_244 = arith.addi %parallel_loop3A_217, %parallel_loop3A_243 : vector<16xi32>
          %parallel_loop3A_245 = arith.constant 0 : i32
          %parallel_loop3A_246 = vector.broadcast %parallel_loop3A_245 : i32 to vector<16xi32>
          %parallel_loop3A_247 = arith.maxsi %parallel_loop3A_244, %parallel_loop3A_246 : vector<16xi32>
          %parallel_loop3A_248 = arith.constant 223 : i32
          %parallel_loop3A_249 = vector.broadcast %parallel_loop3A_248 : i32 to vector<16xi32>
          %parallel_loop3A_250 = arith.minsi %parallel_loop3A_247, %parallel_loop3A_249 : vector<16xi32>
          %parallel_loop3A_251 = arith.constant 0.000000e+00 : f32
          %parallel_loop3A_252 = vector.broadcast %parallel_loop3A_251 : f32 to vector<16xf32>
          %parallel_loop3A_253 = arith.constant 0.000000e+00 : f32
          %parallel_loop3A_254 = vector.broadcast %parallel_loop3A_253 : f32 to vector<16xf32>
          %parallel_loop3A_255 = arith.cmpf oge, %parallel_loop3A_208, %parallel_loop3A_254 : vector<16xf32>
          %parallel_loop3A_256 = arith.constant 2.230000e+02 : f32
          %parallel_loop3A_257 = vector.broadcast %parallel_loop3A_256 : f32 to vector<16xf32>
          %parallel_loop3A_258 = arith.cmpf ole, %parallel_loop3A_208, %parallel_loop3A_257 : vector<16xf32>
          %parallel_loop3A_259 = arith.andi %parallel_loop3A_255, %parallel_loop3A_258 : vector<16xi1>
          %parallel_loop3A_260 = arith.constant 1.000000e+00 : f32
          %parallel_loop3A_261 = vector.broadcast %parallel_loop3A_260 : f32 to vector<16xf32>
          %parallel_loop3A_262 = arith.subf %parallel_loop3A_261, %parallel_loop3A_219 : vector<16xf32>
          %parallel_loop3A_263 = arith.select %parallel_loop3A_259, %parallel_loop3A_262, %parallel_loop3A_252 : vector<16xi1>, vector<16xf32>
          %parallel_loop3A_264 = arith.constant -1.000000e+00 : f32
          %parallel_loop3A_265 = vector.broadcast %parallel_loop3A_264 : f32 to vector<16xf32>
          %parallel_loop3A_266 = arith.cmpf oge, %parallel_loop3A_208, %parallel_loop3A_265 : vector<16xf32>
          %parallel_loop3A_267 = arith.constant 2.220000e+02 : f32
          %parallel_loop3A_268 = vector.broadcast %parallel_loop3A_267 : f32 to vector<16xf32>
          %parallel_loop3A_269 = arith.cmpf ole, %parallel_loop3A_208, %parallel_loop3A_268 : vector<16xf32>
          %parallel_loop3A_270 = arith.andi %parallel_loop3A_266, %parallel_loop3A_269 : vector<16xi1>
          %parallel_loop3A_271 = arith.select %parallel_loop3A_270, %parallel_loop3A_219, %parallel_loop3A_252 : vector<16xi1>, vector<16xf32>
          %parallel_loop3A_272 = arith.constant 0.000000e+00 : f32
          %parallel_loop3A_273 = vector.broadcast %parallel_loop3A_272 : f32 to vector<16xf32>
          %parallel_loop3A_274 = arith.cmpf oge, %parallel_loop3A_218, %parallel_loop3A_273 : vector<16xf32>
          %parallel_loop3A_275 = arith.constant 2.230000e+02 : f32
          %parallel_loop3A_276 = vector.broadcast %parallel_loop3A_275 : f32 to vector<16xf32>
          %parallel_loop3A_277 = arith.cmpf ole, %parallel_loop3A_218, %parallel_loop3A_276 : vector<16xf32>
          %parallel_loop3A_278 = arith.andi %parallel_loop3A_274, %parallel_loop3A_277 : vector<16xi1>
          %parallel_loop3A_279 = arith.constant 1.000000e+00 : f32
          %parallel_loop3A_280 = vector.broadcast %parallel_loop3A_279 : f32 to vector<16xf32>
          %parallel_loop3A_281 = arith.subf %parallel_loop3A_280, %parallel_loop3A_220 : vector<16xf32>
          %parallel_loop3A_282 = arith.select %parallel_loop3A_278, %parallel_loop3A_281, %parallel_loop3A_252 : vector<16xi1>, vector<16xf32>
          %parallel_loop3A_283 = arith.constant -1.000000e+00 : f32
          %parallel_loop3A_284 = vector.broadcast %parallel_loop3A_283 : f32 to vector<16xf32>
          %parallel_loop3A_285 = arith.cmpf oge, %parallel_loop3A_218, %parallel_loop3A_284 : vector<16xf32>
          %parallel_loop3A_286 = arith.constant 2.220000e+02 : f32
          %parallel_loop3A_287 = vector.broadcast %parallel_loop3A_286 : f32 to vector<16xf32>
          %parallel_loop3A_288 = arith.cmpf ole, %parallel_loop3A_218, %parallel_loop3A_287 : vector<16xf32>
          %parallel_loop3A_289 = arith.andi %parallel_loop3A_285, %parallel_loop3A_288 : vector<16xi1>
          %parallel_loop3A_290 = arith.select %parallel_loop3A_289, %parallel_loop3A_220, %parallel_loop3A_252 : vector<16xi1>, vector<16xf32>
          %parallel_loop3A_291 = tpu.vector_load_idx %arg5[%parallel_loop3A_241, %parallel_loop3A_226] : memref<224x224xf32, #tpu.memory_space<vmem>>[vector<16xi32>, vector<16xi32>], vector<16xf32>,
          %parallel_loop3A_292 = tpu.vector_load_idx %arg5[%parallel_loop3A_241, %parallel_loop3A_235] : memref<224x224xf32, #tpu.memory_space<vmem>>[vector<16xi32>, vector<16xi32>], vector<16xf32>,
          %parallel_loop3A_293 = tpu.vector_load_idx %arg5[%parallel_loop3A_250, %parallel_loop3A_226] : memref<224x224xf32, #tpu.memory_space<vmem>>[vector<16xi32>, vector<16xi32>], vector<16xf32>,
          %parallel_loop3A_294 = tpu.vector_load_idx %arg5[%parallel_loop3A_250, %parallel_loop3A_235] : memref<224x224xf32, #tpu.memory_space<vmem>>[vector<16xi32>, vector<16xi32>], vector<16xf32>,
          %parallel_loop3A_295 = arith.mulf %parallel_loop3A_291, %parallel_loop3A_263 : vector<16xf32>
          %parallel_loop3A_296 = arith.mulf %parallel_loop3A_292, %parallel_loop3A_271 : vector<16xf32>
          %parallel_loop3A_297 = arith.addf %parallel_loop3A_295, %parallel_loop3A_296 : vector<16xf32>
          %parallel_loop3A_298 = arith.mulf %parallel_loop3A_297, %parallel_loop3A_282 : vector<16xf32>
          %parallel_loop3A_299 = arith.mulf %parallel_loop3A_293, %parallel_loop3A_263 : vector<16xf32>
          %parallel_loop3A_300 = arith.mulf %parallel_loop3A_294, %parallel_loop3A_271 : vector<16xf32>
          %parallel_loop3A_301 = arith.addf %parallel_loop3A_299, %parallel_loop3A_300 : vector<16xf32>
          %parallel_loop3A_302 = arith.mulf %parallel_loop3A_301, %parallel_loop3A_290 : vector<16xf32>
          %parallel_loop3A_303 = arith.addf %parallel_loop3A_298, %parallel_loop3A_302 : vector<16xf32>
          %parallel_loop3A_304 = arith.constant 16 : i32
          %parallel_loop3A_305 = arith.muli %parallel_loop3A_167, %parallel_loop3A_304 : i32
          %parallel_loop3A_306 = arith.constant 0 : i32
          %parallel_loop3A_307 = arith.index_cast %parallel_loop3A_306 : i32 to index
          %parallel_loop3A_308 = arith.index_cast %parallel_loop3A_164 : i32 to index
          %parallel_loop3A_309 = arith.index_cast %parallel_loop3A_305 : i32 to index
          %parallel_loop3A_310 = tpu.vector_load %arg9[%parallel_loop3A_307, %parallel_loop3A_308, %parallel_loop3A_309] {strides = array<i32>} : memref<2x8x224xf32, #tpu.memory_space<vmem>>, vector<16xf32>,
          tpu.vector_store %arg9[%parallel_loop3A_307, %parallel_loop3A_308, %parallel_loop3A_309], %parallel_loop3A_303 {strides = array<i32>} : memref<2x8x224xf32, #tpu.memory_space<vmem>>, vector<16xf32>,
          %parallel_loop3A_311 = tpu.vector_load_idx %arg6[%parallel_loop3A_241, %parallel_loop3A_226] : memref<224x224xf32, #tpu.memory_space<vmem>>[vector<16xi32>, vector<16xi32>], vector<16xf32>,
          %parallel_loop3A_312 = tpu.vector_load_idx %arg6[%parallel_loop3A_241, %parallel_loop3A_235] : memref<224x224xf32, #tpu.memory_space<vmem>>[vector<16xi32>, vector<16xi32>], vector<16xf32>,
          %parallel_loop3A_313 = tpu.vector_load_idx %arg6[%parallel_loop3A_250, %parallel_loop3A_226] : memref<224x224xf32, #tpu.memory_space<vmem>>[vector<16xi32>, vector<16xi32>], vector<16xf32>,
          %parallel_loop3A_314 = tpu.vector_load_idx %arg6[%parallel_loop3A_250, %parallel_loop3A_235] : memref<224x224xf32, #tpu.memory_space<vmem>>[vector<16xi32>, vector<16xi32>], vector<16xf32>,
          %parallel_loop3A_315 = arith.mulf %parallel_loop3A_311, %parallel_loop3A_263 : vector<16xf32>
          %parallel_loop3A_316 = arith.mulf %parallel_loop3A_312, %parallel_loop3A_271 : vector<16xf32>
          %parallel_loop3A_317 = arith.addf %parallel_loop3A_315, %parallel_loop3A_316 : vector<16xf32>
          %parallel_loop3A_318 = arith.mulf %parallel_loop3A_317, %parallel_loop3A_282 : vector<16xf32>
          %parallel_loop3A_319 = arith.mulf %parallel_loop3A_313, %parallel_loop3A_263 : vector<16xf32>
          %parallel_loop3A_320 = arith.mulf %parallel_loop3A_314, %parallel_loop3A_271 : vector<16xf32>
          %parallel_loop3A_321 = arith.addf %parallel_loop3A_319, %parallel_loop3A_320 : vector<16xf32>
          %parallel_loop3A_322 = arith.mulf %parallel_loop3A_321, %parallel_loop3A_290 : vector<16xf32>
          %parallel_loop3A_323 = arith.addf %parallel_loop3A_318, %parallel_loop3A_322 : vector<16xf32>
          %parallel_loop3A_324 = arith.constant 16 : i32
          %parallel_loop3A_325 = arith.muli %parallel_loop3A_167, %parallel_loop3A_324 : i32
          %parallel_loop3A_326 = arith.constant 1 : i32
          %parallel_loop3A_327 = arith.index_cast %parallel_loop3A_326 : i32 to index
          %parallel_loop3A_328 = arith.index_cast %parallel_loop3A_164 : i32 to index
          %parallel_loop3A_329 = arith.index_cast %parallel_loop3A_325 : i32 to index
          %parallel_loop3A_330 = tpu.vector_load %arg9[%parallel_loop3A_327, %parallel_loop3A_328, %parallel_loop3A_329] {strides = array<i32>} : memref<2x8x224xf32, #tpu.memory_space<vmem>>, vector<16xf32>,
          tpu.vector_store %arg9[%parallel_loop3A_327, %parallel_loop3A_328, %parallel_loop3A_329], %parallel_loop3A_323 {strides = array<i32>} : memref<2x8x224xf32, #tpu.memory_space<vmem>>, vector<16xf32>,
        } {sc.loop_unroll_factor = 4 : i64, sc.parallel_access}
        %mul3A_127 = arith.constant 8 : i32
        %mul3A_128 = arith.muli %mul3A_102, %mul3A_127 : i32
        %dma_start3A_129 = arith.constant 0 : i32
        %dma_start3A_130 = tpu.memref_slice %arg4[%add3A_36, %mul3A_128, %dma_start3A_129] : memref<768x224x224xf32, #tpu.memory_space<hbm>> -> memref<2x8x224xf32, #tpu.memory_space<hbm>>
        %dma_start3A_131 = arith.constant 0 : i32
        %dma_start3A_132 = tpu.memref_slice %arg4[%add3A_36, %mul3A_128, %dma_start3A_131] : memref<768x224x224xf32, #tpu.memory_space<hbm>> -> memref<2x8x224xf32, #tpu.memory_space<hbm>>
        tpu.enqueue_dma source(%arg9 : memref<2x8x224xf32, #tpu.memory_space<vmem>>) target(%dma_start3A_132 : memref<2x8x224xf32, #tpu.memory_space<hbm>>) target_semaphore(%arg15 : memref<!tpu.dma_semaphore, #tpu.memory_space<semaphore_mem>>)
        %lt3A = arith.constant 13 : i32
        %lt3A_133 = arith.cmpi slt, %scan3A_99, %lt3A : i32
        %convert_element_type3A_134 = arith.extui %lt3A_133 : i1 to i32
        %cond3A_135 = arith.constant 0 : i32
        %cond3A_136 = arith.cmpi ne, %convert_element_type3A_134, %cond3A_135 : i32
        scf.if %cond3A_136 {
          %add3A_160 = arith.constant 2 : i32
          %add3A_161 = arith.addi %mul3A_102, %add3A_160 : i32
          %mul3A_162 = arith.constant 1792 : i32
          %mul3A_163 = arith.muli %add3A_161, %mul3A_162 : i32
          %dma_start3A_164 = arith.constant 0 : i32
          %dma_start3A_165 = tpu.memref_slice %arg3[%select_n3A, %dma_start3A_164, %mul3A_163] : memref<4x2x50176xf32, #tpu.memory_space<hbm>> -> memref<1x2x1792xf32, #tpu.memory_space<hbm>>
          %dma_start3A_166 = tpu.memref_squeeze %dma_start3A_165 : memref<1x2x1792xf32, #tpu.memory_space<hbm>> -> memref<2x1792xf32, #tpu.memory_space<hbm>>
          %dma_start3A_167 = arith.constant 0 : i32
          %dma_start3A_168 = tpu.memref_slice %arg3[%select_n3A, %dma_start3A_167, %mul3A_163] : memref<4x2x50176xf32, #tpu.memory_space<hbm>> -> memref<1x2x1792xf32, #tpu.memory_space<hbm>>
          %dma_start3A_169 = tpu.memref_squeeze %dma_start3A_168 : memref<1x2x1792xf32, #tpu.memory_space<hbm>> -> memref<2x1792xf32, #tpu.memory_space<hbm>>
          tpu.enqueue_dma source(%dma_start3A_169 : memref<2x1792xf32, #tpu.memory_space<hbm>>) target(%arg7 : memref<2x1792xf32, #tpu.memory_space<vmem>>) target_semaphore(%arg13 : memref<!tpu.dma_semaphore, #tpu.memory_space<semaphore_mem>>)
        } else {
        }
        %mul3A_137 = arith.constant 1792 : i32
        %mul3A_138 = arith.muli %add3A_106, %mul3A_137 : i32
        %dma_wait3A_139 = arith.constant 0 : i32
        %dma_wait3A_140 = tpu.memref_slice %arg3[%select_n3A, %dma_wait3A_139, %mul3A_138] : memref<4x2x50176xf32, #tpu.memory_space<hbm>> -> memref<1x2x1792xf32, #tpu.memory_space<hbm>>
        %dma_wait3A_141 = tpu.memref_squeeze %dma_wait3A_140 : memref<1x2x1792xf32, #tpu.memory_space<hbm>> -> memref<2x1792xf32, #tpu.memory_space<hbm>>
        %dma_wait3A_142 = arith.constant 0 : i32
        %dma_wait3A_143 = tpu.memref_slice %arg3[%select_n3A, %dma_wait3A_142, %mul3A_138] : memref<4x2x50176xf32, #tpu.memory_space<hbm>> -> memref<1x2x1792xf32, #tpu.memory_space<hbm>>
        %dma_wait3A_144 = tpu.memref_squeeze %dma_wait3A_143 : memref<1x2x1792xf32, #tpu.memory_space<hbm>> -> memref<2x1792xf32, #tpu.memory_space<hbm>>
        tpu.wait_dma2 semaphore(%arg14 : memref<!tpu.dma_semaphore, #tpu.memory_space<semaphore_mem>>) src(%dma_wait3A_144 : memref<2x1792xf32, #tpu.memory_space<hbm>>) dst(%arg8 : memref<2x1792xf32, #tpu.memory_space<vmem>>)
        %gt3A_145 = arith.constant 0 : i32
        %gt3A_146 = arith.cmpi sgt, %scan3A_99, %gt3A_145 : i32
        %convert_element_type3A_147 = arith.extui %gt3A_146 : i1 to i32
        %cond3A_148 = arith.constant 0 : i32
        %cond3A_149 = arith.cmpi ne, %convert_element_type3A_147, %cond3A_148 : i32
        scf.if %cond3A_149 {
          %sub3A_160 = arith.constant 2 : i32
          %sub3A_161 = arith.subi %add3A_106, %sub3A_160 : i32
          %mul3A_162 = arith.constant 8 : i32
          %mul3A_163 = arith.muli %sub3A_161, %mul3A_162 : i32
          %dma_wait3A_164 = arith.constant 0 : i32
          %dma_wait3A_165 = tpu.memref_slice %arg4[%add3A_36, %mul3A_163, %dma_wait3A_164] : memref<768x224x224xf32, #tpu.memory_space<hbm>> -> memref<2x8x224xf32, #tpu.memory_space<hbm>>
          %dma_wait3A_166 = arith.constant 0 : i32
          %dma_wait3A_167 = tpu.memref_slice %arg4[%add3A_36, %mul3A_163, %dma_wait3A_166] : memref<768x224x224xf32, #tpu.memory_space<hbm>> -> memref<2x8x224xf32, #tpu.memory_space<hbm>>
          tpu.wait_dma2 semaphore(%arg16 : memref<!tpu.dma_semaphore, #tpu.memory_space<semaphore_mem>>) src(%arg10 : memref<2x8x224xf32, #tpu.memory_space<vmem>>) dst(%dma_wait3A_167 : memref<2x8x224xf32, #tpu.memory_space<hbm>>)
        } else {
        }
        %parallel_loop3A_150 = arith.constant 0 : i32
        %parallel_loop3A_151 = arith.constant 112 : i32
        %parallel_loop3A_152 = arith.constant 1 : i32
        scf.for %parallel_loop3A_160 = %parallel_loop3A_150 to %parallel_loop3A_151 step %parallel_loop3A_152  : i32 {
          %parallel_loop3A_161 = arith.constant 18725 : i32
          %parallel_loop3A_162 = arith.muli %parallel_loop3A_160, %parallel_loop3A_161 : i32
          %parallel_loop3A_163 = arith.constant 18 : i32
          %parallel_loop3A_164 = arith.shrsi %parallel_loop3A_162, %parallel_loop3A_163 : i32
          %parallel_loop3A_165 = arith.constant 14 : i32
          %parallel_loop3A_166 = arith.muli %parallel_loop3A_164, %parallel_loop3A_165 : i32
          %parallel_loop3A_167 = arith.subi %parallel_loop3A_160, %parallel_loop3A_166 : i32
          %parallel_loop3A_168 = arith.constant 8 : i32
          %parallel_loop3A_169 = arith.muli %add3A_106, %parallel_loop3A_168 : i32
          %parallel_loop3A_170 = arith.addi %parallel_loop3A_169, %parallel_loop3A_164 : i32
          %parallel_loop3A_171 = arith.constant 16 : i32
          %parallel_loop3A_172 = arith.muli %parallel_loop3A_160, %parallel_loop3A_171 : i32
          %parallel_loop3A_173 = arith.constant 0 : i32
          %parallel_loop3A_174 = arith.index_cast %parallel_loop3A_173 : i32 to index
          %parallel_loop3A_175 = arith.index_cast %parallel_loop3A_172 : i32 to index
          %parallel_loop3A_176 = tpu.vector_load %arg8[%parallel_loop3A_174, %parallel_loop3A_175] {strides = array<i32>} : memref<2x1792xf32, #tpu.memory_space<vmem>>, vector<16xf32>,
          %parallel_loop3A_177 = arith.constant 1 : i32
          %parallel_loop3A_178 = arith.index_cast %parallel_loop3A_177 : i32 to index
          %parallel_loop3A_179 = arith.index_cast %parallel_loop3A_172 : i32 to index
          %parallel_loop3A_180 = tpu.vector_load %arg8[%parallel_loop3A_178, %parallel_loop3A_179] {strides = array<i32>} : memref<2x1792xf32, #tpu.memory_space<vmem>>, vector<16xf32>,
          %parallel_loop3A_181 = arith.constant 16 : i32
          %parallel_loop3A_182 = arith.muli %parallel_loop3A_167, %parallel_loop3A_181 : i32
          %parallel_loop3A_183 = arith.index_cast %parallel_loop3A_182 : i32 to index
          %parallel_loop3A_184 = tpu.vector_load %arg11[%parallel_loop3A_183] {strides = array<i32>} : memref<224xf32, #tpu.memory_space<vmem>>, vector<16xf32>,
          %parallel_loop3A_185 = arith.constant 1.0044843 : f32
          %parallel_loop3A_186 = vector.broadcast %parallel_loop3A_185 : f32 to vector<16xf32>
          %parallel_loop3A_187 = arith.mulf %parallel_loop3A_176, %parallel_loop3A_186 : vector<16xf32>
          %parallel_loop3A_188 = arith.addf %parallel_loop3A_184, %parallel_loop3A_187 : vector<16xf32>
          %parallel_loop3A_189 = arith.sitofp %parallel_loop3A_170 : i32 to f32
          %parallel_loop3A_190 = arith.constant 1.0044843 : f32
          %parallel_loop3A_191 = arith.mulf %parallel_loop3A_189, %parallel_loop3A_190 : f32
          %parallel_loop3A_192 = arith.constant 5.000000e-01 : f32
          %parallel_loop3A_193 = arith.subf %parallel_loop3A_191, %parallel_loop3A_192 : f32
          %parallel_loop3A_194 = vector.broadcast %parallel_loop3A_193 : f32 to vector<16xf32>
          %parallel_loop3A_195 = arith.constant 1.0044843 : f32
          %parallel_loop3A_196 = vector.broadcast %parallel_loop3A_195 : f32 to vector<16xf32>
          %parallel_loop3A_197 = arith.mulf %parallel_loop3A_180, %parallel_loop3A_196 : vector<16xf32>
          %parallel_loop3A_198 = arith.addf %parallel_loop3A_194, %parallel_loop3A_197 : vector<16xf32>
          %parallel_loop3A_199 = arith.fptosi %parallel_loop3A_188 : vector<16xf32> to vector<16xi32>
          %parallel_loop3A_200 = arith.sitofp %parallel_loop3A_199 : vector<16xi32> to vector<16xf32>
          %parallel_loop3A_201 = arith.cmpf ogt, %parallel_loop3A_200, %parallel_loop3A_188 : vector<16xf32>
          %parallel_loop3A_202 = arith.constant 1 : i32
          %parallel_loop3A_203 = arith.constant 0 : i32
          %parallel_loop3A_204 = vector.broadcast %parallel_loop3A_202 : i32 to vector<16xi32>
          %parallel_loop3A_205 = vector.broadcast %parallel_loop3A_203 : i32 to vector<16xi32>
          %parallel_loop3A_206 = arith.select %parallel_loop3A_201, %parallel_loop3A_204, %parallel_loop3A_205 : vector<16xi1>, vector<16xi32>
          %parallel_loop3A_207 = arith.subi %parallel_loop3A_199, %parallel_loop3A_206 : vector<16xi32>
          %parallel_loop3A_208 = arith.sitofp %parallel_loop3A_207 : vector<16xi32> to vector<16xf32>
          %parallel_loop3A_209 = arith.fptosi %parallel_loop3A_198 : vector<16xf32> to vector<16xi32>
          %parallel_loop3A_210 = arith.sitofp %parallel_loop3A_209 : vector<16xi32> to vector<16xf32>
          %parallel_loop3A_211 = arith.cmpf ogt, %parallel_loop3A_210, %parallel_loop3A_198 : vector<16xf32>
          %parallel_loop3A_212 = arith.constant 1 : i32
          %parallel_loop3A_213 = arith.constant 0 : i32
          %parallel_loop3A_214 = vector.broadcast %parallel_loop3A_212 : i32 to vector<16xi32>
          %parallel_loop3A_215 = vector.broadcast %parallel_loop3A_213 : i32 to vector<16xi32>
          %parallel_loop3A_216 = arith.select %parallel_loop3A_211, %parallel_loop3A_214, %parallel_loop3A_215 : vector<16xi1>, vector<16xi32>
          %parallel_loop3A_217 = arith.subi %parallel_loop3A_209, %parallel_loop3A_216 : vector<16xi32>
          %parallel_loop3A_218 = arith.sitofp %parallel_loop3A_217 : vector<16xi32> to vector<16xf32>
          %parallel_loop3A_219 = arith.subf %parallel_loop3A_188, %parallel_loop3A_208 : vector<16xf32>
          %parallel_loop3A_220 = arith.subf %parallel_loop3A_198, %parallel_loop3A_218 : vector<16xf32>
          %parallel_loop3A_221 = arith.constant 0 : i32
          %parallel_loop3A_222 = vector.broadcast %parallel_loop3A_221 : i32 to vector<16xi32>
          %parallel_loop3A_223 = arith.maxsi %parallel_loop3A_207, %parallel_loop3A_222 : vector<16xi32>
          %parallel_loop3A_224 = arith.constant 223 : i32
          %parallel_loop3A_225 = vector.broadcast %parallel_loop3A_224 : i32 to vector<16xi32>
          %parallel_loop3A_226 = arith.minsi %parallel_loop3A_223, %parallel_loop3A_225 : vector<16xi32>
          %parallel_loop3A_227 = arith.constant 1 : i32
          %parallel_loop3A_228 = vector.broadcast %parallel_loop3A_227 : i32 to vector<16xi32>
          %parallel_loop3A_229 = arith.addi %parallel_loop3A_207, %parallel_loop3A_228 : vector<16xi32>
          %parallel_loop3A_230 = arith.constant 0 : i32
          %parallel_loop3A_231 = vector.broadcast %parallel_loop3A_230 : i32 to vector<16xi32>
          %parallel_loop3A_232 = arith.maxsi %parallel_loop3A_229, %parallel_loop3A_231 : vector<16xi32>
          %parallel_loop3A_233 = arith.constant 223 : i32
          %parallel_loop3A_234 = vector.broadcast %parallel_loop3A_233 : i32 to vector<16xi32>
          %parallel_loop3A_235 = arith.minsi %parallel_loop3A_232, %parallel_loop3A_234 : vector<16xi32>
          %parallel_loop3A_236 = arith.constant 0 : i32
          %parallel_loop3A_237 = vector.broadcast %parallel_loop3A_236 : i32 to vector<16xi32>
          %parallel_loop3A_238 = arith.maxsi %parallel_loop3A_217, %parallel_loop3A_237 : vector<16xi32>
          %parallel_loop3A_239 = arith.constant 223 : i32
          %parallel_loop3A_240 = vector.broadcast %parallel_loop3A_239 : i32 to vector<16xi32>
          %parallel_loop3A_241 = arith.minsi %parallel_loop3A_238, %parallel_loop3A_240 : vector<16xi32>
          %parallel_loop3A_242 = arith.constant 1 : i32
          %parallel_loop3A_243 = vector.broadcast %parallel_loop3A_242 : i32 to vector<16xi32>
          %parallel_loop3A_244 = arith.addi %parallel_loop3A_217, %parallel_loop3A_243 : vector<16xi32>
          %parallel_loop3A_245 = arith.constant 0 : i32
          %parallel_loop3A_246 = vector.broadcast %parallel_loop3A_245 : i32 to vector<16xi32>
          %parallel_loop3A_247 = arith.maxsi %parallel_loop3A_244, %parallel_loop3A_246 : vector<16xi32>
          %parallel_loop3A_248 = arith.constant 223 : i32
          %parallel_loop3A_249 = vector.broadcast %parallel_loop3A_248 : i32 to vector<16xi32>
          %parallel_loop3A_250 = arith.minsi %parallel_loop3A_247, %parallel_loop3A_249 : vector<16xi32>
          %parallel_loop3A_251 = arith.constant 0.000000e+00 : f32
          %parallel_loop3A_252 = vector.broadcast %parallel_loop3A_251 : f32 to vector<16xf32>
          %parallel_loop3A_253 = arith.constant 0.000000e+00 : f32
          %parallel_loop3A_254 = vector.broadcast %parallel_loop3A_253 : f32 to vector<16xf32>
          %parallel_loop3A_255 = arith.cmpf oge, %parallel_loop3A_208, %parallel_loop3A_254 : vector<16xf32>
          %parallel_loop3A_256 = arith.constant 2.230000e+02 : f32
          %parallel_loop3A_257 = vector.broadcast %parallel_loop3A_256 : f32 to vector<16xf32>
          %parallel_loop3A_258 = arith.cmpf ole, %parallel_loop3A_208, %parallel_loop3A_257 : vector<16xf32>
          %parallel_loop3A_259 = arith.andi %parallel_loop3A_255, %parallel_loop3A_258 : vector<16xi1>
          %parallel_loop3A_260 = arith.constant 1.000000e+00 : f32
          %parallel_loop3A_261 = vector.broadcast %parallel_loop3A_260 : f32 to vector<16xf32>
          %parallel_loop3A_262 = arith.subf %parallel_loop3A_261, %parallel_loop3A_219 : vector<16xf32>
          %parallel_loop3A_263 = arith.select %parallel_loop3A_259, %parallel_loop3A_262, %parallel_loop3A_252 : vector<16xi1>, vector<16xf32>
          %parallel_loop3A_264 = arith.constant -1.000000e+00 : f32
          %parallel_loop3A_265 = vector.broadcast %parallel_loop3A_264 : f32 to vector<16xf32>
          %parallel_loop3A_266 = arith.cmpf oge, %parallel_loop3A_208, %parallel_loop3A_265 : vector<16xf32>
          %parallel_loop3A_267 = arith.constant 2.220000e+02 : f32
          %parallel_loop3A_268 = vector.broadcast %parallel_loop3A_267 : f32 to vector<16xf32>
          %parallel_loop3A_269 = arith.cmpf ole, %parallel_loop3A_208, %parallel_loop3A_268 : vector<16xf32>
          %parallel_loop3A_270 = arith.andi %parallel_loop3A_266, %parallel_loop3A_269 : vector<16xi1>
          %parallel_loop3A_271 = arith.select %parallel_loop3A_270, %parallel_loop3A_219, %parallel_loop3A_252 : vector<16xi1>, vector<16xf32>
          %parallel_loop3A_272 = arith.constant 0.000000e+00 : f32
          %parallel_loop3A_273 = vector.broadcast %parallel_loop3A_272 : f32 to vector<16xf32>
          %parallel_loop3A_274 = arith.cmpf oge, %parallel_loop3A_218, %parallel_loop3A_273 : vector<16xf32>
          %parallel_loop3A_275 = arith.constant 2.230000e+02 : f32
          %parallel_loop3A_276 = vector.broadcast %parallel_loop3A_275 : f32 to vector<16xf32>
          %parallel_loop3A_277 = arith.cmpf ole, %parallel_loop3A_218, %parallel_loop3A_276 : vector<16xf32>
          %parallel_loop3A_278 = arith.andi %parallel_loop3A_274, %parallel_loop3A_277 : vector<16xi1>
          %parallel_loop3A_279 = arith.constant 1.000000e+00 : f32
          %parallel_loop3A_280 = vector.broadcast %parallel_loop3A_279 : f32 to vector<16xf32>
          %parallel_loop3A_281 = arith.subf %parallel_loop3A_280, %parallel_loop3A_220 : vector<16xf32>
          %parallel_loop3A_282 = arith.select %parallel_loop3A_278, %parallel_loop3A_281, %parallel_loop3A_252 : vector<16xi1>, vector<16xf32>
          %parallel_loop3A_283 = arith.constant -1.000000e+00 : f32
          %parallel_loop3A_284 = vector.broadcast %parallel_loop3A_283 : f32 to vector<16xf32>
          %parallel_loop3A_285 = arith.cmpf oge, %parallel_loop3A_218, %parallel_loop3A_284 : vector<16xf32>
          %parallel_loop3A_286 = arith.constant 2.220000e+02 : f32
          %parallel_loop3A_287 = vector.broadcast %parallel_loop3A_286 : f32 to vector<16xf32>
          %parallel_loop3A_288 = arith.cmpf ole, %parallel_loop3A_218, %parallel_loop3A_287 : vector<16xf32>
          %parallel_loop3A_289 = arith.andi %parallel_loop3A_285, %parallel_loop3A_288 : vector<16xi1>
          %parallel_loop3A_290 = arith.select %parallel_loop3A_289, %parallel_loop3A_220, %parallel_loop3A_252 : vector<16xi1>, vector<16xf32>
          %parallel_loop3A_291 = tpu.vector_load_idx %arg5[%parallel_loop3A_241, %parallel_loop3A_226] : memref<224x224xf32, #tpu.memory_space<vmem>>[vector<16xi32>, vector<16xi32>], vector<16xf32>,
          %parallel_loop3A_292 = tpu.vector_load_idx %arg5[%parallel_loop3A_241, %parallel_loop3A_235] : memref<224x224xf32, #tpu.memory_space<vmem>>[vector<16xi32>, vector<16xi32>], vector<16xf32>,
          %parallel_loop3A_293 = tpu.vector_load_idx %arg5[%parallel_loop3A_250, %parallel_loop3A_226] : memref<224x224xf32, #tpu.memory_space<vmem>>[vector<16xi32>, vector<16xi32>], vector<16xf32>,
          %parallel_loop3A_294 = tpu.vector_load_idx %arg5[%parallel_loop3A_250, %parallel_loop3A_235] : memref<224x224xf32, #tpu.memory_space<vmem>>[vector<16xi32>, vector<16xi32>], vector<16xf32>,
          %parallel_loop3A_295 = arith.mulf %parallel_loop3A_291, %parallel_loop3A_263 : vector<16xf32>
          %parallel_loop3A_296 = arith.mulf %parallel_loop3A_292, %parallel_loop3A_271 : vector<16xf32>
          %parallel_loop3A_297 = arith.addf %parallel_loop3A_295, %parallel_loop3A_296 : vector<16xf32>
          %parallel_loop3A_298 = arith.mulf %parallel_loop3A_297, %parallel_loop3A_282 : vector<16xf32>
          %parallel_loop3A_299 = arith.mulf %parallel_loop3A_293, %parallel_loop3A_263 : vector<16xf32>
          %parallel_loop3A_300 = arith.mulf %parallel_loop3A_294, %parallel_loop3A_271 : vector<16xf32>
          %parallel_loop3A_301 = arith.addf %parallel_loop3A_299, %parallel_loop3A_300 : vector<16xf32>
          %parallel_loop3A_302 = arith.mulf %parallel_loop3A_301, %parallel_loop3A_290 : vector<16xf32>
          %parallel_loop3A_303 = arith.addf %parallel_loop3A_298, %parallel_loop3A_302 : vector<16xf32>
          %parallel_loop3A_304 = arith.constant 16 : i32
          %parallel_loop3A_305 = arith.muli %parallel_loop3A_167, %parallel_loop3A_304 : i32
          %parallel_loop3A_306 = arith.constant 0 : i32
          %parallel_loop3A_307 = arith.index_cast %parallel_loop3A_306 : i32 to index
          %parallel_loop3A_308 = arith.index_cast %parallel_loop3A_164 : i32 to index
          %parallel_loop3A_309 = arith.index_cast %parallel_loop3A_305 : i32 to index
          %parallel_loop3A_310 = tpu.vector_load %arg10[%parallel_loop3A_307, %parallel_loop3A_308, %parallel_loop3A_309] {strides = array<i32>} : memref<2x8x224xf32, #tpu.memory_space<vmem>>, vector<16xf32>,
          tpu.vector_store %arg10[%parallel_loop3A_307, %parallel_loop3A_308, %parallel_loop3A_309], %parallel_loop3A_303 {strides = array<i32>} : memref<2x8x224xf32, #tpu.memory_space<vmem>>, vector<16xf32>,
          %parallel_loop3A_311 = tpu.vector_load_idx %arg6[%parallel_loop3A_241, %parallel_loop3A_226] : memref<224x224xf32, #tpu.memory_space<vmem>>[vector<16xi32>, vector<16xi32>], vector<16xf32>,
          %parallel_loop3A_312 = tpu.vector_load_idx %arg6[%parallel_loop3A_241, %parallel_loop3A_235] : memref<224x224xf32, #tpu.memory_space<vmem>>[vector<16xi32>, vector<16xi32>], vector<16xf32>,
          %parallel_loop3A_313 = tpu.vector_load_idx %arg6[%parallel_loop3A_250, %parallel_loop3A_226] : memref<224x224xf32, #tpu.memory_space<vmem>>[vector<16xi32>, vector<16xi32>], vector<16xf32>,
          %parallel_loop3A_314 = tpu.vector_load_idx %arg6[%parallel_loop3A_250, %parallel_loop3A_235] : memref<224x224xf32, #tpu.memory_space<vmem>>[vector<16xi32>, vector<16xi32>], vector<16xf32>,
          %parallel_loop3A_315 = arith.mulf %parallel_loop3A_311, %parallel_loop3A_263 : vector<16xf32>
          %parallel_loop3A_316 = arith.mulf %parallel_loop3A_312, %parallel_loop3A_271 : vector<16xf32>
          %parallel_loop3A_317 = arith.addf %parallel_loop3A_315, %parallel_loop3A_316 : vector<16xf32>
          %parallel_loop3A_318 = arith.mulf %parallel_loop3A_317, %parallel_loop3A_282 : vector<16xf32>
          %parallel_loop3A_319 = arith.mulf %parallel_loop3A_313, %parallel_loop3A_263 : vector<16xf32>
          %parallel_loop3A_320 = arith.mulf %parallel_loop3A_314, %parallel_loop3A_271 : vector<16xf32>
          %parallel_loop3A_321 = arith.addf %parallel_loop3A_319, %parallel_loop3A_320 : vector<16xf32>
          %parallel_loop3A_322 = arith.mulf %parallel_loop3A_321, %parallel_loop3A_290 : vector<16xf32>
          %parallel_loop3A_323 = arith.addf %parallel_loop3A_318, %parallel_loop3A_322 : vector<16xf32>
          %parallel_loop3A_324 = arith.constant 16 : i32
          %parallel_loop3A_325 = arith.muli %parallel_loop3A_167, %parallel_loop3A_324 : i32
          %parallel_loop3A_326 = arith.constant 1 : i32
          %parallel_loop3A_327 = arith.index_cast %parallel_loop3A_326 : i32 to index
          %parallel_loop3A_328 = arith.index_cast %parallel_loop3A_164 : i32 to index
          %parallel_loop3A_329 = arith.index_cast %parallel_loop3A_325 : i32 to index
          %parallel_loop3A_330 = tpu.vector_load %arg10[%parallel_loop3A_327, %parallel_loop3A_328, %parallel_loop3A_329] {strides = array<i32>} : memref<2x8x224xf32, #tpu.memory_space<vmem>>, vector<16xf32>,
          tpu.vector_store %arg10[%parallel_loop3A_327, %parallel_loop3A_328, %parallel_loop3A_329], %parallel_loop3A_323 {strides = array<i32>} : memref<2x8x224xf32, #tpu.memory_space<vmem>>, vector<16xf32>,
        } {sc.loop_unroll_factor = 4 : i64, sc.parallel_access}
        %mul3A_153 = arith.constant 8 : i32
        %mul3A_154 = arith.muli %add3A_106, %mul3A_153 : i32
        %dma_start3A_155 = arith.constant 0 : i32
        %dma_start3A_156 = tpu.memref_slice %arg4[%add3A_36, %mul3A_154, %dma_start3A_155] : memref<768x224x224xf32, #tpu.memory_space<hbm>> -> memref<2x8x224xf32, #tpu.memory_space<hbm>>
        %dma_start3A_157 = arith.constant 0 : i32
        %dma_start3A_158 = tpu.memref_slice %arg4[%add3A_36, %mul3A_154, %dma_start3A_157] : memref<768x224x224xf32, #tpu.memory_space<hbm>> -> memref<2x8x224xf32, #tpu.memory_space<hbm>>
        tpu.enqueue_dma source(%arg10 : memref<2x8x224xf32, #tpu.memory_space<vmem>>) target(%dma_start3A_158 : memref<2x8x224xf32, #tpu.memory_space<hbm>>) target_semaphore(%arg16 : memref<!tpu.dma_semaphore, #tpu.memory_space<semaphore_mem>>)
        %scan3A_159 = arith.constant 0 : i32
        scf.yield %scan3A_159 : i32
      }
      %scan3A_85 = arith.constant 14 : i32
      %dma_wait3A_86 = arith.constant 208 : i32
      %dma_wait3A_87 = arith.constant 0 : i32
      %dma_wait3A_88 = tpu.memref_slice %arg4[%add3A_36, %dma_wait3A_86, %dma_wait3A_87] : memref<768x224x224xf32, #tpu.memory_space<hbm>> -> memref<2x8x224xf32, #tpu.memory_space<hbm>>
      %dma_wait3A_89 = arith.constant 208 : i32
      %dma_wait3A_90 = arith.constant 0 : i32
      %dma_wait3A_91 = tpu.memref_slice %arg4[%add3A_36, %dma_wait3A_89, %dma_wait3A_90] : memref<768x224x224xf32, #tpu.memory_space<hbm>> -> memref<2x8x224xf32, #tpu.memory_space<hbm>>
      tpu.wait_dma2 semaphore(%arg15 : memref<!tpu.dma_semaphore, #tpu.memory_space<semaphore_mem>>) src(%arg9 : memref<2x8x224xf32, #tpu.memory_space<vmem>>) dst(%dma_wait3A_91 : memref<2x8x224xf32, #tpu.memory_space<hbm>>)
      %dma_wait3A_92 = arith.constant 216 : i32
      %dma_wait3A_93 = arith.constant 0 : i32
      %dma_wait3A_94 = tpu.memref_slice %arg4[%add3A_36, %dma_wait3A_92, %dma_wait3A_93] : memref<768x224x224xf32, #tpu.memory_space<hbm>> -> memref<2x8x224xf32, #tpu.memory_space<hbm>>
      %dma_wait3A_95 = arith.constant 216 : i32
      %dma_wait3A_96 = arith.constant 0 : i32
      %dma_wait3A_97 = tpu.memref_slice %arg4[%add3A_36, %dma_wait3A_95, %dma_wait3A_96] : memref<768x224x224xf32, #tpu.memory_space<hbm>> -> memref<2x8x224xf32, #tpu.memory_space<hbm>>
      tpu.wait_dma2 semaphore(%arg16 : memref<!tpu.dma_semaphore, #tpu.memory_space<semaphore_mem>>) src(%arg10 : memref<2x8x224xf32, #tpu.memory_space<vmem>>) dst(%dma_wait3A_97 : memref<2x8x224xf32, #tpu.memory_space<hbm>>)
      %scan3A_98 = arith.constant 0 : i32
      scf.yield %scan3A_98 : i32
    }
    %scan3A_29 = arith.constant 12 : i32
    return
  }
}

</mosaic_0001>

<sc_bundles>
// kernel: _warp.3.cloned.1.call-start
scs
__scs_entry_jumppad:
0x0: {  	(pc) =	sbr.rel $0x88, $3  }
0x1: {  	(tag) =	ssettag $0x0;
	lr =	simm.s32 $0x1  }
0x2: {  	[smem:$0x3F9F] =	sst lr;
	_ =	strace $0xD0000000  }
0x3: {  	_ = 	snop  }
0x4: {  	_ = 	snop  }
0x5: {  	_ = 	snop  }
0x6: {  	_ = 	snop  }
0x7: {  	_ = 	snop  }
__scs_overlays_trampoline_lowered:
0x8: {  	[smem:$0x3FAE] =	sst s0  }
0x9: {  	[smem:$0x3FAF] =	sst s1  }
0xa: {  	[smem:$0x3FB0] =	sst s2  }
0xb: {  	[smem:$0x3FB1] =	sst s3  }
0xc: {  	[smem:$0x3FB2] =	sst s4  }
0xd: {  	[smem:$0x3FB3] =	sst s5  }
0xe: {  	[smem:$0x3FB4] =	sst s6  }
0xf: {  	[smem:$0x3FB5] =	sst s7  }
0x10: {  	[smem:$0x3FB6] =	sst s8  }
0x11: {  	[smem:$0x3FB7] =	sst s9;
	s0 =	simm.s32 @!p0 $0x0  }
0x12: {  	s1 =	sld [smem:$0x3F9D];
	s0 =	simm.s32 @p0 $0x1  }
0x13: {  	[smem:$0x3FB8] =	sst s0;
	s0 =	simm.s32 @!p1 $0x0  }
0x14: {  	s2 =	sld [smem:$0x3F9C];
	s0 =	simm.s32 @p1 $0x1  }
0x15: {  	[smem:$0x3FB9] =	sst s0;
	s0 =	simm.s32 @!p2 $0x0  }
0x16: {  	s3 =	sld [smem:$0x3FDB];
	s0 =	simm.s32 @p2 $0x1  }
0x17: {  	s4 =	simm.s32 $0x1BF5;
	[smem:$0x3FBB] =	sst s0  }
0x18: {  	s0 =	sld [smem:$0x3F9E];
	_ =	swait.ge [sflag:s4], $0x0  }
0x19: {  	s7 =	sld [smem:$0x3F9F]  }
0x1a: {  	s8 =	sadd.s32 $0xFFFFE003, lr  }
0x1b: {  	s9 =	sadd.s32 $0xFFFFFEF7, lr;
	s5 =	simm.s32 $0xFFFFFFFF;
	p2 =	slt.u32 s8, $0xFFFFF086  }
0x1c: {  	p1 =	slt.u32 s9, $0xF7A;
	s5 =	simm.s32 @!p2 $0x0  }
0x1d: {  	s5 =	simm.s32 @p1 $0x1;
	p0 =	seq.s32 s7, s2  }
0x1e: {  	s7 =	smul.u32 @!p0 $0xF7A, s2;
	p2 =	seq.s32 @!p0 s5, $0x0  }
0x1f: {  	s9 =	smul.u32 $0xF7A, s1;
	s8 =	simm.s32 @!p0 $0x1BF5;
	p2 =	por !p2, p0  }
0x20: {  	[sflag:s8] =	ssyncset.s32 @!p0 $0xFFFFF086;
	s6 =	sadd.s32 @!p0 s3, s7;
	s7 =	simm.s32 @!p0 $0x108  }
0x21: {  	s3 =	sadd.s32 s3, s9;
	s6 =	sadd.s32 @!p0 $0x88, s6;
	s7 =	simm.s32 @p2 $0x1082  }
0x22: {  	[simem:s7], [sflag:s8] =	dma.local @!p0 [hbm:s6], $0xF7A  }
0x23: {  	s9 =	sor.u32 $0xD0000000, s2;
	s6 =	simm.s32 $0x108;
	_ =	swait.ge @!p0 [sflag:s8], $0x0  }
0x24: {  	s3 =	sadd.s32 $0x88, s3;
	s6 =	simm.s32 @!p1 $0x1082;
	[sflag:s4] =	ssyncset.s32 $0xFFFFF086  }
0x25: {  	[simem:s6], [sflag:s4] =	dma.local [hbm:s3], $0xF7A  }
0x26: {  	[smem:$0x3F9F] =	sst s1;
	(tag) =	ssettag s2;
	_ =	strace s9  }
0x27: {  	s1 =	sld [smem:$0x3FAF]  }
0x28: {  	s2 =	sld [smem:$0x3FB0]  }
0x29: {  	s4 =	sld [smem:$0x3FB2]  }
0x2a: {  	p0 =	seq.s32 s5, $0x0;
	s5 =	sld [smem:$0x3FB3]  }
0x2b: {  	s6 =	sld [smem:$0x3FB4]  }
0x2c: {  	s7 =	sld [smem:$0x3FB5]  }
0x2d: {  	s3 =	simm.s32 $0x108;
	s8 =	sld [smem:$0x3FB6]  }
0x2e: {  	s3 =	simm.s32 @!p0 $0x1082;
	s9 =	sld [smem:$0x3FB7]  }
0x2f: {  	lr =	sadd.s32 s0, s3;
	s0 =	sld [smem:$0x3FAE]  }
0x30: {  	s3 =	sld [smem:$0x3FB1]  }
0x31: {  	[smem:$0x3FBA] =	sst s10  }
0x32: {  	s10 =	sld [smem:$0x3FB8];
	_ =	sdelay $0x3  }
0x33: {  	p0 =	seq.s32 s10, $0x1;
	s10 =	sld [smem:$0x3FBA];
	_ =	sdelay $0x3  }
0x34: {  	[smem:$0x3FBA] =	sst s10  }
0x35: {  	s10 =	sld [smem:$0x3FB9];
	_ =	sdelay $0x3  }
0x36: {  	p1 =	seq.s32 s10, $0x1;
	s10 =	sld [smem:$0x3FBA];
	_ =	sdelay $0x3  }
0x37: {  	[smem:$0x3FBA] =	sst s10  }
0x38: {  	s10 =	sld [smem:$0x3FBB]  }
0x39: {  	_ = 	snop;
	(pc) =	sbr.ind lr, $3  }
0x3a: {  	_ = 	snop  }
0x3b: {  	_ = 	snop  }
0x3c: {  	p2 =	seq.s32 s10, $0x1;
	s10 =	sld [smem:$0x3FBA]  }
0x3d: {  	_ =	shalt  }
0x3e: {  	_ =	shalt  }
0x3f: {  	_ =	shalt  }
0x40: {  	_ =	shalt  }
0x41: {  	_ =	shalt  }
0x42: {  	_ =	shalt  }
0x43: {  	_ =	shalt  }
0x44: {  	_ =	shalt  }
0x45: {  	_ =	shalt  }
0x46: {  	_ =	shalt  }
0x47: {  	_ =	shalt  }
0x48: {  	_ =	shalt  }
0x49: {  	_ =	shalt  }
0x4a: {  	_ =	shalt  }
0x4b: {  	_ =	shalt  }
0x4c: {  	_ =	shalt  }
0x4d: {  	_ =	shalt  }
0x4e: {  	_ =	shalt  }
0x4f: {  	_ =	shalt  }
0x50: {  	_ =	shalt  }
0x51: {  	_ =	shalt  }
0x52: {  	_ =	shalt  }
0x53: {  	_ =	shalt  }
0x54: {  	_ =	shalt  }
0x55: {  	_ =	shalt  }
0x56: {  	_ =	shalt  }
0x57: {  	_ =	shalt  }
0x58: {  	_ =	shalt  }
0x59: {  	_ =	shalt  }
0x5a: {  	_ =	shalt  }
0x5b: {  	_ =	shalt  }
0x5c: {  	_ =	shalt  }
0x5d: {  	_ =	shalt  }
0x5e: {  	_ =	shalt  }
0x5f: {  	_ =	shalt  }
0x60: {  	_ =	shalt  }
0x61: {  	_ =	shalt  }
0x62: {  	_ =	shalt  }
0x63: {  	_ =	shalt  }
0x64: {  	_ =	shalt  }
0x65: {  	_ =	shalt  }
0x66: {  	_ =	shalt  }
0x67: {  	_ =	shalt  }
0x68: {  	_ =	shalt  }
0x69: {  	_ =	shalt  }
0x6a: {  	_ =	shalt  }
0x6b: {  	_ =	shalt  }
0x6c: {  	_ =	shalt  }
0x6d: {  	_ =	shalt  }
0x6e: {  	_ =	shalt  }
0x6f: {  	_ =	shalt  }
0x70: {  	_ =	shalt  }
0x71: {  	_ =	shalt  }
0x72: {  	_ =	shalt  }
0x73: {  	_ =	shalt  }
0x74: {  	_ =	shalt  }
0x75: {  	_ =	shalt  }
0x76: {  	_ =	shalt  }
0x77: {  	_ =	shalt  }
0x78: {  	_ =	shalt  }
0x79: {  	_ =	shalt  }
0x7a: {  	_ =	shalt  }
0x7b: {  	_ =	shalt  }
0x7c: {  	_ =	shalt  }
0x7d: {  	_ =	shalt  }
0x7e: {  	_ =	shalt  }
0x7f: {  	_ =	shalt  }
0x80: {  	_ =	shalt  }
0x81: {  	_ =	shalt  }
0x82: {  	_ =	shalt  }
0x83: {  	_ =	shalt  }
0x84: {  	_ =	shalt  }
0x85: {  	_ =	shalt  }
0x86: {  	_ =	shalt  }
0x87: {  	_ =	shalt  }
.Lfunc_end0:
.L_simem_size_0:
called_computation_lowered:
.L_overlay_start_0:
0x88: {  	s2 =	sld [smem:$0x3FD9]  }
0x89: {  	s3 =	sld [smem:$0x3FFE];
	_ =	sdelay $0x1  }
0x8a: {  	s1 =	srdreg.scid  }
0x8b: {  	s0 =	sand.u32 $0x1, s1  }
0x8c: {  	s17 =	sshll.u32 s0, $0xA;
	s2 =	sadd.s32 s3, s2  }
0x8d: {  	s2 =	sadd.s32 s2, s17  }
0x8e: {  	[smem:$0x3FC6] =	sst s2  }
0x8f: {  	_ = 	snop  }
0x90: {  	s2 =	sld [smem:$0x3FC8];
	(tm) =	ssettm $0x1  }
0x91: {  	s18 =	sld [smem:$0x3FFB];
	_ =	sdelay $0x3  }
0x92: {  	_ =	strace s18  }
0x93: {  	s3 =	sld [smem:$0x3FFC];
	_ =	sdelay $0x3  }
0x94: {  	_ =	strace s3  }
0x95: {  	s3 =	sld [smem:$0x3FFD];
	_ =	sdelay $0x3  }
0x96: {  	_ =	strace s3  }
0x97: {  	_ =	strace $0x8FFFFFFF  }
0x98: {  	s19 =	sld [smem:$0x3FDB];
	_ =	sdelay $0x1  }
0x99: {  	s4 =	simm.s32 $_scs_section_size  }
0x9a: {  	s5 =	simm.s32 $_size__tile_overlayer_lowered;
	s6 =	simm.s32 $_tile_overlayer_lowered  }
0x9b: {  	s22 =	simm.s32 $0x1BFF;
	s21 =	sshll.u32 s6, $0x1;
	s3 =	sadd.s32 s4, s19  }
0x9c: {  	s7 =	simm.s32 $0x0;
	s20 =	sshll.u32 s5, $0x1;
	s5 =	sadd.s32 s21, s3  }
0x9d: {  	[timem:s7], [sflag:s22] =	dma.local [hbm:s5], s20  }
0x9e: {  	_ =	swait.ge [sflag:s22], s20  }
0x9f: {  	s4 =	ssub.s32 $0x0, s20;
	[sflag:s22] =	ssyncset.done $0x0  }
0xa0: {  	[sflag:s22] =	ssyncadd.s32 s4;
	_ =	sdelay $0x1  }
0xa1: {  	s23 =	simm.s32 $0x1B8B  }
0xa2: {  	_ =	swait.ge [sflag:s23], $0x1  }
0xa3: {  	[sflag:s23] =	ssyncset.done $0x0  }
0xa4: {  	s25 =	simm.s32 $0x1B8E;
	s24 =	sld [smem:$0x3FFE];
	[sflag:s23] =	ssyncadd.s32 $0xFFFFFFFF  }
0xa5: {  	s26 =	simm.s32 $execute0_lowered;
	[smem:$0x3FD2] =	sst s25  }
0xa6: {  	s5 =	sshll.u32 s26, $0x1;
	_ =	strace $0x80000046;
	[dreg:$0x1] =	wrdreg $0xFFFFFFFF  }
0xa7: {  	s28 =	simm.s32 $_size_execute0_lowered;
	s3 =	sadd.s32 s3, s5;
	[dreg:$0x0] =	wrdreg $0x0  }
0xa8: {  	s5 =	sshll.u32 s28, $0x1;
	[dreg:$0x2] =	wrdreg s3  }
0xa9: {  	[dreg:$0x3] =	wrdreg s5  }
0xaa: {  	[dreg:$0x4] =	wrdreg $0xC0  }
0xab: {  	_ =	task [dreg:s7], $0x5FFFF  }
0xac: {  	[dreg:$0x1] =	wrdreg $0xFFFFFFFF  }
0xad: {  	[dreg:$0x0] =	wrdreg $0x60  }
0xae: {  	[dreg:$0x2] =	wrdreg s24  }
0xaf: {  	[dreg:$0x3] =	wrdreg s2  }
0xb0: {  	[dreg:$0x4] =	wrdreg $0x9  }
0xb1: {  	_ =	task.clear_ibuf [dreg:s7], $0x5FFFF;
	_ =	strace $0x90000046  }
0xb2: {  	s29 =	simm.s32 $0x9;
	_ =	strace $0x80000048  }
0xb3: {  	_ =	swait.ge [sflag:s29], $0x1  }
0xb4: {  	[sflag:s29] =	ssyncadd.s32 $0xFFFFFFFF  }
0xb5: {  	_ =	strace $0x90000048  }
0xb6: {  	_ =	sfence  }
0xb7: {  	s30 =	sld [smem:$0x0];
	_ =	sdelay $0x2  }
0xb8: {  	s31 =	sshll.u32 s1, $0xD;
	s1 =	sshrl.u32 s1, $0x2  }
0xb9: {  	s3 =	sand.u32 $0x4000, s31;
	s1 =	sadd.s32 s1, s30  }
0xba: {  	s0 =	sor.u32 s3, s0;
	s1 =	sshll.u32 s1, $0x11  }
0xbb: {  	s0 =	sor.u32 s1, s0  }
0xbc: {  	s0 =	sadd.s32 $0x8F2B, s0  }
0xbd: {  	[sflag:s0] =	ssyncadd.remote.s32 $0x1  }
0xbe: {  	_ =	sfence.sel $0xFFFF  }
0xbf: {  	[dreg:$0x0] =	wrdreg $0xFFFFFFFF;
	(pc) =	sbr.abs _section_cstart, $3  }
0xc0: {  	[dreg:$0x1] =	wrdreg $0xFFFFFFFF  }
0xc1: {  	_ =	task.clear_ibuf [dreg:s7], $0x2FFFF;
	_ =	strace $0x9FFFFFFF  }
0xc2: {  	(tm) =	ssettm $0x7FFFFFFF  }
0xc3: {  	_ =	shalt  }
tec
execute0_lowered:
.L_overlay_start_1:
0x0: {  	(tag) =	ssettag $0x1  }
0x1: {  	s0 =	rddreg [dreg:$0x0]  }
0x2: {  	s5 =	rddreg [dreg:$0x1];
	s26 =	simm.s32 $0x0;
	s1 =	srdreg.scid  }
0x3: {  	s4 =	stileid.u32;
	[smem:$0x7FF] =	sst s26;
	s2 =	sadd.s32 $0x400, s0  }
0x4: {  	s1 =	sand.u32 $0x1, s1;
	s28 =	sshrl.u32 s4, $0x2;
	s0 =	sadd.s32 $0x540400, s0  }
0x5: {  	s4 =	sshll.u32 s4, $0x1;
	_ =	strace $0x80000047;
	[smem:$0x7F7] =	sst s2  }
0x6: {  	s3 =	ssub.s32 $0x2, s1;
	s2 =	smul.u32 $0x18800, s28;
	s1 =	sor.u32 s1, s4  }
0x7: {  	[smem:$0x7F8] =	sst s0;
	s1 =	smul.u32 $0x18, s1  }
0x8: {  	s29 =	sshrl.u32 s3, $0x1;
	[smem:$0x7FB] =	sst s2  }
0x9: {  	s30 =	sshrl.u32 s2, $0x3;
	s31 =	sadd.s32 $0x1C00, s2;
	[smem:$0x7F9] =	sst s1  }
0xa: {  	s0 =	ssub.s32 s3, s29;
	s1 =	sadd.s32 s5, s30;
	[smem:$0x7FC] =	sst s31  }
0xb: {  	s0 =	smax.u32 s0, $0x1;
	[smem:$0x7FA] =	sst s1  }
0xc: {  	s21 =	simm.s32 $0xE000;
	v0 =	vlaneseq.u32;
	v1 =	vimm.s32 $0x0;
	[smem:$0x7FD] =	sst s0;
	s1 =	simm.s32 $0x0  }
.LBB2_1:
0xd: {  	v2 =	vor.u32 s26, v0  }
0xe: {  	s0 =	simm.s32 $0x10;
	v2 =	vcvt.s32.f32 v2  }
0xf: {  	v3 =	vor.u32 s0, v0  }
0x10: {  	v3 =	vcvt.s32.f32 v3;
	v2 =	vmul.f32 $1.004484300e+00, v2;
	_ =	sdelay $0x1  }
0x11: {  	v3 =	vmul.f32 $1.004484300e+00, v3;
	v2 =	vadd.f32 $-5.000000000e-01, v2  }
0x12: {  	s0 =	simm.s32 $0x1FC00  }
0x13: {  	[smem:$0x7F6] =	sst s1;
	s1 =	simm.s32 $0x20;
	[tilespmem:s0+$0x0] =	vst v2;
	v2 =	vadd.f32 $-5.000000000e-01, v3  }
.LBB2_2:
0x14: {  	v3 =	vor.u32 s1, v0;
	p0 =	sne.s32 s1, $0xD0;
	s1 =	sadd.s32 $0x10, s1;
	s0 =	sadd.s32 $0x10, s0  }
.Ltmp0:
0x15: {  	v3 =	vcvt.s32.f32 v3;
	[tilespmem:s0+$0x0] =	vst v2;
	(pc) =	sbr.rel @p0 .LBB2_2-.Ltmp0, $3  }
0x16: {  	_ = 	snop  }
0x17: {  	v2 =	vmul.f32 $1.004484300e+00, v3;
	_ =	sdelay $0x1  }
0x18: {  	v2 =	vadd.f32 $-5.000000000e-01, v2  }
0x19: {  	s0 =	sadd.s32 $0x10, s0  }
0x1a: {  	s1 =	simm.s32 $0x0;
	[tilespmem:s0+$0x0] =	vst v2  }
.LBB2_4:
0x1b: {  	s24 =	sld [smem:$0x7F9];
	_ =	sdelay $0x1  }
0x1c: {  	s0 =	sshll.u32 s1, $0x1;
	s25 =	sld [smem:$0x7FA]  }
0x1d: {  	s28 =	simm.s32 $0x1C000;
	s0 =	sadd.s32 s24, s0  }
0x1e: {  	s2 =	simm.s32 $0x0;
	s30 =	sld [smem:$0x7F7];
	s3 =	smul.u32 $0xE000, s0  }
0x1f: {  	[tilespmem:s28], [sflag:$0x2] =	stream.linear.gather [hbm4b:s25+s2], $0xE00, $0x38;
	[tilespmem:$0x1FD00] =	vst v63  }
0x20: {  	s29 =	sshrl.u32 s3, $0x3  }
0x21: {  	[smem:$0x7F4] =	sst s1;
	s0 =	sadd.s32 s30, s29  }
0x22: {  	[tilespmem:s2], [sflag:$0x1] =	stream.linear.gather [hbm4b:s0+s2], $0xE000, $0x38;
	[tilespmem:$0x1FD00] =	vst v63  }
0x23: {  	s31 =	simm.s32 $0x1;
	[smem:$0x7F5] =	sst s3;
	s0 =	sadd.s32 $0x1C00, s0  }
0x24: {  	[tilespmem:s21], [sflag:$0x1] =	stream.linear.gather [hbm4b:s0+s2], $0xE000, $0x38;
	[tilespmem:$0x1FD00] =	vst v63  }
0x25: {  	_ =	swait.ge [sflag:s31], $0xE000  }
0x26: {  	[sflag:s31] =	ssyncset.done $0x0  }
0x27: {  	[sflag:s31] =	ssyncadd.s32 $0xFFFF2000  }
0x28: {  	_ =	swait.ge [sflag:s31], $0xE000  }
0x29: {  	[sflag:s31] =	ssyncset.done $0x0  }
0x2a: {  	s6 =	simm.s32 $0x0;
	[sflag:s31] =	ssyncadd.s32 $0xFFFF2000  }
.LBB2_5:
0x2b: {  	s0 =	sshllo.u32 s6, $0x1;
	s1 =	sld [smem:$0x7FB]  }
0x2c: {  	[smem:$0x7F2] =	sst s0;
	s0 =	smul.u32 $0xE00, s0  }
0x2d: {  	_ = 	snop  }
0x2e: {  	s0 =	sadd.s32 s1, s0  }
0x2f: {  	s4 =	rddreg [dreg:$0x1];
	s0 =	sshrl.u32 s0, $0x3  }
0x30: {  	s5 =	simm.s32 $0x1CE00;
	s7 =	simm.s32 $0x2;
	s0 =	sadd.s32 s4, s0  }
0x31: {  	[tilespmem:s5], [sflag:$0x3] =	stream.linear.gather [hbm4b:s0+s26], $0xE00, $0x38;
	[tilespmem:$0x1FD00] =	vst v63  }
0x32: {  	_ =	swait.ge [sflag:s7], $0xE00  }
0x33: {  	p0 =	seq.s32 s6, $0x0;
	s17 =	sshll.u32 s6, $0x4;
	[sflag:s7] =	ssyncset.done $0x0  }
0x34: {  	s4 =	simm.s32 $0x0;
	s0 =	simm.s32 @!p0 $0x4;
	[sflag:s7] =	ssyncadd.s32 $0xFFFFF200  }
0x35: {  	s8 =	sand.u32 $0xF00, s4;
	s3 =	sand.u32 $0x7, s4;
	_ =	swait.ge @!p0 [sflag:s0], $0x1000  }
0x36: {  	s5 =	simm.s32 $0x30;
	s3 =	sshll.u32 s3, $0x4;
	[sflag:s0] =	ssyncset.done @!p0 $0x0  }
0x37: {  	s1 =	sor.u32 $0x1C000, s8;
	[sflag:s0] =	ssyncadd.s32 @!p0 $0xFFFFF000;
	s0 =	simm.s32 $0x0  }
0x38: {  	s5 =	sand.u32 $0x70, s5;
	s3 =	sadd.s32 $0x0, s3;
	s2 =	smul.u32 $0xFFFFFC80, s0  }
0x39: {  	s10 =	simm.s32 $0x10;
	s5 =	sor.u32 s5, s1;
	s9 =	sadd.s32 $0x30, s3  }
0x3a: {  	v2 =	vld [tilespmem:s5+$0x0];
	[smem:$0x7F3] =	sst s6;
	s5 =	sor.u32 $0x80, s9;
	s2 =	sshra.s32 s2, $0x2  }
0x3b: {  	s11 =	simm.s32 $0x20;
	s7 =	sor.u32 s17, s0;
	v4 =	vld [tilespmem:s5+$0x1C000];
	s2 =	sadd.s32 $0x1FC30, s2  }
0x3c: {  	s12 =	sand.u32 $0x40, s4;
	s6 =	sand.u32 $0x50, s10;
	s7 =	scvt.s32.f32 s7;
	v3 =	vld [tilespmem:s2+$0x0]  }
0x3d: {  	s5 =	sor.u32 s12, s1;
	s13 =	sor.u32 s6, s1;
	s2 =	sand.u32 $0x60, s11  }
0x3e: {  	s14 =	smul.f32 $1.004484300e+00, s7;
	s1 =	sor.u32 s2, s1;
	s2 =	simm.s32 $0x0  }
0x3f: {  	v5 =	vld [tilespmem:s5+$0x0];
	v2 =	vmul.f32 $1.004484300e+00, v2;
	s19 =	smul.u32 $0xFFFFFC80, s2  }
0x40: {  	v6 =	vld [tilespmem:s13+$0x0]  }
0x41: {  	s15 =	sadd.f32 $-5.000000000e-01, s14;
	v7 =	vld [tilespmem:s1+$0x0];
	s7 =	sshra.s32 s19, $0x2;
	v3 =	vadd.f32 v3, v2;
	v2 =	vmul.f32 $1.004484300e+00, v4  }
0x42: {  	s24 =	sadd.s32 $0x1FC00, s7  }
0x43: {  	v21 =	vld [tilespmem:s24+$0x0];
	v2 =	vadd.f32 s15, v2;
	v4 =	vtrunc.f32 v3  }
0x44: {  	v5 =	vmul.f32 $1.004484300e+00, v5;
	v8 =	vcvt.f32.s32 v4;
	vm0 =	vlt.f32 v3, v4  }
0x45: {  	v4 =	vmul.f32 $1.004484300e+00, v6;
	v6 =	vsel vm0, $0xFFFFFFFF, v1;
	v9 =	vtrunc.f32 v2  }
0x46: {  	v7 =	vmul.f32 $1.004484300e+00, v7;
	v6 =	vadd.s32 v8, v6;
	v8 =	vcvt.f32.s32 v9  }
0x47: {  	vm0 =	vlt.f32 v2, v9;
	vm1 =	vgt.s32 v6, $0x0;
	v9 =	vadd.s32 $0x1, v6  }
0x48: {  	v10 =	vsel vm0, $0xFFFFFFFF, v1;
	v5 =	vadd.f32 v21, v5;
	v11 =	vnsel vm1, $0x0, v6  }
0x49: {  	vm0 =	vgt.s32 v9, $0x0;
	v8 =	vadd.s32 v8, v10;
	vm1 =	vlt.u32 v9, $0xE0  }
0x4a: {  	p1 =	por $0x0, $0x0;
	v10 =	vmin.u32 v11, $0xDF;
	v11 =	vnsel vm0, $0x0, v9;
	vm0 =	vgt.s32 v8, $0x0  }
0x4b: {  	s16 =	simm.s32 $0x0;
	s20 =	simm.s32 $0x0;
	s4 =	sand.u32 $0x3, s4;
	v15 =	vadd.s32 $0x1, v8;
	vm3 =	vlt.u32 v8, $0xE0;
	v12 =	vand.u32 $0x7F, v10  }
0x4c: {  	s30 =	simm.s32 $0x0;
	s18 =	smul.u32 $0xFFFFFC80, s16;
	s4 =	sshll.u32 s4, $0x5;
	v11 =	vmin.u32 v11, $0xDF;
	v13 =	vnsel vm0, $0x0, v8;
	v10 =	vshll.u32 v10, $0x3  }
0x4d: {  	s4 =	sadd.s32 $0x0, s4;
	s3 =	sadd.s32 $0x10, s3;
	s5 =	simm.s32 $0x1;
	vm0 =	vgt.s32 v15, $0x0;
	vm4 =	vlt.u32 v15, $0xE0;
	v10 =	vand.u32 $0x400, v10  }
0x4e: {  	s4 =	sadd.s32 $0x20, s4;
	s3 =	sor.u32 $0x80, s3;
	s5 =	simm.s32 @!p1 $0x0;
	v14 =	vand.u32 $0x7F, v11;
	v16 =	vnsel vm0, $0x0, v15;
	v13 =	vmin.u32 v13, $0xDF  }
0x4f: {  	s8 =	simm.s32 $0x0;
	s4 =	sor.u32 $0x80, s4;
	v17 =	vld [tilespmem:s3+$0x1C000];
	s5 =	sshll.u32 s5, $0x6;
	v11 =	vshll.u32 v11, $0x3;
	vm0 =	vlt.u32 v6, $0xE0;
	v16 =	vmin.u32 v16, $0xDF  }
0x50: {  	s23 =	sshra.s32 s18, $0x2;
	s8 =	sor.u32 s17, s8;
	v18 =	vld [tilespmem:s4+$0x1C000];
	s5 =	sadd.s32 $0x0, s5;
	v10 =	vor.u32 v12, v10;
	v12 =	vshll.u32 v13, $0x8;
	v13 =	vshll.u32 v13, $0x7  }
0x51: {  	s25 =	scvt.s32.f32 s8;
	s10 =	simm.s32 $0x0;
	s5 =	sor.u32 $0x80, s5;
	v11 =	vand.u32 $0x400, v11;
	v12 =	vand.u32 $0xF800, v12;
	v13 =	vand.u32 $0x380, v13  }
0x52: {  	s22 =	smul.u32 $0xFFFFFC80, s10;
	s3 =	sor.u32 s17, s20;
	v19 =	vld [tilespmem:s5+$0x1C000];
	s5 =	sadd.s32 $0x1FC10, s23;
	v20 =	vshll.u32 v16, $0x7;
	v22 =	vor.u32 v14, v11;
	v23 =	vor.u32 v12, v13  }
0x53: {  	s6 =	sor.u32 s17, s30;
	s3 =	scvt.s32.f32 s3;
	v24 =	vld [tilespmem:s5+$0x0];
	v16 =	vshll.u32 v16, $0x8;
	v12 =	vor.u32 v12, v10;
	v14 =	vor.u32 v14, v23  }
0x54: {  	s8 =	smul.f32 $1.004484300e+00, s25;
	s9 =	scvt.s32.f32 s6;
	s4 =	sshra.s32 s22, $0x2;
	v26 =	vor.u32 v13, v12;
	v12 =	vand.u32 $0xF800, v16;
	v13 =	vand.u32 $0x380, v20  }
0x55: {  	s4 =	sadd.s32 $0x1FC20, s4;
	s3 =	smul.f32 $1.004484300e+00, s3;
	v11 =	vor.u32 v11, v14;
	v14 =	vmul.f32 $1.004484300e+00, v17;
	v17 =	vmul.f32 $1.004484300e+00, v18  }
0x56: {  	s11 =	sadd.f32 $-5.000000000e-01, s8;
	v23 =	vld [tilespmem:s4+$0x0];
	s4 =	smul.f32 $1.004484300e+00, s9;
	v10 =	vor.u32 v12, v10;
	v18 =	vcvt.s32.f32 v6;
	v6 =	vcvt.s32.f32 v8  }
0x57: {  	s3 =	sadd.f32 $-5.000000000e-01, s3;
	v16 =	vor.u32 v13, v10;
	v10 =	vor.u32 v12, v22;
	v12 =	vmul.f32 $1.004484300e+00, v19  }
0x58: {  	s4 =	sadd.f32 $-5.000000000e-01, s4;
	v28 =	vor.u32 v13, v10;
	v13 =	vadd.f32 v24, v4;
	v4 =	vadd.f32 s11, v14  }
0x59: {  	v10 =	vadd.f32 s3, v17;
	v17 =	vtrunc.f32 v5;
	v3 =	vsub.f32 v3, v18  }
0x5a: {  	v2 =	vsub.f32 v2, v6;
	v12 =	vadd.f32 s4, v12;
	vm2 =	vlt.f32 v5, v17  }
0x5b: {  	v14 =	vadd.f32 v23, v7;
	v20 =	vtrunc.f32 v13;
	v21 =	vtrunc.f32 v4  }
0x5c: {  	v7 =	vld.idx.msk [tilespmem:v26+s26+$0x0], $0xffff;
	v23 =	vcvt.f32.s32 v17;
	v17 =	vtrunc.f32 v10;
	v25 =	vsub.f32 $1.000000000e+00, v3  }
0x5d: {  	v3 =	vnsel vm1, $0x0, v3;
	v8 =	vsub.f32 $1.000000000e+00, v2;
	v19 =	vld.idx.msk [tilespmem:v11+s26+$0x0], $0xffff;
	v27 =	vtrunc.f32 v12  }
0x5e: {  	v2 =	vnsel vm4, $0x0, v2;
	v29 =	vcvt.f32.s32 v20;
	v15 =	vcvt.f32.s32 v21;
	v18 =	vld.idx.msk [tilespmem:v16+s26+$0x0], $0xffff  }
0x5f: {  	v22 =	vtrunc.f32 v14;
	v9 =	vnsel vm0, $0x0, v25;
	v8 =	vnsel vm3, $0x0, v8;
	v24 =	vld.idx.msk [tilespmem:v28+s26+$0x0], $0xffff  }
0x60: {  	vm3 =	vlt.f32 v4, v21;
	vm1 =	vlt.f32 v14, v22;
	v22 =	vcvt.f32.s32 v22  }
0x61: {  	vm0 =	vlt.f32 v13, v20;
	v20 =	vsel vm3, $0xFFFFFFFF, v1;
	v21 =	vsel vm1, $0xFFFFFFFF, v1  }
0x62: {  	v20 =	vadd.s32 v15, v20;
	v7 =	vmul.f32 v9, v7;
	v21 =	vadd.s32 v22, v21  }
0x63: {  	v22 =	vadd.s32 $0x1, v20;
	v6 =	vmul.f32 v3, v19;
	v30 =	vadd.s32 $0x1, v21  }
0x64: {  	s0 =	smul.u32 $0x700, s0;
	vm8 =	vgt.s32 v22, $0x0;
	v18 =	vmul.f32 v9, v18;
	v19 =	vmul.f32 v3, v24  }
0x65: {  	vm14 =	vlt.f32 v12, v27;
	vm6 =	vgt.s32 v30, $0x0;
	v35 =	vnsel vm8, $0x0, v22  }
0x66: {  	s0 =	ssub.s32 $0x0, s0;
	v6 =	vadd.f32 v7, v6;
	v33 =	vnsel vm6, $0x0, v30;
	v7 =	vadd.f32 v18, v19  }
0x67: {  	s12 =	simm.s32 $0x36;
	s0 =	sadd.s32 $0x180, s0;
	v24 =	vcvt.f32.s32 v17;
	v63 =	vmin.u32 v35, $0xDF;
	v62 =	vmin.u32 v33, $0xDF  }
0x68: {  	s13 =	simm.s32 $0x1B;
	s0 =	sand.u32 $0xFFFFFC00, s0;
	s3 =	sand.u32 $0x800, s12;
	v33 =	vshll.u32 v63, $0x7;
	v6 =	vmul.f32 v6, v8;
	v7 =	vmul.f32 v7, v2  }
0x69: {  	s14 =	simm.s32 $0x30;
	s4 =	sand.u32 $0x380, s13;
	s0 =	sadd.s32 s0, s3;
	v18 =	vsel vm2, $0xFFFFFFFF, v1;
	vm2 =	vlt.f32 v10, v17;
	v17 =	vcvt.f32.s32 v27  }
0x6a: {  	s15 =	sand.u32 $0x70, s14;
	s0 =	sor.u32 s4, s0;
	v40 =	vshll.u32 v62, $0x3;
	v19 =	vadd.s32 v23, v18;
	v6 =	vadd.f32 v7, v6  }
0x6b: {  	s0 =	sor.u32 s15, s0;
	v23 =	vsel vm14, $0xFFFFFFFF, v1;
	v27 =	vsel vm2, $0xFFFFFFFF, v1;
	v40 =	vand.u32 $0x400, v40  }
0x6c: {  	v25 =	vadd.s32 v17, v23;
	v31 =	vadd.s32 $0x1, v19;
	vm15 =	vgt.s32 v19, $0x0;
	[tilespmem:s0+$0x1DC00] =	vst v6  }
0x6d: {  	v59 =	vcvt.s32.f32 v19;
	vm2 =	vgt.s32 v31, $0x0;
	v7 =	vsel vm0, $0xFFFFFFFF, v1;
	v6 =	vld.idx.msk [tilespmem:v26+s21+$0x0], $0xffff  }
0x6e: {  	vm3 =	vgt.s32 v25, $0x0;
	v34 =	vnsel vm15, $0x0, v19;
	v18 =	vadd.s32 v29, v7;
	v7 =	vld.idx.msk [tilespmem:v11+s21+$0x0], $0xffff  }
0x6f: {  	vm0 =	vgt.s32 v20, $0x0;
	v32 =	vnsel vm3, $0x0, v25;
	vm3 =	vlt.u32 v30, $0xE0;
	v11 =	vld.idx.msk [tilespmem:v16+s21+$0x0], $0xffff  }
0x70: {  	v29 =	vadd.s32 $0x1, v25;
	v23 =	vadd.s32 $0x1, v18;
	vm7 =	vgt.s32 v18, $0x0;
	v15 =	vld.idx.msk [tilespmem:v28+s21+$0x0], $0xffff  }
0x71: {  	v61 =	vcvt.s32.f32 v18;
	v26 =	vadd.s32 v24, v27;
	vm5 =	vgt.s32 v23, $0x0  }
0x72: {  	v16 =	vnsel vm0, $0x0, v20;
	vm0 =	vgt.s32 v21, $0x0;
	v28 =	vnsel vm2, $0x0, v31  }
0x73: {  	vm2 =	vgt.s32 v29, $0x0;
	vm1 =	vgt.s32 v26, $0x0;
	v51 =	vcvt.s32.f32 v26  }
0x74: {  	v27 =	vadd.s32 $0x1, v26;
	v6 =	vmul.f32 v9, v6;
	v7 =	vmul.f32 v3, v7  }
0x75: {  	v9 =	vmul.f32 v9, v11;
	v3 =	vmul.f32 v3, v15;
	v11 =	vnsel vm5, $0x0, v23  }
0x76: {  	v17 =	vnsel vm1, $0x0, v26;
	vm1 =	vgt.s32 v27, $0x0;
	v11 =	vmin.u32 v11, $0xDF  }
0x77: {  	v6 =	vadd.f32 v6, v7;
	v3 =	vadd.f32 v9, v3;
	v7 =	vnsel vm7, $0x0, v18  }
0x78: {  	v9 =	vmin.u32 v16, $0xDF;
	v16 =	vnsel vm0, $0x0, v21;
	v39 =	vshll.u32 v11, $0x3  }
0x79: {  	v11 =	vand.u32 $0x7F, v11;
	vm0 =	vlt.u32 v31, $0xE0;
	v7 =	vmin.u32 v7, $0xDF  }
0x7a: {  	v16 =	vmin.u32 v16, $0xDF;
	v52 =	vshll.u32 v9, $0x8;
	v9 =	vshll.u32 v9, $0x7  }
0x7b: {  	v39 =	vand.u32 $0x400, v39;
	v15 =	vmul.f32 v6, v8;
	v24 =	vmul.f32 v3, v2  }
0x7c: {  	v2 =	vmin.u32 v28, $0xDF;
	v3 =	vmin.u32 v17, $0xDF;
	v6 =	vnsel vm1, $0x0, v27  }
0x7d: {  	v8 =	vmin.u32 v32, $0xDF;
	v17 =	vnsel vm2, $0x0, v29;
	v28 =	vmin.u32 v34, $0xDF  }
0x7e: {  	v34 =	vand.u32 $0xF800, v52;
	v41 =	vshll.u32 v7, $0x3;
	v42 =	vshll.u32 v16, $0x3  }
0x7f: {  	v43 =	vand.u32 $0x380, v9;
	v9 =	vshll.u32 v63, $0x8;
	v32 =	vand.u32 $0x7F, v62  }
0x80: {  	v7 =	vand.u32 $0x7F, v7;
	v16 =	vand.u32 $0x7F, v16;
	v50 =	vor.u32 v11, v39  }
0x81: {  	v62 =	vcvt.s32.f32 v21;
	v63 =	vsub.f32 v5, v59;
	vm1 =	vlt.u32 v19, $0xE0  }
0x82: {  	v6 =	vmin.u32 v6, $0xDF;
	v17 =	vmin.u32 v17, $0xDF;
	v53 =	vshll.u32 v3, $0x8  }
0x83: {  	v3 =	vshll.u32 v3, $0x7;
	v36 =	vshll.u32 v8, $0x8;
	v8 =	vshll.u32 v8, $0x7  }
0x84: {  	v37 =	vshll.u32 v2, $0x3;
	v38 =	vshll.u32 v28, $0x3;
	v2 =	vand.u32 $0x7F, v2  }
0x85: {  	v41 =	vand.u32 $0x400, v41;
	v28 =	vand.u32 $0x7F, v28;
	v42 =	vand.u32 $0x400, v42  }
0x86: {  	v46 =	vor.u32 v34, v43;
	v9 =	vand.u32 $0xF800, v9;
	v54 =	vor.u32 v32, v40  }
0x87: {  	v35 =	vand.u32 $0xF800, v53;
	v36 =	vand.u32 $0xF800, v36;
	v44 =	vand.u32 $0x380, v3  }
0x88: {  	v3 =	vshll.u32 v6, $0x8;
	v8 =	vand.u32 $0x380, v8;
	v37 =	vand.u32 $0x400, v37  }
0x89: {  	v45 =	vshll.u32 v17, $0x8;
	v38 =	vand.u32 $0x400, v38;
	v6 =	vshll.u32 v6, $0x7  }
0x8a: {  	v17 =	vshll.u32 v17, $0x7;
	v7 =	vor.u32 v7, v41;
	v11 =	vor.u32 v11, v46  }
0x8b: {  	v16 =	vor.u32 v16, v42;
	v46 =	vsub.f32 v13, v61;
	v13 =	vsub.f32 $1.000000000e+00, v63  }
0x8c: {  	v3 =	vand.u32 $0xF800, v3;
	v48 =	vor.u32 v36, v8;
	v45 =	vand.u32 $0xF800, v45  }
0x8d: {  	v49 =	vor.u32 v2, v37;
	v28 =	vor.u32 v28, v38;
	v41 =	vor.u32 v9, v7  }
0x8e: {  	v9 =	vor.u32 v9, v50;
	v34 =	vor.u32 v34, v7;
	v60 =	vand.u32 $0x380, v17  }
0x8f: {  	v7 =	vor.u32 v39, v11;
	v55 =	vor.u32 v2, v48;
	v56 =	vor.u32 v3, v16  }
0x90: {  	v38 =	vor.u32 v3, v54;
	v57 =	vor.u32 v45, v28;
	v45 =	vor.u32 v45, v49  }
0x91: {  	v2 =	vand.u32 $0x380, v33;
	v36 =	vor.u32 v36, v28;
	v3 =	vor.u32 v37, v55  }
0x92: {  	s23 =	simm.s32 $0x80;
	v28 =	vor.u32 v2, v41;
	v9 =	vor.u32 v2, v9;
	v2 =	vor.u32 v60, v57;
	[tilespmem:$0x1FEE0] =	vst v3  }
0x93: {  	s11 =	simm.s32 $0x70;
	s3 =	sand.u32 $0xF00, s23;
	v47 =	vor.u32 v35, v44;
	v34 =	vor.u32 v43, v34;
	v0 =	vor.u32 v60, v45;
	[tilespmem:$0x1FF10] =	vst v2  }
0x94: {  	s11 =	sand.u32 $0x70, s11;
	s12 =	sor.u32 $0x1C000, s3;
	v58 =	vor.u32 v35, v16;
	v48 =	vsub.f32 v14, v62;
	v5 =	vor.u32 v8, v36;
	[tilespmem:$0x1FF40] =	vst v0  }
0x95: {  	s25 =	sor.u32 s11, s12;
	v32 =	vor.u32 v32, v47;
	v16 =	vand.u32 $0x380, v6;
	v31 =	vsub.f32 $1.000000000e+00, v46;
	[tilespmem:$0x1FEC0] =	vst v5  }
0x96: {  	v11 =	vor.u32 v40, v32;
	v19 =	vnsel vm3, $0x0, v48;
	vm3 =	vlt.u32 v26, $0xE0;
	v26 =	vld [tilespmem:s25+$0x0]  }
0x97: {  	v14 =	vnsel vm1, $0x0, v13;
	vm1 =	vlt.u32 v18, $0xE0;
	v17 =	vor.u32 v16, v56;
	v47 =	vld.idx.msk [tilespmem:v7+s26+$0x0], $0xffff  }
0x98: {  	vm2 =	vlt.u32 v23, $0xE0;
	v16 =	vor.u32 v16, v38;
	v23 =	vnsel vm1, $0x0, v31;
	v31 =	vld.idx.msk [tilespmem:v34+s26+$0x0], $0xffff  }
0x99: {  	v50 =	vld.idx.msk [tilespmem:v28+s26+$0x0], $0xffff  }
0x9a: {  	vm9 =	vlt.u32 v21, $0xE0;
	v10 =	vsub.f32 v10, v51;
	v49 =	vcvt.s32.f32 v25;
	v52 =	vld.idx.msk [tilespmem:v9+s26+$0x0], $0xffff  }
0x9b: {  	v13 =	vnsel vm0, $0x0, v63;
	v21 =	vnsel vm2, $0x0, v46;
	v45 =	vcvt.s32.f32 v20;
	v30 =	vld.idx.msk [tilespmem:v11+s26+$0x0], $0xffff  }
0x9c: {  	v62 =	vsub.f32 $1.000000000e+00, v10;
	vm0 =	vlt.u32 v29, $0xE0;
	v53 =	vsub.f32 $1.000000000e+00, v48;
	v54 =	vld.idx.msk [tilespmem:v17+s26+$0x0], $0xffff  }
0x9d: {  	s20 =	simm.s32 $0x10;
	v8 =	vor.u32 v44, v58;
	v12 =	vsub.f32 v12, v49;
	v4 =	vsub.f32 v4, v45;
	v55 =	vld.idx.msk [tilespmem:v16+s26+$0x0], $0xffff  }
0x9e: {  	s6 =	sand.u32 $0x70, s20;
	s1 =	smul.u32 $0x700, s16;
	s16 =	simm.s32 $0x12;
	vm2 =	vlt.u32 v20, $0xE0;
	vm1 =	vlt.u32 v22, $0xE0;
	v18 =	vnsel vm9, $0x0, v53;
	v59 =	vld.idx.msk [tilespmem:v2+s26+$0x0], $0xffff  }
0x9f: {  	s18 =	sand.u32 $0x800, s16;
	s5 =	simm.s32 $0x0;
	s24 =	simm.s32 $0x4;
	v61 =	vsub.f32 $1.000000000e+00, v12;
	v57 =	vsub.f32 $1.000000000e+00, v4;
	v63 =	vld.idx.msk [tilespmem:v0+s26+$0x0], $0xffff;
	v26 =	vmul.f32 $1.004484300e+00, v26  }
0xa0: {  	s1 =	ssub.s32 $0x0, s1;
	s8 =	sand.u32 $0x7, s24;
	s9 =	smul.u32 $0xFFFFFC80, s5;
	v20 =	vnsel vm1, $0x0, v4;
	v56 =	vld.idx.msk [tilespmem:v3+s26+$0x0], $0xffff;
	v35 =	vmul.f32 v21, v47;
	v22 =	vmul.f32 v23, v31  }
0xa1: {  	s19 =	simm.s32 $0x9;
	s1 =	sadd.s32 $0x80, s1;
	s8 =	sshll.u32 s8, $0x4;
	vm1 =	vlt.u32 v25, $0xE0;
	v29 =	vld.idx.msk [tilespmem:v5+s26+$0x0], $0xffff;
	v58 =	vmul.f32 v23, v50;
	v60 =	vmul.f32 v21, v52  }
0xa2: {  	s22 =	sand.u32 $0x380, s19;
	s9 =	sshra.s32 s9, $0x2;
	s3 =	sadd.s32 $0x80, s8;
	v45 =	vld.idx.msk [tilespmem:v8+s26+$0x0], $0xffff;
	v0 =	vadd.f32 v24, v15;
	v30 =	vmul.f32 v19, v30;
	v32 =	vmul.f32 v18, v54  }
0xa3: {  	s1 =	sand.u32 $0xFFFFFC00, s1;
	s30 =	sadd.s32 $0x1FC70, s9;
	s9 =	sadd.s32 $0x30, s3;
	v33 =	vmul.f32 v19, v55;
	v35 =	vadd.f32 v22, v35;
	v31 =	vadd.f32 v58, v60  }
0xa4: {  	s1 =	sadd.s32 s1, s18;
	s14 =	sor.u32 s17, s5;
	s11 =	sor.u32 $0x80, s9;
	v25 =	vmul.f32 v14, v59;
	v46 =	vmul.f32 v13, v63;
	v22 =	vnsel vm2, $0x0, v57  }
0xa5: {  	s1 =	sor.u32 s22, s1;
	s13 =	simm.s32 $0x40;
	s15 =	simm.s32 $0x50;
	v50 =	vld [tilespmem:s11+$0x1C000];
	vm2 =	vlt.u32 v27, $0xE0;
	v27 =	vmul.f32 v35, v22;
	v4 =	vmul.f32 v31, v20  }
0xa6: {  	s4 =	sor.u32 s6, s1;
	s6 =	scvt.s32.f32 s14;
	s7 =	sand.u32 $0x50, s15;
	v47 =	vld [tilespmem:s30+$0x0];
	v36 =	vmul.f32 v13, v56;
	v49 =	vmul.f32 v14, v29;
	v25 =	vadd.f32 v25, v46  }
0xa7: {  	s1 =	sand.u32 $0x40, s13;
	s18 =	sor.u32 s7, s12;
	v48 =	vmul.f32 v18, v45;
	v31 =	vadd.f32 v32, v33;
	v4 =	vadd.f32 v4, v27  }
0xa8: {  	s16 =	simm.s32 $0x60;
	s1 =	sor.u32 s1, s12;
	s6 =	smul.f32 $1.004484300e+00, s6;
	v51 =	vld [tilespmem:s18+$0x0];
	v29 =	vnsel vm0, $0x0, v12;
	v12 =	vadd.f32 v49, v36;
	v32 =	vnsel vm2, $0x0, v10  }
0xa9: {  	s8 =	sand.u32 $0x60, s16;
	v25 =	vmul.f32 v25, v29;
	v10 =	vmul.f32 v31, v32;
	v31 =	vld [tilespmem:s1+$0x0];
	[tilespmem:s4+$0x1DC00] =	vst v4;
	v4 =	vadd.f32 v48, v30  }
0xaa: {  	s19 =	sor.u32 s8, s12;
	s20 =	sadd.f32 $-5.000000000e-01, s6;
	v24 =	vmul.f32 $1.004484300e+00, v50;
	v27 =	vnsel vm3, $0x0, v62;
	v30 =	vld.idx.msk [tilespmem:v34+s21+$0x0], $0xffff;
	v34 =	vnsel vm1, $0x0, v61;
	[tilespmem:$0x1FFF0] =	vst v0  }
0xab: {  	v26 =	vadd.f32 v47, v26;
	v4 =	vmul.f32 v4, v27;
	v12 =	vmul.f32 v12, v34;
	v52 =	vld [tilespmem:s19+$0x0]  }
0xac: {  	v24 =	vadd.f32 s20, v24  }
0xad: {  	v38 =	vadd.f32 v10, v4;
	v37 =	vadd.f32 v25, v12;
	v4 =	vtrunc.f32 v26  }
0xae: {  	v10 =	vmul.f32 $1.004484300e+00, v31;
	v12 =	vcvt.f32.s32 v4;
	vm0 =	vlt.f32 v26, v4  }
0xaf: {  	v4 =	vmul.f32 $1.004484300e+00, v51;
	v0 =	vmul.f32 v23, v30;
	v25 =	vsel vm0, $0xFFFFFFFF, v1  }
0xb0: {  	v30 =	vtrunc.f32 v24;
	v31 =	vmul.f32 $1.004484300e+00, v52;
	v25 =	vadd.s32 v12, v25  }
0xb1: {  	s22 =	simm.s32 $0x2;
	v12 =	vcvt.f32.s32 v30;
	vm0 =	vlt.f32 v24, v30;
	vm1 =	vgt.s32 v25, $0x0  }
0xb2: {  	s6 =	sand.u32 $0x3, s22;
	v30 =	vadd.s32 $0x1, v25;
	v53 =	vsel vm0, $0xFFFFFFFF, v1;
	vm2 =	vlt.u32 v25, $0xE0  }
0xb3: {  	p1 =	por !p1, !p1;
	s9 =	simm.s32 $0x1;
	s6 =	sshll.u32 s6, $0x5;
	v54 =	vnsel vm1, $0x0, v25;
	vm0 =	vgt.s32 v30, $0x0;
	v33 =	vadd.s32 v12, v53  }
0xb4: {  	s3 =	sadd.s32 $0x10, s3;
	s9 =	simm.s32 @!p1 $0x0;
	s6 =	sadd.s32 $0x80, s6;
	[tilespmem:$0x1FF60] =	vst v0;
	vm3 =	vlt.u32 v30, $0xE0;
	v12 =	vmin.u32 v54, $0xDF;
	v55 =	vnsel vm0, $0x0, v30  }
0xb5: {  	s3 =	sor.u32 $0x80, s3;
	s9 =	sshll.u32 s9, $0x6;
	s6 =	sadd.s32 $0x20, s6;
	v42 =	vld.idx.msk [tilespmem:v28+s21+$0x0], $0xffff;
	vm0 =	vgt.s32 v33, $0x0;
	v40 =	vadd.s32 $0x1, v33;
	v56 =	vand.u32 $0x7F, v12  }
0xb6: {  	s9 =	sadd.s32 $0x80, s9;
	s6 =	sor.u32 $0x80, s6;
	s1 =	simm.s32 $0x0;
	v43 =	vld [tilespmem:s3+$0x1C000];
	v35 =	vmin.u32 v55, $0xDF;
	v57 =	vnsel vm0, $0x0, v33;
	v12 =	vshll.u32 v12, $0x3  }
0xb7: {  	s9 =	sor.u32 $0x80, s9;
	s23 =	smul.u32 $0xFFFFFC80, s1;
	v45 =	vld [tilespmem:s6+$0x1C000];
	vm0 =	vgt.s32 v40, $0x0;
	v55 =	vcvt.s32.f32 v33;
	vm10 =	vlt.u32 v40, $0xE0  }
0xb8: {  	s14 =	simm.s32 $0x0;
	s8 =	simm.s32 $0x0;
	v59 =	vld [tilespmem:s9+$0x1C000];
	v12 =	vand.u32 $0x400, v12;
	v28 =	vand.u32 $0x7F, v35;
	v58 =	vnsel vm0, $0x0, v40  }
0xb9: {  	s14 =	sor.u32 s17, s14;
	s7 =	simm.s32 $0x0;
	s15 =	sshra.s32 s23, $0x2;
	v41 =	vmin.u32 v57, $0xDF;
	v35 =	vshll.u32 v35, $0x3;
	v44 =	vmin.u32 v58, $0xDF  }
0xba: {  	s24 =	smul.u32 $0xFFFFFC80, s7;
	s25 =	simm.s32 $0x0;
	s9 =	sadd.s32 $0x1FC50, s15;
	v12 =	vor.u32 v56, v12;
	v35 =	vand.u32 $0x400, v35;
	v60 =	vshll.u32 v41, $0x8  }
0xbb: {  	s18 =	scvt.s32.f32 s14;
	s30 =	smul.u32 $0xFFFFFC80, s8;
	s3 =	sor.u32 s17, s25;
	v36 =	vld [tilespmem:s9+$0x0];
	v41 =	vshll.u32 v41, $0x7;
	v24 =	vsub.f32 v24, v55;
	v61 =	vshll.u32 v44, $0x7  }
0xbc: {  	s13 =	simm.s32 $0x0;
	s12 =	sshra.s32 s24, $0x2;
	s3 =	scvt.s32.f32 s3;
	v46 =	vand.u32 $0xF800, v60;
	v41 =	vand.u32 $0x380, v41;
	v43 =	vmul.f32 $1.004484300e+00, v43  }
0xbd: {  	s16 =	sadd.s32 $0x1FC40, s12;
	s20 =	smul.f32 $1.004484300e+00, s18;
	s6 =	sshra.s32 s30, $0x2;
	v63 =	vor.u32 v28, v35;
	v58 =	vmul.f32 $1.004484300e+00, v59;
	v45 =	vmul.f32 $1.004484300e+00, v45  }
0xbe: {  	s13 =	sor.u32 s17, s13;
	v62 =	vld [tilespmem:s16+$0x0];
	s6 =	sadd.s32 $0x1FC60, s6;
	s3 =	smul.f32 $1.004484300e+00, s3;
	v44 =	vshll.u32 v44, $0x8;
	v39 =	vmul.f32 v23, v42;
	v23 =	vcvt.s32.f32 v25  }
0xbf: {  	s19 =	scvt.s32.f32 s13;
	s9 =	sadd.f32 $-5.000000000e-01, s20;
	v52 =	vld [tilespmem:s6+$0x0];
	v51 =	vor.u32 v46, v12;
	v46 =	vor.u32 v46, v41;
	v56 =	vand.u32 $0xF800, v44  }
0xc0: {  	s3 =	sadd.f32 $-5.000000000e-01, s3;
	v57 =	vand.u32 $0x380, v61;
	v6 =	vadd.f32 v36, v4;
	v51 =	vor.u32 v41, v51  }
0xc1: {  	s22 =	smul.f32 $1.004484300e+00, s19;
	v28 =	vor.u32 v28, v46;
	v12 =	vor.u32 v56, v12;
	v43 =	vadd.f32 s9, v43  }
0xc2: {  	v44 =	vadd.f32 s3, v45;
	v23 =	vsub.f32 v26, v23;
	v35 =	vor.u32 v35, v28  }
0xc3: {  	s6 =	sadd.f32 $-5.000000000e-01, s22;
	v46 =	vor.u32 v57, v12;
	v12 =	vor.u32 v56, v63;
	v28 =	vadd.f32 v62, v10  }
0xc4: {  	v10 =	vadd.f32 v52, v31;
	v45 =	vtrunc.f32 v6;
	v53 =	vor.u32 v57, v12  }
0xc5: {  	v12 =	vadd.f32 s6, v58;
	v60 =	vtrunc.f32 v43;
	v63 =	vtrunc.f32 v44  }
0xc6: {  	v54 =	vsub.f32 $1.000000000e+00, v23;
	v56 =	vcvt.f32.s32 v45;
	vm0 =	vlt.f32 v6, v45;
	v31 =	vld.idx.msk [tilespmem:v51+s26+$0x0], $0xffff  }
0xc7: {  	v23 =	vnsel vm3, $0x0, v23;
	v58 =	vsub.f32 $1.000000000e+00, v24;
	vm3 =	vlt.u32 v33, $0xE0;
	v42 =	vld.idx.msk [tilespmem:v35+s26+$0x0], $0xffff  }
0xc8: {  	v24 =	vnsel vm10, $0x0, v24;
	v59 =	vtrunc.f32 v28;
	v61 =	vtrunc.f32 v10;
	v26 =	vld.idx.msk [tilespmem:v46+s26+$0x0], $0xffff  }
0xc9: {  	v45 =	vcvt.f32.s32 v63;
	v49 =	vcvt.f32.s32 v59;
	vm1 =	vlt.f32 v28, v59;
	v62 =	vld.idx.msk [tilespmem:v53+s26+$0x0], $0xffff  }
0xca: {  	v36 =	vtrunc.f32 v12;
	v25 =	vnsel vm2, $0x0, v54;
	vm2 =	vlt.f32 v10, v61  }
0xcb: {  	v57 =	vcvt.f32.s32 v61;
	v33 =	vnsel vm3, $0x0, v58;
	vm3 =	vlt.f32 v43, v60  }
0xcc: {  	v59 =	vsel vm1, $0xFFFFFFFF, v1;
	vm1 =	vlt.f32 v44, v63;
	vm11 =	vlt.f32 v12, v36  }
0xcd: {  	v61 =	vsel vm3, $0xFFFFFFFF, v1;
	v30 =	vmul.f32 v25, v31;
	v31 =	vmul.f32 v23, v42  }
0xce: {  	s23 =	smul.u32 $0x700, s5;
	v55 =	vadd.s32 v49, v59;
	v26 =	vmul.f32 v25, v26;
	v41 =	vmul.f32 v23, v62  }
0xcf: {  	v63 =	vsel vm11, $0xFFFFFFFF, v1;
	v59 =	vadd.s32 $0x1, v55;
	vm4 =	vgt.s32 v55, $0x0  }
0xd0: {  	s3 =	ssub.s32 $0x200, s23;
	v62 =	vsel vm2, $0xFFFFFFFF, v1;
	v30 =	vadd.f32 v30, v31;
	v26 =	vadd.f32 v26, v41  }
0xd1: {  	s24 =	simm.s32 $0x80;
	s3 =	sadd.s32 $0x180, s3;
	vm2 =	vgt.s32 v59, $0x0;
	v31 =	vcvt.f32.s32 v60;
	v60 =	vcvt.f32.s32 v36  }
0xd2: {  	s5 =	sand.u32 $0x800, s24;
	s25 =	simm.s32 $0x40;
	s3 =	sand.u32 $0xFFFFFC00, s3;
	v36 =	vsel vm1, $0xFFFFFFFF, v1;
	v30 =	vmul.f32 v30, v33;
	v26 =	vmul.f32 v26, v24  }
0xd3: {  	s30 =	simm.s32 $0x70;
	s6 =	sand.u32 $0x380, s25;
	s3 =	sadd.s32 s3, s5;
	v54 =	vadd.s32 v57, v62;
	v48 =	vadd.s32 v45, v36;
	v49 =	vadd.s32 v31, v61  }
0xd4: {  	s11 =	sand.u32 $0x70, s30;
	s3 =	sor.u32 s6, s3;
	v47 =	vadd.s32 v60, v63;
	vm1 =	vgt.s32 v48, $0x0;
	v26 =	vadd.f32 v26, v30  }
0xd5: {  	s24 =	sor.u32 s11, s3;
	v50 =	vadd.s32 $0x1, v48;
	v60 =	vnsel vm4, $0x0, v55;
	v52 =	vadd.s32 $0x1, v49  }
0xd6: {  	vm3 =	vgt.s32 v47, $0x0;
	v42 =	vnsel vm1, $0x0, v48;
	vm1 =	vgt.s32 v50, $0x0;
	[tilespmem:s24+$0x1DC00] =	vst v26  }
0xd7: {  	vm15 =	vgt.s32 v52, $0x0;
	v30 =	vsel vm0, $0xFFFFFFFF, v1;
	vm0 =	vgt.s32 v49, $0x0;
	v26 =	vld.idx.msk [tilespmem:v51+s21+$0x0], $0xffff  }
0xd8: {  	v61 =	vnsel vm15, $0x0, v52;
	v41 =	vadd.s32 v56, v30;
	v56 =	vadd.s32 $0x1, v54;
	v30 =	vld.idx.msk [tilespmem:v35+s21+$0x0], $0xffff  }
0xd9: {  	v58 =	vadd.s32 $0x1, v41;
	vm13 =	vgt.s32 v56, $0x0;
	vm14 =	vgt.s32 v41, $0x0;
	v31 =	vld.idx.msk [tilespmem:v46+s21+$0x0], $0xffff  }
0xda: {  	v45 =	vld.idx.msk [tilespmem:v53+s21+$0x0], $0xffff;
	v51 =	vadd.s32 $0x1, v47;
	v46 =	vnsel vm0, $0x0, v49;
	vm0 =	vgt.s32 v54, $0x0  }
0xdb: {  	vm12 =	vgt.s32 v58, $0x0;
	v53 =	vnsel vm2, $0x0, v59;
	v36 =	vnsel vm0, $0x0, v54  }
0xdc: {  	v57 =	vnsel vm13, $0x0, v56;
	v35 =	vnsel vm12, $0x0, v58;
	v40 =	vmin.u32 v36, $0xDF  }
0xdd: {  	vm0 =	vgt.s32 v51, $0x0;
	v53 =	vmin.u32 v53, $0xDF;
	v2 =	vshll.u32 v40, $0x3  }
0xde: {  	v40 =	vand.u32 $0x7F, v40;
	v26 =	vmul.f32 v25, v26;
	v30 =	vmul.f32 v23, v30  }
0xdf: {  	v2 =	vand.u32 $0x400, v2;
	v25 =	vmul.f32 v25, v31;
	v23 =	vmul.f32 v23, v45  }
0xe0: {  	v31 =	vnsel vm3, $0x0, v47;
	v2 =	vor.u32 v40, v2;
	v26 =	vadd.f32 v26, v30  }
0xe1: {  	v31 =	vmin.u32 v31, $0xDF;
	v23 =	vadd.f32 v25, v23;
	v25 =	vnsel vm14, $0x0, v41  }
0xe2: {  	v30 =	vmin.u32 v46, $0xDF;
	v25 =	vmin.u32 v25, $0xDF;
	v45 =	vmul.f32 v26, v33  }
0xe3: {  	v46 =	vmul.f32 v23, v24;
	v23 =	vmin.u32 v42, $0xDF;
	v24 =	vnsel vm1, $0x0, v50  }
0xe4: {  	v26 =	vmin.u32 v60, $0xDF;
	v33 =	vmin.u32 v35, $0xDF;
	v35 =	vmin.u32 v57, $0xDF  }
0xe5: {  	v42 =	vmin.u32 v61, $0xDF;
	v57 =	vshll.u32 v30, $0x8;
	v30 =	vshll.u32 v30, $0x7  }
0xe6: {  	v0 =	vshll.u32 v25, $0x3;
	v25 =	vand.u32 $0x7F, v25;
	v24 =	vmin.u32 v24, $0xDF  }
0xe7: {  	v60 =	vshll.u32 v23, $0x8;
	v23 =	vshll.u32 v23, $0x7;
	v36 =	vshll.u32 v26, $0x3  }
0xe8: {  	v62 =	vshll.u32 v33, $0x3;
	v63 =	vshll.u32 v35, $0x3;
	v57 =	vand.u32 $0xF800, v57  }
0xe9: {  	v26 =	vand.u32 $0x7F, v26;
	v30 =	vand.u32 $0x380, v30;
	v0 =	vand.u32 $0x400, v0  }
0xea: {  	v33 =	vand.u32 $0x7F, v33;
	v35 =	vand.u32 $0x7F, v35;
	v61 =	vand.u32 $0x400, v36  }
0xeb: {  	v60 =	vand.u32 $0xF800, v60;
	v23 =	vand.u32 $0x380, v23;
	v0 =	vor.u32 v25, v0  }
0xec: {  	v25 =	vshll.u32 v24, $0x8;
	v62 =	vand.u32 $0x400, v62;
	v36 =	vor.u32 v57, v30  }
0xed: {  	v63 =	vand.u32 $0x400, v63;
	v26 =	vor.u32 v26, v61;
	v61 =	vshll.u32 v42, $0x8  }
0xee: {  	v40 =	vor.u32 v33, v36;
	v33 =	vor.u32 v33, v62;
	v5 =	vor.u32 v57, v0  }
0xef: {  	v36 =	vor.u32 v60, v23;
	v25 =	vand.u32 $0xF800, v25;
	v4 =	vor.u32 v60, v2  }
0xf0: {  	v7 =	vld.idx.msk [tilespmem:v7+s21+$0x0], $0xffff;
	v42 =	vshll.u32 v42, $0x7;
	v61 =	vand.u32 $0xF800, v61;
	v57 =	vor.u32 v35, v36  }
0xf1: {  	v35 =	vor.u32 v35, v63;
	v36 =	vnsel vm0, $0x0, v51;
	v42 =	vand.u32 $0x380, v42  }
0xf2: {  	v62 =	vor.u32 v62, v40;
	v33 =	vor.u32 v61, v33;
	v61 =	vor.u32 v61, v0  }
0xf3: {  	v35 =	vor.u32 v25, v35;
	v25 =	vor.u32 v25, v2;
	v60 =	vmin.u32 v36, $0xDF  }
0xf4: {  	v0 =	vshll.u32 v31, $0x8;
	v31 =	vshll.u32 v31, $0x7;
	v2 =	vshll.u32 v53, $0x3  }
0xf5: {  	v53 =	vand.u32 $0x7F, v53;
	v36 =	vor.u32 v63, v57;
	v57 =	vmul.f32 v21, v7  }
0xf6: {  	v0 =	vand.u32 $0xF800, v0;
	v31 =	vand.u32 $0x380, v31;
	v3 =	vand.u32 $0x400, v2  }
0xf7: {  	v2 =	vshll.u32 v60, $0x8;
	v40 =	vor.u32 v42, v61;
	v61 =	vor.u32 v42, v33  }
0xf8: {  	v7 =	vshll.u32 v60, $0x7;
	v2 =	vand.u32 $0xF800, v2;
	v15 =	vor.u32 v0, v31  }
0xf9: {  	v7 =	vand.u32 $0x380, v7;
	v15 =	vor.u32 v53, v15;
	v53 =	vor.u32 v53, v3  }
0xfa: {  	[tilespmem:$0x1FF90] =	vst v36;
	v53 =	vor.u32 v2, v53;
	v2 =	vor.u32 v2, v26;
	v33 =	vor.u32 v3, v15  }
0xfb: {  	v26 =	vor.u32 v0, v26;
	v0 =	vshll.u32 v24, $0x7;
	[tilespmem:$0x1FFC0] =	vst v33;
	v24 =	vor.u32 v7, v2  }
0xfc: {  	v42 =	vand.u32 $0x380, v0;
	v15 =	vor.u32 v7, v53;
	[tilespmem:$0x1FFD0] =	vst v24  }
0xfd: {  	s12 =	smul.u32 $0x700, s10;
	v60 =	vor.u32 v42, v25;
	[tilespmem:$0x1FFE0] =	vst v15  }
0xfe: {  	v3 =	vcvt.s32.f32 v55;
	v25 =	vor.u32 v42, v35;
	[tilespmem:$0x1FFA0] =	vst v60  }
0xff: {  	s3 =	ssub.s32 $0x0, s12;
	[tilespmem:$0x1FFB0] =	vst v25  }
0x100: {  	s13 =	simm.s32 $0x24;
	s3 =	sadd.s32 $0x100, s3;
	v63 =	vcvt.s32.f32 v41;
	v3 =	vsub.f32 v28, v3;
	v28 =	vor.u32 v31, v26;
	v26 =	vld.idx.msk [tilespmem:v9+s21+$0x0], $0xffff  }
0x101: {  	s15 =	simm.s32 $0x12;
	s5 =	sand.u32 $0x800, s13;
	s3 =	sand.u32 $0xFFFFFC00, s3;
	v35 =	vor.u32 v23, v4;
	v23 =	vld.idx.msk [tilespmem:v40+s26+$0x0], $0xffff  }
0x102: {  	s16 =	simm.s32 $0x20;
	s9 =	sand.u32 $0x380, s15;
	s3 =	sadd.s32 s3, s5;
	vm2 =	vlt.u32 v58, $0xE0;
	v6 =	vsub.f32 v6, v63;
	v2 =	vcvt.s32.f32 v54;
	v31 =	vld.idx.msk [tilespmem:v61+s26+$0x0], $0xffff  }
0x103: {  	s10 =	sand.u32 $0x60, s16;
	s3 =	sor.u32 s9, s3;
	vm0 =	vlt.u32 v59, $0xE0;
	v53 =	vor.u32 v30, v5;
	v5 =	vcvt.s32.f32 v49;
	v42 =	vld.idx.msk [tilespmem:v62+s26+$0x0], $0xffff  }
0x104: {  	s5 =	sor.u32 s10, s3;
	v7 =	vsub.f32 v10, v2;
	v10 =	vsub.f32 $1.000000000e+00, v6;
	v9 =	vcvt.s32.f32 v47;
	v36 =	vld.idx.msk [tilespmem:v36+s26+$0x0], $0xffff  }
0x105: {  	v2 =	vsub.f32 $1.000000000e+00, v3;
	v4 =	vnsel vm0, $0x0, v3;
	v3 =	vnsel vm2, $0x0, v6;
	[tilespmem:s5+$0x1DC00] =	vst v38;
	v6 =	vld.idx.msk [tilespmem:v33+s26+$0x0], $0xffff  }
0x106: {  	s14 =	smul.u32 $0xFFFFFF20, s2;
	v58 =	vld.idx.msk [tilespmem:v8+s21+$0x0], $0xffff  }
0x107: {  	s2 =	smul.u32 $0xFFFFF900, s2;
	vm3 =	vlt.u32 v56, $0xE0;
	v5 =	vsub.f32 v43, v5;
	v43 =	vsub.f32 v12, v9;
	v9 =	vld.idx.msk [tilespmem:v24+s26+$0x0], $0xffff  }
0x108: {  	v63 =	vsub.f32 $1.000000000e+00, v7;
	v12 =	vnsel vm3, $0x0, v7;
	v7 =	vld.idx.msk [tilespmem:v15+s26+$0x0], $0xffff  }
0x109: {  	s2 =	sadd.s32 $0x0, s2;
	s18 =	simm.s32 $0x0;
	vm1 =	vlt.u32 v55, $0xE0;
	vm0 =	vlt.u32 v51, $0xE0;
	v51 =	vld.idx.msk [tilespmem:v53+s26+$0x0], $0xffff  }
0x10a: {  	s2 =	sand.u32 $0xFFFFFC00, s2;
	s19 =	sand.u32 $0x800, s18;
	s20 =	simm.s32 $0x0;
	vm8 =	vlt.u32 v54, $0xE0;
	v0 =	vnsel vm1, $0x0, v2;
	vm1 =	vlt.u32 v41, $0xE0;
	v60 =	vld.idx.msk [tilespmem:v60+s26+$0x0], $0xffff  }
0x10b: {  	s2 =	sadd.s32 s2, s19;
	s6 =	sadd.s32 $0x0, s14;
	s3 =	sand.u32 $0x380, s20;
	v41 =	vnsel vm1, $0x0, v10;
	v10 =	vnsel vm8, $0x0, v63;
	v63 =	vld.idx.msk [tilespmem:v25+s26+$0x0], $0xffff  }
0x10c: {  	s6 =	sand.u32 $0x60, s6;
	s2 =	sor.u32 s3, s2;
	v56 =	vld.idx.msk [tilespmem:v35+s26+$0x0], $0xffff  }
0x10d: {  	s6 =	sor.u32 s6, s2;
	v38 =	vld.idx.msk [tilespmem:v28+s26+$0x0], $0xffff  }
0x10e: {  	vm1 =	vlt.u32 v47, $0xE0;
	v47 =	vld.idx.msk [tilespmem:v11+s21+$0x0], $0xffff;
	[dreg:$0x11] =	wrdreg s6  }
0x10f: {  	[tilespmem:s6+$0x1DC00] =	vst v37  }
0x110: {  	v2 =	vld [tilespmem:$0x1FEC0];
	_ =	sdelay $0x5  }
0x111: {  	v17 =	vld.idx.msk [tilespmem:v17+s21+$0x0], $0xffff  }
0x112: {  	v16 =	vld.idx.msk [tilespmem:v16+s21+$0x0], $0xffff  }
0x113: {  	vm10 =	vlt.u32 v48, $0xE0;
	v30 =	vcvt.s32.f32 v48;
	v48 =	vld.idx.msk [tilespmem:v2+s21+$0x0], $0xffff  }
0x114: {  	v9 =	vmul.f32 v0, v9;
	v38 =	vmul.f32 v0, v38;
	[tilespmem:$0x1FED0] =	vst v0;
	v0 =	vld [tilespmem:$0x1FEE0];
	_ =	sdelay $0x5  }
0x115: {  	s11 =	simm.s32 $0x100;
	v23 =	vmul.f32 v41, v23;
	v31 =	vmul.f32 v3, v31  }
0x116: {  	[dreg:$0x5] =	wrdreg s11  }
0x117: {  	v23 =	vadd.f32 v23, v31;
	v31 =	vsub.f32 $1.000000000e+00, v43;
	v2 =	vnsel vm0, $0x0, v43;
	v43 =	vld.idx.msk [tilespmem:v0+s21+$0x0], $0xffff  }
0x118: {  	v0 =	vld [tilespmem:$0x1FF10];
	_ =	sdelay $0x3  }
0x119: {  	v30 =	vsub.f32 v44, v30;
	vm2 =	vlt.u32 v52, $0xE0  }
0x11a: {  	v44 =	vsub.f32 $1.000000000e+00, v5;
	v5 =	vnsel vm2, $0x0, v5;
	vm3 =	vlt.u32 v50, $0xE0  }
0x11b: {  	v8 =	vnsel vm3, $0x0, v30;
	[tilespmem:$0x1FEF0] =	vst v5  }
0x11c: {  	[tilespmem:$0x1FF00] =	vst v8  }
0x11d: {  	s1 =	smul.u32 $0x700, s1;
	v59 =	vld.idx.msk [tilespmem:v0+s21+$0x0], $0xffff  }
0x11e: {  	v0 =	vld [tilespmem:$0x1FF40]  }
0x11f: {  	s1 =	ssub.s32 $0x200, s1;
	v42 =	vmul.f32 v3, v42  }
0x120: {  	s28 =	simm.s32 $0x8;
	s1 =	sadd.s32 $0x80, s1;
	s22 =	simm.s32 $0x5B;
	v33 =	vsub.f32 $1.000000000e+00, v30;
	v52 =	vmul.f32 v12, v36;
	v54 =	vmul.f32 v10, v60  }
0x121: {  	s1 =	sand.u32 $0xFFFFFC00, s1;
	s30 =	simm.s32 $0x100;
	s23 =	sand.u32 $0x800, s22;
	v36 =	vmul.f32 v12, v63;
	v60 =	vmul.f32 v4, v6  }
0x122: {  	s15 =	simm.s32 $0xB0;
	s22 =	simm.s32 $0x50;
	s1 =	sadd.s32 s1, s23;
	v63 =	vmul.f32 v4, v7;
	v6 =	vnsel vm10, $0x0, v33;
	v33 =	vmul.f32 v41, v51  }
0x123: {  	s25 =	simm.s32 $0x2D;
	s14 =	sand.u32 $0x7, s28;
	s12 =	sand.u32 $0xF00, s30;
	vm9 =	vlt.u32 v49, $0xE0;
	v30 =	vmul.f32 v10, v56;
	v11 =	vadd.f32 v54, v36  }
0x124: {  	s9 =	sand.u32 $0x380, s25;
	s25 =	sand.u32 $0x70, s22;
	s6 =	simm.s32 $0x0;
	v7 =	vnsel vm9, $0x0, v44;
	v54 =	vadd.f32 v9, v63;
	v42 =	vadd.f32 v33, v42;
	[tilespmem:$0x1FF20] =	vst v2  }
0x125: {  	s3 =	sor.u32 $0x1C000, s12;
	s12 =	sand.u32 $0x70, s15;
	s13 =	smul.u32 $0xFFFFFC80, s6;
	v23 =	vmul.f32 v23, v5;
	v30 =	vadd.f32 v30, v52;
	v38 =	vadd.f32 v38, v60;
	[tilespmem:$0x1FF30] =	vst v7  }
0x126: {  	s1 =	sor.u32 s9, s1;
	s18 =	sor.u32 s12, s3;
	v56 =	vmul.f32 v11, v8;
	v42 =	vmul.f32 v42, v7;
	s11 =	sshll.u32 s14, $0x4;
	v60 =	vld.idx.msk [tilespmem:v0+s21+$0x0], $0xffff;
	v0 =	vnsel vm1, $0x0, v31;
	[tilespmem:$0x1FF50] =	vst v6  }
0x127: {  	s23 =	sor.u32 s17, s6;
	s16 =	sshra.s32 s13, $0x2;
	v30 =	vmul.f32 v30, v6;
	v37 =	vmul.f32 v54, v2;
	s10 =	sadd.s32 $0x100, s11;
	v2 =	vld [tilespmem:$0x1FF60];
	[tilespmem:$0x1FF70] =	vst v0  }
0x128: {  	s30 =	scvt.s32.f32 s23;
	s19 =	sadd.s32 $0x1FCB0, s16;
	v17 =	vmul.f32 v18, v17;
	v63 =	vmul.f32 v18, v58;
	v23 =	vadd.f32 v23, v42;
	s20 =	sadd.s32 $0x30, s10;
	v33 =	vld [tilespmem:s18+$0x0]  }
0x129: {  	s1 =	sor.u32 s25, s1;
	v18 =	vadd.f32 v56, v30;
	s11 =	sor.u32 $0x80, s20;
	v55 =	vmul.f32 v14, v48;
	v30 =	vmul.f32 v13, v43;
	v54 =	vld [tilespmem:s19+$0x0]  }
0x12a: {  	s9 =	smul.f32 $1.004484300e+00, s30;
	v16 =	vmul.f32 v19, v16;
	v52 =	vmul.f32 v19, v47;
	v19 =	vld [tilespmem:s11+$0x1C000];
	[dreg:$0x7] =	wrdreg s1  }
0x12b: {  	p1 =	por !p1, !p1;
	s12 =	simm.s32 $0x80;
	v21 =	vmul.f32 v21, v26;
	[tilespmem:s1+$0x1DC00] =	vst v23;
	v23 =	vadd.f32 v55, v30  }
0x12c: {  	s13 =	simm.s32 $0x80;
	s16 =	simm.s32 $0x4;
	s15 =	sadd.f32 $-5.000000000e-01, s9  }
0x12d: {  	v21 =	vadd.f32 v39, v21;
	s14 =	sand.u32 $0x40, s12;
	v31 =	vmul.f32 v38, v0;
	s18 =	simm.s32 $0x90;
	[dreg:$0xd] =	wrdreg s13;
	v0 =	vmul.f32 v23, v34  }
0x12e: {  	s12 =	sand.u32 $0x3, s16;
	s1 =	sor.u32 s14, s3;
	s14 =	sand.u32 $0x50, s18;
	v30 =	vld.idx.msk [tilespmem:v53+s21+$0x0], $0xffff  }
0x12f: {  	v39 =	vmul.f32 v21, v20;
	v16 =	vadd.f32 v17, v16;
	s16 =	simm.s32 $0xA0;
	s12 =	sshll.u32 s12, $0x5;
	v26 =	vadd.f32 v2, v57;
	s14 =	sor.u32 s14, s3;
	v56 =	vld [tilespmem:s1+$0x0];
	[tilespmem:$0x1FF80] =	vst v0  }
0x130: {  	s12 =	sadd.s32 $0x100, s12;
	s10 =	sadd.s32 $0x10, s10;
	v14 =	vmul.f32 v14, v59;
	v21 =	vadd.f32 v37, v31;
	s13 =	simm.s32 $0x1;
	v13 =	vmul.f32 v13, v60;
	v37 =	vld [tilespmem:s14+$0x0]  }
0x131: {  	s12 =	sadd.s32 $0x20, s12;
	s20 =	sor.u32 $0x80, s10;
	v22 =	vmul.f32 v26, v22;
	v38 =	vadd.f32 v63, v52;
	s13 =	simm.s32 @!p1 $0x0;
	v26 =	vmul.f32 $1.004484300e+00, v33;
	v42 =	vld.idx.msk [tilespmem:v62+s21+$0x0], $0xffff  }
0x132: {  	s16 =	sand.u32 $0x60, s16;
	s12 =	sor.u32 $0x80, s12;
	v2 =	vadd.f32 v46, v45;
	s13 =	sshll.u32 s13, $0x6;
	v14 =	vadd.f32 v14, v13;
	v17 =	vmul.f32 $1.004484300e+00, v19;
	v46 =	vld [tilespmem:s20+$0x1C000]  }
0x133: {  	s25 =	simm.s32 $0x0;
	v16 =	vmul.f32 v16, v32;
	v27 =	vmul.f32 v38, v27;
	s3 =	sor.u32 s16, s3;
	s13 =	sadd.s32 $0x100, s13;
	v34 =	vld [tilespmem:s12+$0x1C000];
	v20 =	vadd.f32 v54, v26  }
0x134: {  	v5 =	vadd.f32 v39, v22;
	v44 =	vld [tilespmem:s3+$0x0];
	s22 =	sor.u32 $0x80, s13;
	s3 =	sor.u32 s17, s25;
	v14 =	vmul.f32 v14, v29;
	v17 =	vadd.f32 s15, v17  }
0x135: {  	v6 =	vadd.f32 v16, v27;
	v49 =	vld [tilespmem:s22+$0x1C000];
	s3 =	scvt.s32.f32 s3;
	v29 =	vmul.f32 $1.004484300e+00, v56;
	v19 =	vtrunc.f32 v20  }
0x136: {  	v26 =	vtrunc.f32 v17;
	v22 =	vcvt.f32.s32 v19;
	vm0 =	vlt.f32 v20, v19  }
0x137: {  	s3 =	smul.f32 $1.004484300e+00, s3;
	v19 =	vmul.f32 v41, v30;
	v23 =	vsel vm0, $0xFFFFFFFF, v1;
	v37 =	vmul.f32 $1.004484300e+00, v37  }
0x138: {  	vm0 =	vlt.f32 v17, v26;
	v46 =	vmul.f32 $1.004484300e+00, v46;
	v34 =	vmul.f32 $1.004484300e+00, v34  }
0x139: {  	s3 =	sadd.f32 $-5.000000000e-01, s3;
	v42 =	vmul.f32 v3, v42;
	v22 =	vadd.s32 v22, v23;
	v23 =	vcvt.f32.s32 v26  }
0x13a: {  	v30 =	vsel vm0, $0xFFFFFFFF, v1;
	v27 =	vmul.f32 $1.004484300e+00, v49;
	vm1 =	vgt.s32 v22, $0x0  }
0x13b: {  	v26 =	vadd.s32 $0x1, v22;
	v8 =	vadd.f32 s3, v46;
	v31 =	vnsel vm1, $0x0, v22  }
0x13c: {  	vm0 =	vgt.s32 v26, $0x0;
	v23 =	vadd.s32 v23, v30;
	vm1 =	vlt.u32 v26, $0xE0  }
0x13d: {  	v30 =	vmin.u32 v31, $0xDF;
	v31 =	vnsel vm0, $0x0, v26;
	vm0 =	vgt.s32 v23, $0x0  }
0x13e: {  	v32 =	vadd.s32 $0x1, v23;
	v38 =	vcvt.s32.f32 v23;
	v57 =	vand.u32 $0x7F, v30  }
0x13f: {  	v31 =	vmin.u32 v31, $0xDF;
	v58 =	vnsel vm0, $0x0, v23;
	v30 =	vshll.u32 v30, $0x3  }
0x140: {  	s11 =	simm.s32 $0x0;
	vm0 =	vgt.s32 v32, $0x0;
	v30 =	vand.u32 $0x400, v30;
	v59 =	vand.u32 $0x7F, v31  }
0x141: {  	s19 =	smul.u32 $0xFFFFFC80, s11;
	s1 =	simm.s32 $0x0;
	v39 =	vmin.u32 v58, $0xDF;
	v60 =	vnsel vm0, $0x0, v32;
	v31 =	vshll.u32 v31, $0x3  }
0x142: {  	s23 =	simm.s32 $0x0;
	s9 =	simm.s32 $0x0;
	s15 =	smul.u32 $0xFFFFFC80, s1;
	v45 =	vmin.u32 v60, $0xDF;
	v30 =	vor.u32 v57, v30;
	v31 =	vand.u32 $0x400, v31  }
0x143: {  	s30 =	smul.u32 $0xFFFFFC80, s9;
	s14 =	sshra.s32 s19, $0x2;
	s13 =	sor.u32 s17, s23;
	v62 =	vshll.u32 v39, $0x8;
	v39 =	vshll.u32 v39, $0x7;
	v63 =	vshll.u32 v45, $0x7  }
0x144: {  	s14 =	sadd.s32 $0x1FC80, s14;
	s13 =	scvt.s32.f32 s13;
	s18 =	sshra.s32 s15, $0x2;
	v47 =	vand.u32 $0xF800, v62;
	v39 =	vand.u32 $0x380, v39;
	v33 =	vor.u32 v59, v31  }
0x145: {  	s2 =	simm.s32 $0x0;
	s12 =	sshra.s32 s30, $0x2;
	v51 =	vld [tilespmem:s14+$0x0];
	s10 =	sadd.s32 $0x1FC90, s18;
	v45 =	vshll.u32 v45, $0x8;
	v56 =	vor.u32 v47, v30;
	v47 =	vor.u32 v47, v39  }
0x146: {  	s12 =	sadd.s32 $0x1FCA0, s12;
	s20 =	smul.f32 $1.004484300e+00, s13;
	v57 =	vld [tilespmem:s10+$0x0];
	[dreg:$0x3] =	wrdreg s17;
	v52 =	vor.u32 v39, v56;
	v58 =	vor.u32 v59, v47;
	v59 =	vand.u32 $0xF800, v45  }
0x147: {  	s19 =	sor.u32 s17, s2;
	v60 =	vld [tilespmem:s12+$0x0];
	v62 =	vand.u32 $0x380, v63;
	v31 =	vor.u32 v31, v58;
	v30 =	vor.u32 v59, v30  }
0x148: {  	s10 =	scvt.s32.f32 s19;
	v40 =	vld.idx.msk [tilespmem:v40+s21+$0x0], $0xffff;
	s12 =	sadd.f32 $-5.000000000e-01, s20;
	v63 =	vmul.f32 $1.004484300e+00, v44;
	v43 =	vor.u32 v59, v33;
	v30 =	vor.u32 v62, v30  }
0x149: {  	v44 =	vsub.f32 v17, v38;
	v17 =	vadd.f32 v19, v42;
	v43 =	vor.u32 v62, v43  }
0x14a: {  	vm0 =	vlt.u32 v22, $0xE0;
	s10 =	smul.f32 $1.004484300e+00, s10;
	v39 =	vadd.f32 v51, v29;
	v7 =	vadd.f32 s12, v27  }
0x14b: {  	v33 =	vcvt.s32.f32 v22;
	v59 =	vtrunc.f32 v8;
	v47 =	vadd.f32 v57, v37;
	v29 =	vld.idx.msk [tilespmem:v52+s26+$0x0], $0xffff  }
0x14c: {  	s10 =	sadd.f32 $-5.000000000e-01, s10;
	v46 =	vtrunc.f32 v39;
	vm3 =	vlt.f32 v8, v59;
	v48 =	vadd.f32 v60, v63;
	v45 =	vld.idx.msk [tilespmem:v31+s26+$0x0], $0xffff  }
0x14d: {  	v16 =	vmul.f32 v41, v40;
	v20 =	vsub.f32 v20, v33;
	v22 =	vcvt.f32.s32 v46;
	v27 =	vld.idx.msk [tilespmem:v30+s26+$0x0], $0xffff  }
0x14e: {  	v60 =	vadd.f32 s10, v34;
	v57 =	vtrunc.f32 v47;
	v63 =	vtrunc.f32 v48;
	v58 =	vld.idx.msk [tilespmem:v43+s26+$0x0], $0xffff  }
0x14f: {  	v36 =	vsub.f32 $1.000000000e+00, v20;
	v20 =	vnsel vm1, $0x0, v20;
	vm1 =	vlt.u32 v32, $0xE0  }
0x150: {  	v42 =	vnsel vm1, $0x0, v44;
	vm2 =	vlt.f32 v48, v63;
	v62 =	vcvt.f32.s32 v63  }
0x151: {  	v63 =	vcvt.f32.s32 v59;
	v26 =	vnsel vm0, $0x0, v36;
	vm0 =	vlt.u32 v23, $0xE0  }
0x152: {  	v23 =	vsub.f32 $1.000000000e+00, v44;
	v29 =	vmul.f32 v26, v29;
	v50 =	vmul.f32 v20, v45  }
0x153: {  	vm1 =	vlt.f32 v47, v57;
	v19 =	vmul.f32 v26, v27;
	v27 =	vmul.f32 v20, v58  }
0x154: {  	s22 =	smul.u32 $0x700, s6;
	v38 =	vsel vm2, $0xFFFFFFFF, v1;
	v23 =	vnsel vm0, $0x0, v23;
	vm0 =	vlt.f32 v39, v46  }
0x155: {  	v46 =	vcvt.f32.s32 v57;
	v29 =	vadd.f32 v29, v50;
	v19 =	vadd.f32 v19, v27  }
0x156: {  	s3 =	ssub.s32 $0x400, s22;
	v55 =	vadd.s32 v62, v38;
	v45 =	vtrunc.f32 v60;
	v27 =	vtrunc.f32 v7  }
0x157: {  	s23 =	simm.s32 $0xC9;
	s3 =	sadd.s32 $0x180, s3;
	v57 =	vadd.s32 $0x1, v55;
	v29 =	vmul.f32 v29, v23;
	v19 =	vmul.f32 v19, v42  }
0x158: {  	s25 =	simm.s32 $0x64;
	s6 =	sand.u32 $0x800, s23;
	s3 =	sand.u32 $0xFFFFFC00, s3;
	vm12 =	vgt.s32 v57, $0x0;
	v33 =	vcvt.f32.s32 v45;
	v36 =	vcvt.f32.s32 v27  }
0x159: {  	s30 =	simm.s32 $0xB0;
	s3 =	sadd.s32 s3, s6;
	s10 =	sand.u32 $0x380, s25;
	vm11 =	vlt.f32 v7, v27;
	v19 =	vadd.f32 v19, v29;
	v29 =	vsel vm0, $0xFFFFFFFF, v1  }
0x15a: {  	s2 =	sand.u32 $0x70, s30;
	s3 =	sor.u32 s10, s3;
	v27 =	vsel vm3, $0xFFFFFFFF, v1;
	vm0 =	vlt.f32 v60, v45;
	v56 =	vadd.s32 v22, v29  }
0x15b: {  	s15 =	sor.u32 s2, s3;
	v22 =	vsel vm11, $0xFFFFFFFF, v1;
	v45 =	vsel vm0, $0xFFFFFFFF, v1;
	v29 =	vadd.s32 v63, v27  }
0x15c: {  	[tilespmem:s15+$0x1DC00] =	vst v19;
	v19 =	vsel vm1, $0xFFFFFFFF, v1;
	v27 =	vadd.s32 v36, v22;
	v32 =	vadd.s32 v33, v45  }
0x15d: {  	vm0 =	vgt.s32 v29, $0x0;
	v53 =	vadd.s32 $0x1, v29;
	vm2 =	vgt.s32 v56, $0x0  }
0x15e: {  	v44 =	vld.idx.msk [tilespmem:v52+s21+$0x0], $0xffff;
	v51 =	vadd.s32 v46, v19;
	vm1 =	vgt.s32 v32, $0x0;
	v9 =	vadd.s32 $0x1, v32  }
0x15f: {  	v19 =	vld.idx.msk [tilespmem:v30+s21+$0x0], $0xffff;
	v30 =	vnsel vm0, $0x0, v29;
	vm0 =	vgt.s32 v55, $0x0;
	vm14 =	vgt.s32 v53, $0x0  }
0x160: {  	v31 =	vld.idx.msk [tilespmem:v31+s21+$0x0], $0xffff;
	v49 =	vnsel vm2, $0x0, v56;
	v58 =	vadd.s32 $0x1, v51;
	vm13 =	vgt.s32 v51, $0x0  }
0x161: {  	v22 =	vld.idx.msk [tilespmem:v43+s21+$0x0], $0xffff;
	v30 =	vmin.u32 v30, $0xDF;
	v59 =	vnsel vm14, $0x0, v53;
	vm3 =	vgt.s32 v58, $0x0  }
0x162: {  	v50 =	vnsel vm13, $0x0, v51;
	v34 =	vmin.u32 v59, $0xDF;
	v63 =	vshll.u32 v30, $0x8  }
0x163: {  	v30 =	vshll.u32 v30, $0x7;
	v59 =	vadd.s32 $0x1, v27;
	v37 =	vand.u32 $0xF800, v63  }
0x164: {  	v63 =	vand.u32 $0x380, v30;
	v30 =	vshll.u32 v34, $0x8;
	vm2 =	vgt.s32 v59, $0x0  }
0x165: {  	v30 =	vand.u32 $0xF800, v30;
	v46 =	vmul.f32 v26, v44;
	v31 =	vmul.f32 v20, v31  }
0x166: {  	v19 =	vmul.f32 v26, v19;
	v20 =	vmul.f32 v20, v22;
	v22 =	vnsel vm1, $0x0, v32  }
0x167: {  	vm1 =	vgt.s32 v9, $0x0;
	v26 =	vnsel vm3, $0x0, v58;
	v22 =	vmin.u32 v22, $0xDF  }
0x168: {  	v62 =	vnsel vm1, $0x0, v9;
	v31 =	vadd.f32 v46, v31;
	v19 =	vadd.f32 v19, v20  }
0x169: {  	v20 =	vnsel vm12, $0x0, v57;
	v41 =	vmin.u32 v62, $0xDF;
	v45 =	vshll.u32 v22, $0x8  }
0x16a: {  	v22 =	vshll.u32 v22, $0x7;
	v20 =	vmin.u32 v20, $0xDF;
	v40 =	vand.u32 $0xF800, v45  }
0x16b: {  	v44 =	vand.u32 $0x380, v22;
	v23 =	vmul.f32 v31, v23;
	v19 =	vmul.f32 v19, v42  }
0x16c: {  	v31 =	vnsel vm0, $0x0, v55;
	v33 =	vshll.u32 v20, $0x3;
	v20 =	vand.u32 $0x7F, v20  }
0x16d: {  	v45 =	vor.u32 v40, v44;
	vm0 =	vgt.s32 v27, $0x0;
	v31 =	vmin.u32 v31, $0xDF  }
0x16e: {  	s10 =	smul.u32 $0x700, s8;
	v62 =	vor.u32 v20, v45;
	v54 =	vadd.f32 v19, v23;
	v19 =	vmin.u32 v49, $0xDF  }
0x16f: {  	v23 =	vmin.u32 v26, $0xDF;
	v26 =	vmin.u32 v50, $0xDF;
	v52 =	vshll.u32 v31, $0x3  }
0x170: {  	s3 =	ssub.s32 $0x200, s10;
	v50 =	vand.u32 $0x400, v33;
	v31 =	vand.u32 $0x7F, v31;
	v46 =	vshll.u32 v19, $0x3  }
0x171: {  	s12 =	simm.s32 $0x6D;
	s3 =	sadd.s32 $0x100, s3;
	v43 =	vshll.u32 v23, $0x3;
	v38 =	vshll.u32 v26, $0x3;
	v19 =	vand.u32 $0x7F, v19  }
0x172: {  	s13 =	simm.s32 $0x36;
	s8 =	sand.u32 $0x800, s12;
	s3 =	sand.u32 $0xFFFFFC00, s3;
	v23 =	vand.u32 $0x7F, v23;
	v36 =	vand.u32 $0x400, v52;
	v26 =	vand.u32 $0x7F, v26  }
0x173: {  	s14 =	simm.s32 $0x60;
	s10 =	sand.u32 $0x380, s13;
	s3 =	sadd.s32 s3, s8;
	v20 =	vor.u32 v20, v50;
	v42 =	vand.u32 $0x400, v46;
	v33 =	vand.u32 $0x400, v38  }
0x174: {  	s17 =	sand.u32 $0x60, s14;
	s3 =	sor.u32 s10, s3;
	v38 =	vor.u32 v37, v63;
	v31 =	vor.u32 v31, v36;
	v22 =	vor.u32 v19, v42  }
0x175: {  	s3 =	sor.u32 s17, s3;
	v19 =	vshll.u32 v41, $0x8;
	v42 =	vand.u32 $0x400, v43;
	v26 =	vor.u32 v26, v33  }
0x176: {  	[dreg:$0x9] =	wrdreg s3;
	v43 =	vor.u32 v23, v38;
	v38 =	vadd.s32 $0x1, v56;
	v45 =	vor.u32 v40, v31  }
0x177: {  	[tilespmem:s3+$0x1DC00] =	vst v18;
	v19 =	vand.u32 $0xF800, v19;
	v23 =	vor.u32 v23, v42;
	vm1 =	vgt.s32 v38, $0x0  }
0x178: {  	v1 =	vld [tilespmem:$0x1FF90];
	v23 =	vor.u32 v30, v23;
	v30 =	vor.u32 v30, v26;
	v26 =	vor.u32 v37, v26  }
0x179: {  	v24 =	vor.u32 v19, v20;
	v37 =	vor.u32 v19, v31;
	v19 =	vnsel vm0, $0x0, v27  }
0x17a: {  	v20 =	vnsel vm1, $0x0, v38;
	v31 =	vnsel vm2, $0x0, v59;
	v19 =	vmin.u32 v19, $0xDF  }
0x17b: {  	v20 =	vmin.u32 v20, $0xDF;
	v31 =	vmin.u32 v31, $0xDF;
	v46 =	vshll.u32 v19, $0x8  }
0x17c: {  	v19 =	vshll.u32 v19, $0x7;
	v0 =	vshll.u32 v20, $0x3;
	v20 =	vand.u32 $0x7F, v20  }
0x17d: {  	v40 =	vand.u32 $0xF800, v46;
	v33 =	vand.u32 $0x380, v19;
	v19 =	vshll.u32 v31, $0x8  }
0x17e: {  	v15 =	vand.u32 $0x400, v0;
	v0 =	vand.u32 $0xF800, v19;
	v19 =	vor.u32 v40, v33  }
0x17f: {  	v49 =	vor.u32 v20, v19;
	v20 =	vor.u32 v20, v15  }
0x180: {  	v25 =	vor.u32 v0, v20;
	v20 =	vld.idx.msk [tilespmem:v1+s21+$0x0], $0xffff  }
0x181: {  	v1 =	vld [tilespmem:$0x1FFA0]  }
0x182: {  	s16 =	smul.u32 $0xFFFFF900, s7;
	_ =	sdelay $0x1  }
0x183: {  	s7 =	smul.u32 $0xFFFFFF20, s7;
	s18 =	simm.s32 $0x49;
	s19 =	sadd.s32 $0x200, s16  }
0x184: {  	s22 =	simm.s32 $0x24;
	s20 =	sand.u32 $0x800, s18;
	s23 =	sand.u32 $0xFFFFFC00, s19  }
0x185: {  	s7 =	sadd.s32 $0x40, s7;
	s8 =	sand.u32 $0x380, s22;
	s3 =	sadd.s32 s23, s20  }
0x186: {  	s7 =	sand.u32 $0x60, s7;
	s3 =	sor.u32 s8, s3  }
0x187: {  	s13 =	sor.u32 s7, s3  }
0x188: {  	v52 =	vor.u32 v40, v22;
	v0 =	vor.u32 v0, v22;
	[tilespmem:s13+$0x1DC00] =	vst v21;
	v22 =	vld.idx.msk [tilespmem:v1+s21+$0x0], $0xffff  }
0x189: {  	v1 =	vld [tilespmem:$0x1FFB0];
	_ =	sdelay $0x1  }
0x18a: {  	v34 =	vshll.u32 v34, $0x7  }
0x18b: {  	v34 =	vand.u32 $0x380, v34  }
0x18c: {  	v43 =	vor.u32 v42, v43;
	v42 =	vor.u32 v34, v30;
	v40 =	vor.u32 v34, v23  }
0x18d: {  	v23 =	vshll.u32 v41, $0x7;
	v30 =	vor.u32 v15, v49;
	v15 =	vshll.u32 v31, $0x7  }
0x18e: {  	v31 =	vand.u32 $0x380, v23;
	v15 =	vand.u32 $0x380, v15  }
0x18f: {  	v37 =	vor.u32 v31, v37;
	v34 =	vor.u32 v31, v24;
	v31 =	vor.u32 v15, v0;
	v0 =	vld [tilespmem:$0x1FFD0]  }
0x190: {  	v21 =	vld.idx.msk [tilespmem:v1+s21+$0x0], $0xffff  }
0x191: {  	v1 =	vld [tilespmem:$0x1FFC0];
	_ =	sdelay $0x3  }
0x192: {  	v18 =	vld.idx.msk [tilespmem:v61+s21+$0x0], $0xffff  }
0x193: {  	s9 =	smul.u32 $0x700, s9;
	v19 =	vld.idx.msk [tilespmem:v35+s21+$0x0], $0xffff  }
0x194: {  	s30 =	smul.u32 $0xFFFFFF20, s11;
	v23 =	vld.idx.msk [tilespmem:v28+s21+$0x0], $0xffff  }
0x195: {  	s1 =	smul.u32 $0x700, s1;
	v28 =	vor.u32 v15, v25;
	v25 =	vld.idx.msk [tilespmem:v0+s21+$0x0], $0xffff  }
0x196: {  	s9 =	ssub.s32 $0x400, s9;
	s25 =	smul.u32 $0xFFFFF900, s11;
	s11 =	simm.s32 $0x8;
	v46 =	vcvt.s32.f32 v56;
	v35 =	vor.u32 v50, v62;
	v24 =	vld.idx.msk [tilespmem:v1+s21+$0x0], $0xffff  }
0x197: {  	s9 =	sadd.s32 $0x100, s9;
	s1 =	ssub.s32 $0x400, s1;
	vm15 =	vlt.u32 v51, $0xE0;
	[dreg:$0xf] =	wrdreg s11;
	v1 =	vld [tilespmem:$0x1FFE0]  }
0x198: {  	s29 =	simm.s32 $0x1FC80;
	s9 =	sand.u32 $0xFFFFFC00, s9;
	s1 =	sadd.s32 $0x80, s1;
	vm3 =	vlt.u32 v58, $0xE0;
	v36 =	vcvt.s32.f32 v29;
	v61 =	vsub.f32 v39, v46;
	v49 =	vld.idx.msk [tilespmem:v43+s26+$0x0], $0xffff  }
0x199: {  	s1 =	sand.u32 $0xFFFFFC00, s1;
	s6 =	simm.s32 $0x24928;
	s14 =	simm.s32 $0xB6;
	vm1 =	vlt.u32 v38, $0xE0;
	vm2 =	vlt.u32 v56, $0xE0;
	v50 =	vor.u32 v63, v26;
	v62 =	vld.idx.msk [tilespmem:v42+s26+$0x0], $0xffff  }
0x19a: {  	s16 =	simm.s32 $0x49;
	s18 =	simm.s32 $0x5B;
	s19 =	simm.s32 $0x90;
	v39 =	vor.u32 v33, v52;
	v52 =	vsub.f32 $1.000000000e+00, v61;
	v0 =	vcvt.s32.f32 v51;
	v63 =	vld.idx.msk [tilespmem:v40+s26+$0x0], $0xffff  }
0x19b: {  	s12 =	simm.s32 $0xA4;
	s22 =	simm.s32 $0x1FCB0;
	s10 =	simm.s32 $0x92;
	vm0 =	vlt.u32 v57, $0xE0;
	v41 =	vor.u32 v44, v45;
	v15 =	vcvt.s32.f32 v55;
	v44 =	vld.idx.msk [tilespmem:v35+s26+$0x0], $0xffff  }
0x19c: {  	s17 =	simm.s32 $0x52;
	s23 =	simm.s32 $0x32497;
	s20 =	simm.s32 $0xA0;
	v56 =	vcvt.s32.f32 v32;
	v51 =	vnsel vm2, $0x0, v52;
	v0 =	vsub.f32 v47, v0;
	v52 =	vld.idx.msk [tilespmem:v37+s26+$0x0], $0xffff  }
0x19d: {  	s8 =	sand.u32 $0x800, s10;
	s10 =	sand.u32 $0x800, s12;
	s3 =	sadd.s32 $0x400, s25;
	v57 =	vsub.f32 v8, v36;
	v45 =	vcvt.s32.f32 v27;
	v15 =	vsub.f32 v48, v15;
	v46 =	vld.idx.msk [tilespmem:v34+s26+$0x0], $0xffff  }
0x19e: {  	s1 =	sadd.s32 s1, s10;
	s7 =	sadd.s32 $0x80, s30;
	s10 =	sand.u32 $0x380, s16;
	v56 =	vsub.f32 v60, v56;
	v47 =	vnsel vm1, $0x0, v61;
	v38 =	vsub.f32 $1.000000000e+00, v0;
	v61 =	vld.idx.msk [tilespmem:v30+s26+$0x0], $0xffff  }
0x19f: {  	s25 =	sand.u32 $0x70, s19;
	s30 =	sand.u32 $0x60, s20;
	s3 =	sand.u32 $0xFFFFFC00, s3;
	v45 =	vsub.f32 v7, v45;
	v48 =	vsub.f32 $1.000000000e+00, v15;
	v15 =	vnsel vm0, $0x0, v15;
	v26 =	vld.idx.msk [tilespmem:v1+s21+$0x0], $0xffff  }
0x1a0: {  	s20 =	simm.s32 $0x6;
	s3 =	sadd.s32 s3, s8;
	s8 =	sand.u32 $0x800, s14;
	vm2 =	vlt.u32 v55, $0xE0;
	v55 =	vnsel vm3, $0x0, v0;
	v33 =	vnsel vm15, $0x0, v38;
	v1 =	vld [tilespmem:$0x1FFF0]  }
0x1a1: {  	s7 =	sand.u32 $0x60, s7;
	s14 =	simm.s32 $0x40006;
	s8 =	sadd.s32 s9, s8;
	vm0 =	vlt.u32 v59, $0xE0;
	v58 =	vld.idx.msk [tilespmem:v31+s26+$0x0], $0xffff;
	v0 =	vmul.f32 v33, v62;
	v63 =	vmul.f32 v55, v63;
	[tilespmem:s24+$0x1E400] =	vst v2  }
0x1a2: {  	s3 =	sor.u32 s10, s3;
	s9 =	sand.u32 $0x380, s17;
	s10 =	sand.u32 $0x380, s18;
	v48 =	vnsel vm2, $0x0, v48;
	vm2 =	vlt.u32 v9, $0xE0;
	vm1 =	vlt.u32 v53, $0xE0;
	v60 =	vld.idx.msk [tilespmem:v28+s26+$0x0], $0xffff;
	[tilespmem:s4+$0x1E400] =	vst v5  }
0x1a3: {  	s17 =	simm.s32 $0x3B6E1;
	s1 =	sor.u32 s9, s1;
	s8 =	sor.u32 s10, s8;
	v53 =	vsub.f32 $1.000000000e+00, v56;
	v36 =	vmul.f32 v55, v49;
	v49 =	vadd.f32 v0, v63;
	v63 =	vld.idx.msk [tilespmem:v50+s26+$0x0], $0xffff;
	[tilespmem:s5+$0x1E400] =	vst v6  }
0x1a4: {  	s2 =	sor.u32 s7, s3;
	s9 =	simm.s32 $0x400;
	s31 =	sor.u32 s25, s1;
	v38 =	vsub.f32 $1.000000000e+00, v45;
	v59 =	vld.idx.msk [tilespmem:v41+s26+$0x0], $0xffff;
	v62 =	vsub.f32 $1.000000000e+00, v57;
	v44 =	vmul.f32 v15, v44;
	[tilespmem:s15+$0x1E400] =	vst v54  }
0x1a5: {  	s7 =	sor.u32 s30, s8;
	v46 =	vmul.f32 v15, v46;
	s4 =	simm.s32 $0x1FC90;
	s24 =	simm.s32 $0x1FCA0;
	v54 =	vmul.f32 v48, v52;
	v52 =	vld.idx.msk [tilespmem:v39+s26+$0x0], $0xffff;
	v2 =	vimm.s32 $0x0;
	[tilespmem:s0+$0x1E400] =	vst v1  }
.LBB2_6:
0x1a6: {  	v1 =	vld [tilespmem:$0x1FF80];
	_ =	sdelay $0x1  }
0x1a7: {  	v0 =	vmul.f32 v47, v61;
	v61 =	vmul.f32 v33, v63  }
0x1a8: {  	vm3 =	vlt.u32 v29, $0xE0;
	vm4 =	vlt.u32 v32, $0xE0  }
0x1a9: {  	v29 =	vadd.f32 v54, v46;
	v46 =	vnsel vm3, $0x0, v62;
	v36 =	vadd.f32 v61, v36  }
0x1aa: {  	v32 =	vmul.f32 v47, v60;
	v60 =	vnsel vm1, $0x0, v57;
	v13 =	vadd.f32 v14, v1;
	v1 =	vld [tilespmem:$0x1FED0]  }
0x1ab: {  	v49 =	vmul.f32 v49, v60;
	v36 =	vmul.f32 v36, v46;
	_ =	sdelay $0x1  }
0x1ac: {  	v14 =	vadd.f32 v49, v36;
	_ =	sdelay $0x1  }
0x1ad: {  	[tilespmem:s31+$0x1DC00] =	vst v14;
	v14 =	vmul.f32 v1, v23;
	v23 =	vmul.f32 v1, v25;
	v1 =	vmov v51  }
0x1ae: {  	[tilespmem:$0x1FED0] =	vst v1;
	v1 =	vld [tilespmem:$0x1FF30];
	_ =	sdelay $0x1  }
0x1af: {  	[smem:$0x7F1] =	sst s31  }
0x1b0: {  	[dreg:$0x16] =	wrdreg s13;
	s15 =	sshrl.u32 s14, $0x12;
	p1 =	por !p1, !p1;
	v19 =	vmul.f32 v10, v19;
	v20 =	vmul.f32 v12, v20  }
0x1b1: {  	s6 =	sadd.s32 $0x12494, s6;
	s18 =	sshrl.u32 s17, $0x12;
	s16 =	rddreg [dreg:$0xd]  }
0x1b2: {  	s1 =	simm.s32 $0x1;
	s5 =	sand.u32 $0x3, s20;
	s25 =	rddreg [dreg:$0x5];
	v19 =	vadd.f32 v19, v20;
	v20 =	vmul.f32 v17, v1;
	v1 =	vld [tilespmem:$0x1FEF0]  }
0x1b3: {  	s23 =	sadd.s32 $0x12494, s23;
	s22 =	sadd.s32 $0x40, s22;
	v18 =	vmul.f32 v3, v18;
	[dreg:$0xb] =	wrdreg s6  }
0x1b4: {  	s1 =	simm.s32 @!p1 $0x0;
	s19 =	sshrl.u32 s6, $0x12;
	s0 =	sshll.u32 s15, $0x5  }
0x1b5: {  	s11 =	smul.u32 $0xFFFFFC80, s18;
	s12 =	sshll.u32 s18, $0x5;
	s6 =	rddreg [dreg:$0x3];
	v18 =	vadd.f32 v16, v18  }
0x1b6: {  	s5 =	sshll.u32 s5, $0x5;
	[dreg:$0x1c] =	wrdreg s0;
	s10 =	smul.u32 $0xFFFFFF20, s19  }
0x1b7: {  	[smem:$0x7F0] =	sst s12;
	s3 =	sshll.u32 s1, $0x6;
	s13 =	smul.u32 $0xFFFFFC80, s19;
	v18 =	vmul.f32 v18, v1;
	v1 =	vmov v60  }
0x1b8: {  	s0 =	sadd.s32 $0x40, s16;
	[dreg:$0x18] =	wrdreg s11;
	s11 =	sadd.s32 $0x4, s28;
	[tilespmem:$0x1FEF0] =	vst v1;
	v1 =	vld [tilespmem:$0x1FF50]  }
0x1b9: {  	s30 =	sadd.s32 $0x30, s0;
	s1 =	sadd.s32 $0x10, s0;
	[smem:$0x7EF] =	sst s10  }
0x1ba: {  	vm5 =	vlt.u32 v27, $0xE0;
	v27 =	vmul.f32 v51, v58;
	[dreg:$0x1a] =	wrdreg s13;
	v52 =	vmul.f32 v51, v52;
	s13 =	sadd.s32 $0x80, s25;
	s25 =	sshrl.u32 s23, $0x12  }
0x1bb: {  	v45 =	vnsel vm0, $0x0, v45;
	s10 =	sand.u32 $0x7, s11;
	[dreg:$0x14] =	wrdreg s30;
	s16 =	sand.u32 $0x70, s30  }
0x1bc: {  	v10 =	vmul.f32 v10, v22;
	s26 =	sand.u32 $0xF00, s13;
	s8 =	smul.u32 $0xFFFFFC80, s25;
	s12 =	sshll.u32 s10, $0x4;
	v27 =	vadd.f32 v27, v32;
	v0 =	vadd.f32 v52, v0  }
0x1bd: {  	v12 =	vmul.f32 v12, v21;
	v38 =	vnsel vm5, $0x0, v38;
	s5 =	sadd.s32 s13, s5;
	s28 =	sor.u32 s6, s25;
	s10 =	sor.u32 $0x1C000, s26;
	v19 =	vmul.f32 v19, v1;
	v1 =	vld [tilespmem:$0x1FF00]  }
0x1be: {  	s12 =	sadd.s32 s13, s12;
	s8 =	sshra.s32 s8, $0x2;
	s16 =	sor.u32 s16, s10;
	v27 =	vmul.f32 v27, v45;
	v0 =	vmul.f32 v0, v38  }
0x1bf: {  	v63 =	vmul.f32 v48, v59;
	s26 =	sadd.s32 $0x30, s12;
	s30 =	sadd.s32 s8, s22;
	v52 =	vld [tilespmem:s16+$0x0];
	s8 =	rddreg [dreg:$0x11]  }
0x1c0: {  	v6 =	vadd.f32 v10, v12;
	[dreg:$0x5] =	wrdreg s13;
	s3 =	sadd.s32 s3, s13;
	s16 =	sor.u32 $0x80, s26;
	[tilespmem:s8+$0x1E400] =	vst v13;
	v13 =	vld [tilespmem:s30+$0x0];
	v0 =	vadd.f32 v27, v0  }
0x1c1: {  	v62 =	vnsel vm2, $0x0, v56;
	v44 =	vadd.f32 v63, v44;
	s28 =	scvt.s32.f32 s28;
	s13 =	simm.s32 $0xE000;
	s26 =	sand.u32 $0x40, s0;
	v21 =	vld [tilespmem:s16+$0x1C000]  }
0x1c2: {  	v53 =	vnsel vm4, $0x0, v53;
	s12 =	sadd.s32 $0x10, s12;
	s16 =	sor.u32 s26, s10;
	s26 =	rddreg [dreg:$0xf];
	[tilespmem:s2+$0x1DC00] =	vst v0;
	v0 =	vld.idx.msk [tilespmem:v50+s21+$0x0], $0xffff;
	v25 =	vmul.f32 v6, v1;
	v1 =	vmov v62  }
0x1c3: {  	v29 =	vmul.f32 v29, v62;
	v44 =	vmul.f32 v44, v53;
	s28 =	smul.f32 $1.004484300e+00, s28;
	s30 =	sand.u32 $0x50, s1;
	s26 =	sadd.s32 $0x4, s26;
	[tilespmem:$0x1FF00] =	vst v1;
	v1 =	vld [tilespmem:$0x1FF70]  }
0x1c4: {  	v22 =	vmul.f32 v4, v24;
	s12 =	sor.u32 $0x80, s12;
	s30 =	sor.u32 s30, s10;
	[dreg:$0xf] =	wrdreg s26;
	v16 =	vld.idx.msk [tilespmem:v43+s13+$0x0], $0xffff  }
0x1c5: {  	v8 =	vmul.f32 v4, v26;
	s8 =	sadd.s32 $0x20, s0;
	v29 =	vadd.f32 v29, v44;
	p2 =	slt.u32 s26, $0x6C;
	s26 =	sadd.f32 $-5.000000000e-01, s28;
	v24 =	vld [tilespmem:s30+$0x0]  }
0x1c6: {  	s31 =	sand.u32 $0x60, s8;
	s21 =	sadd.s32 $0x20, s5;
	v12 =	vmul.f32 $1.004484300e+00, v52;
	s5 =	sadd.s32 $0xFFFF2491, s23;
	v36 =	vld [tilespmem:s12+$0x1C000];
	v14 =	vadd.f32 v14, v22;
	v6 =	vmul.f32 $1.004484300e+00, v21  }
0x1c7: {  	v5 =	vmov v53;
	[tilespmem:s7+$0x1DC00] =	vst v29;
	s10 =	sor.u32 s31, s10;
	v22 =	vld [tilespmem:s16+$0x0];
	v23 =	vadd.f32 v23, v8;
	s28 =	sshrl.u32 s5, $0x12  }
0x1c8: {  	s3 =	sor.u32 $0x80, s3;
	v26 =	vld [tilespmem:s10+$0x0];
	v29 =	vadd.f32 v13, v12;
	[tilespmem:$0x1FF50] =	vst v5;
	v27 =	vadd.f32 s26, v6;
	s26 =	sor.u32 s6, s28;
	v5 =	vmul.f32 v14, v1;
	v1 =	vmovc v38  }
0x1c9: {  	s16 =	sadd.s32 $0xFFFF6DB6, s23;
	s21 =	sor.u32 $0x80, s21;
	v32 =	vmul.f32 v33, v0;
	v0 =	vmov v45;
	v19 =	vadd.f32 v25, v19;
	v38 =	vld [tilespmem:s3+$0x1C000];
	s3 =	scvt.s32.f32 s26;
	[tilespmem:$0x1FF70] =	vst v1  }
0x1ca: {  	s10 =	sshrl.u32 s5, $0xA;
	s31 =	sshrl.u32 s16, $0x12;
	v43 =	vmul.f32 $1.004484300e+00, v24;
	v18 =	vadd.f32 v18, v20;
	v20 =	vtrunc.f32 v29;
	s26 =	rddreg [dreg:$0x9];
	v1 =	vld [tilespmem:$0x1FF20];
	[tilespmem:$0x1FF20] =	vst v0  }
0x1cb: {  	v36 =	vmul.f32 $1.004484300e+00, v36;
	vm0 =	vlt.f32 v29, v20;
	v21 =	vcvt.f32.s32 v20;
	s28 =	sor.u32 s6, s31;
	v0 =	vld [tilespmem:s21+$0x1C000];
	s21 =	rddreg [dreg:$0x7];
	[tilespmem:s26+$0x1E400] =	vst v19;
	s26 =	smul.f32 $1.004484300e+00, s3  }
0x1cc: {  	v12 =	vmovc v15;
	v17 =	vld.idx.msk [tilespmem:v42+s13+$0x0], $0xffff;
	v15 =	vmul.f32 $1.004484300e+00, v22;
	v20 =	vtrunc.f32 v27;
	[tilespmem:s21+$0x1E400] =	vst v18;
	s21 =	scvt.s32.f32 s28;
	v18 =	vsel vm0, $0xFFFFFFFF, v2;
	s28 =	sshrl.u32 s16, $0xA;
	s3 =	sand.u32 $0x800, s10  }
0x1cd: {  	v45 =	vmul.f32 $1.004484300e+00, v26;
	vm0 =	vlt.f32 v27, v20;
	v42 =	vadd.s32 v21, v18;
	s10 =	sand.u32 $0x800, s28;
	s28 =	sshrl.u32 s5, $0xB;
	s5 =	sadd.f32 $-5.000000000e-01, s26  }
0x1ce: {  	s30 =	sadd.s32 $0xFFFFB6DB, s23;
	v21 =	vcvt.f32.s32 v20;
	v18 =	vld.idx.msk [tilespmem:v40+s13+$0x0], $0xffff;
	v22 =	vsel vm0, $0xFFFFFFFF, v2;
	v40 =	vadd.s32 $0x1, v42;
	s26 =	sshrl.u32 s16, $0xB;
	s16 =	sld [smem:$0x7EF]  }
0x1cf: {  	s12 =	sshrl.u32 s30, $0x12;
	vm1 =	vgt.s32 v42, $0x0;
	s21 =	smul.f32 $1.004484300e+00, s21;
	vm2 =	vlt.u32 v42, $0xE0;
	vm0 =	vgt.s32 v40, $0x0  }
0x1d0: {  	[dreg:$0xd] =	wrdreg s0;
	s12 =	sor.u32 s6, s12;
	v20 =	vld.idx.msk [tilespmem:v35+s13+$0x0], $0xffff;
	v35 =	vadd.s32 v21, v22;
	v38 =	vmul.f32 $1.004484300e+00, v38;
	vm3 =	vlt.u32 v40, $0xE0  }
0x1d1: {  	s31 =	scvt.s32.f32 s12;
	v14 =	vmul.f32 v23, v1;
	v23 =	vnsel vm1, $0x0, v42;
	v24 =	vnsel vm0, $0x0, v40;
	s6 =	sadd.s32 s16, s0;
	s16 =	sadd.f32 $-5.000000000e-01, s21  }
0x1d2: {  	s12 =	sshrl.u32 s30, $0xA;
	v22 =	vld.idx.msk [tilespmem:v37+s13+$0x0], $0xffff;
	vm0 =	vgt.s32 v35, $0x0;
	v37 =	vadd.s32 $0x1, v35;
	v0 =	vmul.f32 $1.004484300e+00, v0;
	s21 =	sshrl.u32 s30, $0xB;
	s30 =	sld [smem:$0x7F0]  }
0x1d3: {  	s31 =	smul.f32 $1.004484300e+00, s31;
	[dreg:$0x1e] =	wrdreg s10;
	s10 =	sand.u32 $0x800, s12;
	v23 =	vmin.u32 v23, $0xDF;
	v25 =	vmin.u32 v24, $0xDF;
	v54 =	vnsel vm0, $0x0, v35  }
0x1d4: {  	v19 =	vld.idx.msk [tilespmem:v41+s13+$0x0], $0xffff;
	s12 =	sand.u32 $0x380, s28;
	s0 =	sand.u32 $0x380, s26;
	s26 =	rddreg [dreg:$0x1c];
	vm0 =	vgt.s32 v37, $0x0;
	vm11 =	vlt.u32 v37, $0xE0;
	v26 =	vand.u32 $0x7F, v23  }
0x1d5: {  	v24 =	vshll.u32 v23, $0x3;
	v23 =	vld.idx.msk [tilespmem:v39+s13+$0x0], $0xffff;
	s26 =	sadd.s32 s26, s8;
	v56 =	vand.u32 $0x7F, v25;
	v57 =	vnsel vm0, $0x0, v37;
	s28 =	sadd.s32 s30, s1;
	s30 =	sadd.f32 $-5.000000000e-01, s31  }
0x1d6: {  	v3 =	vmovc v55;
	v58 =	vshll.u32 v25, $0x3;
	v55 =	vand.u32 $0x400, v24;
	v24 =	vld.idx.msk [tilespmem:v30+s13+$0x0], $0xffff;
	v30 =	vmin.u32 v54, $0xDF;
	s1 =	sand.u32 $0x60, s6;
	s6 =	smul.u32 $0xFFFFFC80, s15;
	s31 =	sand.u32 $0x70, s28  }
0x1d7: {  	v25 =	vld.idx.msk [tilespmem:v31+s13+$0x0], $0xffff;
	v31 =	vmin.u32 v57, $0xDF;
	v44 =	vand.u32 $0x400, v58;
	v54 =	vmul.f32 v3, v16;
	s28 =	smov.u32 s11;
	s11 =	sand.u32 $0x60, s26;
	s26 =	rddreg [dreg:$0x1a]  }
0x1d8: {  	s29 =	sadd.s32 $0x40, s29;
	s8 =	sand.u32 $0x380, s21;
	v16 =	vmul.f32 v33, v17;
	v39 =	vor.u32 v26, v55;
	v26 =	vld.idx.msk [tilespmem:v28+s13+$0x0], $0xffff;
	v28 =	vshll.u32 v30, $0x8;
	s21 =	sshra.s32 s26, $0x2  }
0x1d9: {  	s24 =	sadd.s32 $0x40, s24;
	v21 =	vld.idx.msk [tilespmem:v34+s13+$0x0], $0xffff;
	v30 =	vshll.u32 v30, $0x7;
	v59 =	vshll.u32 v31, $0x7;
	v61 =	vor.u32 v56, v44;
	s6 =	sshra.s32 s6, $0x2;
	s21 =	sadd.s32 s21, s29  }
0x1da: {  	v31 =	vshll.u32 v31, $0x8;
	v28 =	vand.u32 $0xF800, v28;
	v30 =	vand.u32 $0x380, v30;
	s26 =	rddreg [dreg:$0x18];
	s6 =	sadd.s32 s6, s24;
	v60 =	vld [tilespmem:s21+$0x0]  }
0x1db: {  	s4 =	sadd.s32 $0x40, s4;
	v53 =	vand.u32 $0x380, v59;
	v63 =	vor.u32 v28, v39;
	v28 =	vor.u32 v28, v30;
	s13 =	sshra.s32 s26, $0x2;
	v52 =	vld [tilespmem:s6+$0x0]  }
0x1dc: {  	v34 =	vor.u32 v30, v63;
	v28 =	vor.u32 v56, v28;
	v63 =	vcvt.s32.f32 v35;
	s26 =	sadd.s32 s13, s4  }
0x1dd: {  	v17 =	vadd.f32 v32, v54;
	v30 =	vand.u32 $0xF800, v31;
	v31 =	vor.u32 v44, v28;
	v62 =	vld [tilespmem:s26+$0x0]  }
0x1de: {  	v28 =	vor.u32 v30, v39;
	v30 =	vor.u32 v30, v61;
	v27 =	vsub.f32 v27, v63  }
0x1df: {  	v28 =	vor.u32 v53, v28;
	v39 =	vadd.f32 v60, v15;
	v15 =	vadd.f32 s16, v36  }
0x1e0: {  	v30 =	vor.u32 v53, v30;
	v45 =	vadd.f32 v52, v45;
	v36 =	vadd.f32 s5, v38  }
0x1e1: {  	v38 =	vadd.f32 s30, v0;
	v0 =	vcvt.s32.f32 v42;
	v52 =	vsub.f32 $1.000000000e+00, v27  }
0x1e2: {  	v44 =	vadd.f32 v62, v43;
	v55 =	vtrunc.f32 v39;
	v57 =	vtrunc.f32 v15  }
0x1e3: {  	s26 =	simm.s32 $0x0;
	v42 =	vnsel vm11, $0x0, v27;
	v58 =	vtrunc.f32 v45;
	v59 =	vtrunc.f32 v38  }
0x1e4: {  	v4 =	vmovc v47;
	v33 =	vld.idx.msk [tilespmem:v31+s26+$0x0], $0xffff;
	v0 =	vsub.f32 v29, v0;
	v60 =	vtrunc.f32 v36;
	v47 =	vtrunc.f32 v44  }
0x1e5: {  	v43 =	vld.idx.msk [tilespmem:v34+s26+$0x0], $0xffff;
	v49 =	vcvt.f32.s32 v55;
	vm1 =	vlt.f32 v39, v55;
	v41 =	vcvt.f32.s32 v58  }
0x1e6: {  	v56 =	vld.idx.msk [tilespmem:v28+s26+$0x0], $0xffff;
	v53 =	vcvt.f32.s32 v57;
	v55 =	vcvt.f32.s32 v59;
	vm12 =	vlt.f32 v36, v60  }
0x1e7: {  	v29 =	vld.idx.msk [tilespmem:v30+s26+$0x0], $0xffff;
	v61 =	vcvt.f32.s32 v47;
	v62 =	vsub.f32 $1.000000000e+00, v0;
	vm0 =	vlt.f32 v44, v47  }
0x1e8: {  	v0 =	vnsel vm3, $0x0, v0;
	vm3 =	vlt.u32 v35, $0xE0;
	v54 =	vsel vm1, $0xFFFFFFFF, v2  }
0x1e9: {  	s21 =	rddreg [dreg:$0x16];
	vm1 =	vlt.f32 v38, v59;
	v59 =	vsel vm12, $0xFFFFFFFF, v2;
	v33 =	vmul.f32 v0, v33  }
0x1ea: {  	s6 =	sld [smem:$0x7F1];
	s13 =	smov.u32 s21;
	v35 =	vnsel vm3, $0x0, v52;
	vm3 =	vlt.f32 v15, v57;
	v40 =	vnsel vm2, $0x0, v62  }
0x1eb: {  	s9 =	sadd.s32 $0x200, s9;
	v10 =	vmovc v48;
	s15 =	smul.u32 $0x700, s15;
	[dreg:$0x11] =	wrdreg s13;
	vm2 =	vlt.f32 v45, v58;
	v47 =	vmul.f32 v40, v43;
	v48 =	vmul.f32 v40, v56  }
0x1ec: {  	s13 =	smov.u32 s2;
	s2 =	smov.u32 s7;
	s7 =	sshrl.u32 s23, $0xB;
	v29 =	vmul.f32 v0, v29;
	v56 =	vcvt.f32.s32 v60;
	v60 =	vsel vm1, $0xFFFFFFFF, v2  }
0x1ed: {  	s21 =	smov.u32 s6;
	[dreg:$0x9] =	wrdreg s2;
	s30 =	smul.u32 $0x700, s25;
	v57 =	vsel vm3, $0xFFFFFFFF, v2;
	v58 =	vsel vm2, $0xFFFFFFFF, v2;
	v32 =	vadd.s32 v55, v60  }
0x1ee: {  	s2 =	sshrl.u32 s23, $0xA;
	[dreg:$0x7] =	wrdreg s21;
	s21 =	smul.u32 $0x700, s18;
	v33 =	vadd.f32 v47, v33;
	v29 =	vadd.f32 v48, v29;
	v48 =	vadd.s32 v41, v58  }
0x1ef: {  	v7 =	vmovc v46;
	s18 =	sand.u32 $0x800, s2;
	s5 =	ssub.s32 s9, s15;
	s15 =	ssub.s32 s9, s30;
	vm1 =	vgt.s32 v32, $0x0;
	v46 =	vadd.s32 $0x1, v32;
	vm15 =	vlt.u32 v48, $0xE0  }
0x1f0: {  	s16 =	smul.u32 $0xFFFFF900, s19;
	s25 =	sshll.u32 s25, $0x5;
	s15 =	sadd.s32 $0x180, s15;
	v27 =	vmul.f32 v33, v35;
	v29 =	vmul.f32 v29, v42;
	v33 =	vadd.s32 v49, v54  }
0x1f1: {  	s19 =	sand.u32 $0x380, s7;
	s30 =	rddreg [dreg:$0x14];
	s15 =	sand.u32 $0xFFFFFC00, s15;
	v54 =	vadd.s32 $0x1, v48;
	v51 =	vadd.s32 $0x1, v33;
	vm13 =	vgt.s32 v33, $0x0  }
0x1f2: {  	s6 =	ssub.s32 s9, s21;
	s21 =	sadd.s32 s25, s30;
	s15 =	sadd.s32 s15, s18;
	vm6 =	vgt.s32 v54, $0x0;
	v27 =	vadd.f32 v29, v27;
	v29 =	vsel vm0, $0xFFFFFFFF, v2  }
0x1f3: {  	s2 =	sand.u32 $0x70, s21;
	s15 =	sor.u32 s19, s15;
	vm2 =	vgt.s32 v51, $0x0;
	v55 =	vnsel vm13, $0x0, v33;
	v47 =	vadd.s32 v61, v29  }
0x1f4: {  	s7 =	sadd.s32 $0x100, s5;
	s5 =	sor.u32 s2, s15;
	v29 =	vadd.s32 v53, v57;
	v61 =	vnsel vm1, $0x0, v32;
	vm1 =	vgt.s32 v46, $0x0  }
0x1f5: {  	s21 =	simm.s32 $0xE000;
	v62 =	vnsel vm2, $0x0, v51;
	[tilespmem:s5+$0x1DC00] =	vst v27;
	v27 =	vadd.s32 v56, v59;
	v53 =	vadd.s32 $0x1, v47  }
0x1f6: {  	vm0 =	vgt.s32 v29, $0x0;
	v49 =	vadd.s32 $0x1, v29;
	vm7 =	vgt.s32 v47, $0x0;
	v34 =	vld.idx.msk [tilespmem:v34+s21+$0x0], $0xffff  }
0x1f7: {  	v41 =	vmin.u32 v61, $0xDF;
	v61 =	vnsel vm1, $0x0, v46;
	vm1 =	vlt.u32 v33, $0xE0;
	v31 =	vld.idx.msk [tilespmem:v31+s21+$0x0], $0xffff  }
0x1f8: {  	v28 =	vld.idx.msk [tilespmem:v28+s21+$0x0], $0xffff;
	vm3 =	vgt.s32 v27, $0x0;
	v52 =	vadd.s32 $0x1, v27;
	vm14 =	vgt.s32 v53, $0x0  }
0x1f9: {  	v30 =	vld.idx.msk [tilespmem:v30+s21+$0x0], $0xffff;
	v37 =	vnsel vm0, $0x0, v29;
	vm0 =	vgt.s32 v48, $0x0;
	vm8 =	vgt.s32 v49, $0x0  }
0x1fa: {  	v56 =	vshll.u32 v41, $0x8;
	v41 =	vshll.u32 v41, $0x7;
	v63 =	vnsel vm3, $0x0, v27  }
0x1fb: {  	vm2 =	vgt.s32 v52, $0x0;
	v60 =	vnsel vm8, $0x0, v49;
	v56 =	vand.u32 $0xF800, v56  }
0x1fc: {  	v41 =	vand.u32 $0x380, v41;
	vm3 =	vlt.u32 v54, $0xE0;
	v34 =	vmul.f32 v40, v34  }
0x1fd: {  	v8 =	vor.u32 v56, v41;
	v31 =	vmul.f32 v0, v31;
	v28 =	vmul.f32 v40, v28  }
0x1fe: {  	v0 =	vmul.f32 v0, v30;
	v30 =	vnsel vm14, $0x0, v53;
	v40 =	vnsel vm6, $0x0, v54  }
0x1ff: {  	v30 =	vmin.u32 v30, $0xDF;
	v40 =	vmin.u32 v40, $0xDF;
	v31 =	vadd.f32 v34, v31  }
0x200: {  	v0 =	vadd.f32 v28, v0;
	v28 =	vnsel vm7, $0x0, v47;
	v34 =	vmin.u32 v37, $0xDF  }
0x201: {  	v37 =	vnsel vm0, $0x0, v48;
	vm0 =	vlt.u32 v51, $0xE0;
	v28 =	vmin.u32 v28, $0xDF  }
0x202: {  	v37 =	vmin.u32 v37, $0xDF;
	v31 =	vmul.f32 v31, v35;
	v0 =	vmul.f32 v0, v42  }
0x203: {  	v35 =	vmin.u32 v62, $0xDF;
	v62 =	vmin.u32 v63, $0xDF;
	v63 =	vnsel vm2, $0x0, v52  }
0x204: {  	v42 =	vmin.u32 v61, $0xDF;
	v61 =	vshll.u32 v40, $0x3;
	v40 =	vand.u32 $0x7F, v40  }
0x205: {  	vm2 =	vlt.u32 v53, $0xE0;
	v50 =	vmin.u32 v63, $0xDF;
	v57 =	vshll.u32 v62, $0x8  }
0x206: {  	v43 =	vshll.u32 v62, $0x7;
	v58 =	vshll.u32 v35, $0x3;
	v62 =	vshll.u32 v28, $0x3  }
0x207: {  	[tilespmem:$0x1FF80] =	vst v5;
	v63 =	vshll.u32 v37, $0x3;
	v5 =	vshll.u32 v42, $0x8;
	v61 =	vand.u32 $0x400, v61  }
0x208: {  	v35 =	vand.u32 $0x7F, v35;
	v28 =	vand.u32 $0x7F, v28;
	v37 =	vand.u32 $0x7F, v37  }
0x209: {  	v42 =	vshll.u32 v42, $0x7;
	v8 =	vor.u32 v40, v8;
	v0 =	vadd.f32 v0, v31  }
0x20a: {  	v31 =	vmin.u32 v55, $0xDF;
	v55 =	vmin.u32 v60, $0xDF;
	v60 =	vshll.u32 v30, $0x3  }
0x20b: {  	v57 =	vand.u32 $0xF800, v57;
	v6 =	vand.u32 $0x380, v43;
	v58 =	vand.u32 $0x400, v58  }
0x20c: {  	v43 =	vshll.u32 v50, $0x8;
	v62 =	vand.u32 $0x400, v62;
	v30 =	vand.u32 $0x7F, v30  }
0x20d: {  	v63 =	vand.u32 $0x400, v63;
	v5 =	vand.u32 $0xF800, v5;
	v50 =	vshll.u32 v50, $0x7  }
0x20e: {  	v59 =	vshll.u32 v31, $0x3;
	v60 =	vand.u32 $0x400, v60;
	v31 =	vand.u32 $0x7F, v31  }
0x20f: {  	v9 =	vor.u32 v57, v6;
	v43 =	vand.u32 $0xF800, v43;
	v11 =	vor.u32 v35, v58  }
0x210: {  	v28 =	vor.u32 v28, v62;
	v62 =	vcvt.s32.f32 v33;
	v50 =	vand.u32 $0x380, v50  }
0x211: {  	[tilespmem:s5+$0x1E400] =	vst v0;
	v0 =	vshll.u32 v34, $0x8;
	v34 =	vshll.u32 v34, $0x7;
	v59 =	vand.u32 $0x400, v59  }
0x212: {  	v13 =	vor.u32 v30, v60;
	v9 =	vor.u32 v35, v9;
	v11 =	vor.u32 v43, v11  }
0x213: {  	v35 =	vor.u32 v61, v8;
	v8 =	vcvt.s32.f32 v27;
	v0 =	vand.u32 $0xF800, v0  }
0x214: {  	v1 =	vand.u32 $0x380, v34;
	v34 =	vshll.u32 v55, $0x8;
	v55 =	vshll.u32 v55, $0x7  }
0x215: {  	[tilespmem:$0x1FF30] =	vst v7;
	v31 =	vor.u32 v31, v59;
	v59 =	vor.u32 v40, v61;
	v7 =	vor.u32 v0, v1  }
0x216: {  	v34 =	vand.u32 $0xF800, v34;
	v0 =	vor.u32 v0, v28;
	v57 =	vor.u32 v57, v31  }
0x217: {  	v7 =	vor.u32 v30, v7;
	v30 =	vor.u32 v37, v63;
	v37 =	vor.u32 v34, v28  }
0x218: {  	v13 =	vor.u32 v34, v13;
	v28 =	vand.u32 $0x380, v55;
	v34 =	vor.u32 v5, v30  }
0x219: {  	v5 =	vor.u32 v5, v59;
	v59 =	vor.u32 v43, v31;
	v43 =	vor.u32 v60, v7  }
0x21a: {  	v55 =	vor.u32 v56, v30;
	v56 =	vand.u32 $0x380, v42;
	v42 =	vor.u32 v28, v37  }
0x21b: {  	v63 =	vcvt.s32.f32 v47;
	v7 =	vcvt.s32.f32 v48;
	v40 =	vor.u32 v28, v13  }
0x21c: {  	v30 =	vor.u32 v58, v9;
	v28 =	vor.u32 v50, v11;
	v13 =	vcvt.s32.f32 v32  }
0x21d: {  	v37 =	vor.u32 v56, v34;
	v34 =	vor.u32 v56, v5;
	v31 =	vor.u32 v50, v59;
	v54 =	vld.idx.msk [tilespmem:v35+s26+$0x0], $0xffff  }
0x21e: {  	v50 =	vor.u32 v1, v0;
	v0 =	vsub.f32 v39, v62;
	v39 =	vor.u32 v6, v57;
	v6 =	vld.idx.msk [tilespmem:v43+s26+$0x0], $0xffff  }
0x21f: {  	v1 =	vcvt.s32.f32 v29;
	v5 =	vsub.f32 v44, v63;
	v7 =	vsub.f32 v45, v7;
	v11 =	vld.idx.msk [tilespmem:v42+s26+$0x0], $0xffff  }
0x220: {  	v41 =	vor.u32 v41, v55;
	v56 =	vsub.f32 v38, v13;
	v9 =	vsub.f32 $1.000000000e+00, v0;
	v59 =	vld.idx.msk [tilespmem:v40+s26+$0x0], $0xffff  }
0x221: {  	v44 =	vsub.f32 $1.000000000e+00, v5;
	v57 =	vsub.f32 v15, v1;
	v55 =	vnsel vm2, $0x0, v5;
	v61 =	vld.idx.msk [tilespmem:v30+s26+$0x0], $0xffff  }
0x222: {  	s14 =	sadd.s32 $0x12494, s14;
	s17 =	sadd.s32 $0x12494, s17;
	vm2 =	vlt.u32 v46, $0xE0;
	v45 =	vsub.f32 $1.000000000e+00, v7;
	v51 =	vnsel vm1, $0x0, v9;
	v9 =	vld.idx.msk [tilespmem:v37+s26+$0x0], $0xffff  }
0x223: {  	s20 =	sadd.s32 $0x2, s20;
	s6 =	sadd.s32 $0x80, s6;
	s16 =	sadd.s32 s16, s9;
	v15 =	vnsel vm3, $0x0, v7;
	vm1 =	vlt.u32 v47, $0xE0;
	v47 =	vnsel vm0, $0x0, v0;
	v0 =	vld.idx.msk [tilespmem:v34+s26+$0x0], $0xffff  }
.Ltmp1:
0x224: {  	s6 =	sand.u32 $0xFFFFFC00, s6;
	s25 =	rddreg [dreg:$0x1e];
	v53 =	vsub.f32 $1.000000000e+00, v56;
	v60 =	vld.idx.msk [tilespmem:v28+s26+$0x0], $0xffff;
	v62 =	vsub.f32 $1.000000000e+00, v57;
	v33 =	vnsel vm1, $0x0, v44;
	(pc) =	sbr.rel @p2 .LBB2_6-.Ltmp1, $4  }
0x225: {  	s6 =	sadd.s32 s6, s25;
	s18 =	sand.u32 $0xFFFFFC00, s16;
	s19 =	sand.u32 $0xFFFFFC00, s7;
	v48 =	vnsel vm15, $0x0, v45;
	v45 =	vsub.f32 v36, v8;
	v58 =	vld.idx.msk [tilespmem:v31+s26+$0x0], $0xffff;
	v44 =	vmul.f32 v15, v54  }
0x226: {  	s6 =	sor.u32 s0, s6;
	s3 =	sadd.s32 s18, s3;
	s10 =	sadd.s32 s19, s10;
	vm0 =	vlt.u32 v52, $0xE0;
	v63 =	vld.idx.msk [tilespmem:v50+s26+$0x0], $0xffff;
	v1 =	vmul.f32 v33, v11;
	v5 =	vmul.f32 v55, v59  }
0x227: {  	s31 =	sor.u32 s31, s6;
	s3 =	sor.u32 s12, s3;
	s30 =	sor.u32 s8, s10;
	vm1 =	vlt.u32 v49, $0xE0;
	v52 =	vld.idx.msk [tilespmem:v39+s26+$0x0], $0xffff;
	v38 =	vsub.f32 $1.000000000e+00, v45;
	v36 =	vmul.f32 v55, v6  }
0x228: {  	s6 =	rddreg [dreg:$0xb];
	s2 =	sor.u32 s1, s3;
	s7 =	sor.u32 s11, s30;
	v59 =	vld.idx.msk [tilespmem:v41+s26+$0x0], $0xffff;
	v54 =	vmul.f32 v48, v9;
	v46 =	vmul.f32 v15, v0;
	v49 =	vadd.f32 v1, v5  }
0x229: {  	_ =	sdelay $0x1  }
0x22a: {  	v0 =	vmul.f32 v33, v63;
	_ =	sdelay $0x1  }
0x22b: {  	vm3 =	vlt.u32 v29, $0xE0;
	v6 =	vnsel vm1, $0x0, v57;
	v0 =	vadd.f32 v0, v36  }
0x22c: {  	v5 =	vnsel vm3, $0x0, v62;
	v8 =	vmul.f32 v49, v6  }
0x22d: {  	v7 =	vmul.f32 v48, v59;
	v0 =	vmul.f32 v0, v5  }
0x22e: {  	v1 =	vmul.f32 v47, v61;
	v11 =	vadd.f32 v54, v46  }
0x22f: {  	vm14 =	vlt.u32 v32, $0xE0;
	v7 =	vadd.f32 v7, v44;
	v0 =	vadd.f32 v8, v0  }
0x230: {  	v13 =	vmul.f32 v47, v60;
	v29 =	vnsel vm2, $0x0, v56;
	v8 =	vnsel vm14, $0x0, v53  }
0x231: {  	v11 =	vmul.f32 v11, v29;
	v7 =	vmul.f32 v7, v8;
	[tilespmem:s31+$0x1DC00] =	vst v0  }
0x232: {  	v9 =	vmul.f32 v51, v58;
	v54 =	vmul.f32 v51, v52;
	v56 =	vld.idx.msk [tilespmem:v50+s21+$0x0], $0xffff  }
0x233: {  	v7 =	vadd.f32 v11, v7;
	v57 =	vld.idx.msk [tilespmem:v43+s21+$0x0], $0xffff  }
0x234: {  	vm15 =	vlt.u32 v27, $0xE0;
	v9 =	vadd.f32 v9, v13;
	v1 =	vadd.f32 v54, v1;
	v58 =	vld.idx.msk [tilespmem:v42+s21+$0x0], $0xffff  }
0x235: {  	v27 =	vnsel vm15, $0x0, v38;
	v0 =	vnsel vm0, $0x0, v45;
	v59 =	vld.idx.msk [tilespmem:v40+s21+$0x0], $0xffff;
	[tilespmem:s7+$0x1DC00] =	vst v7  }
0x236: {  	v1 =	vmul.f32 v1, v27;
	v9 =	vmul.f32 v9, v0;
	v2 =	vld [tilespmem:$0x1FED0]  }
0x237: {  	v62 =	vld.idx.msk [tilespmem:v41+s21+$0x0], $0xffff  }
0x238: {  	v1 =	vadd.f32 v9, v1;
	v32 =	vld.idx.msk [tilespmem:v35+s21+$0x0], $0xffff  }
0x239: {  	v35 =	vld.idx.msk [tilespmem:v37+s21+$0x0], $0xffff  }
0x23a: {  	v38 =	vld.idx.msk [tilespmem:v34+s21+$0x0], $0xffff;
	[tilespmem:s2+$0x1DC00] =	vst v1  }
0x23b: {  	v40 =	vld [tilespmem:$0x1FF30]  }
0x23c: {  	v41 =	vld [tilespmem:$0x1FEF0]  }
0x23d: {  	v3 =	vmul.f32 v3, v18;
	v19 =	vmul.f32 v10, v19;
	v42 =	vld.idx.msk [tilespmem:v39+s21+$0x0], $0xffff  }
0x23e: {  	v20 =	vmul.f32 v12, v20;
	v60 =	vmul.f32 v10, v22;
	v43 =	vld [tilespmem:$0x1FF50]  }
0x23f: {  	v24 =	vmul.f32 v4, v24;
	v63 =	vmul.f32 v12, v21;
	v44 =	vld [tilespmem:$0x1FF00]  }
0x240: {  	v36 =	vmul.f32 v4, v26;
	v45 =	vld.idx.msk [tilespmem:v30+s21+$0x0], $0xffff;
	v13 =	vmul.f32 v33, v56  }
0x241: {  	v3 =	vadd.f32 v16, v3;
	v46 =	vld [tilespmem:$0x1FF70];
	v11 =	vmul.f32 v55, v57;
	v18 =	vmul.f32 v33, v58  }
0x242: {  	v10 =	vadd.f32 v60, v63;
	v50 =	vld [tilespmem:$0x1FF80];
	v53 =	vmul.f32 v55, v59;
	v61 =	vmul.f32 v2, v23  }
0x243: {  	v37 =	vadd.f32 v19, v20;
	v49 =	vld.idx.msk [tilespmem:v31+s21+$0x0], $0xffff;
	v2 =	vmul.f32 v2, v25;
	v54 =	vmul.f32 v48, v62  }
0x244: {  	v52 =	vld.idx.msk [tilespmem:v28+s21+$0x0], $0xffff;
	v11 =	vadd.f32 v13, v11;
	v55 =	vmul.f32 v15, v32;
	v1 =	vmul.f32 v48, v35  }
0x245: {  	v60 =	vld [tilespmem:$0x1FF20];
	v4 =	vadd.f32 v18, v53;
	v12 =	vmul.f32 v15, v38;
	v17 =	vmul.f32 v17, v40  }
0x246: {  	v9 =	vadd.f32 v61, v24;
	v3 =	vmul.f32 v3, v41;
	v16 =	vmul.f32 v37, v43  }
0x247: {  	v10 =	vmul.f32 v10, v44;
	v14 =	vadd.f32 v14, v50;
	v56 =	vmul.f32 v51, v42  }
0x248: {  	s0 =	rddreg [dreg:$0x11];
	v2 =	vadd.f32 v2, v36;
	v57 =	vmul.f32 v47, v45;
	v58 =	vmul.f32 v51, v49  }
0x249: {  	v59 =	vmul.f32 v47, v52;
	v7 =	vadd.f32 v54, v55;
	v3 =	vadd.f32 v3, v17;
	[tilespmem:s0+$0x1E400] =	vst v14  }
0x24a: {  	v1 =	vadd.f32 v1, v12;
	v9 =	vmul.f32 v9, v46;
	v2 =	vmul.f32 v2, v60;
	s0 =	rddreg [dreg:$0x7]  }
0x24b: {  	v5 =	vmul.f32 v11, v5;
	v10 =	vadd.f32 v10, v16;
	v13 =	vadd.f32 v56, v57;
	[tilespmem:s0+$0x1E400] =	vst v3  }
0x24c: {  	v4 =	vmul.f32 v4, v6;
	v61 =	vadd.f32 v58, v59;
	v2 =	vadd.f32 v2, v9;
	s0 =	rddreg [dreg:$0x9]  }
0x24d: {  	v62 =	vmul.f32 v7, v8;
	v1 =	vmul.f32 v1, v29;
	[tilespmem:s0+$0x1E400] =	vst v10  }
0x24e: {  	v4 =	vadd.f32 v4, v5;
	v63 =	vmul.f32 v13, v27;
	v0 =	vmul.f32 v61, v0;
	[tilespmem:s13+$0x1E400] =	vst v2  }
0x24f: {  	v1 =	vadd.f32 v1, v62;
	s3 =	sld [smem:$0x7F3]  }
0x250: {  	v0 =	vadd.f32 v0, v63;
	[tilespmem:s31+$0x1E400] =	vst v4  }
0x251: {  	s1 =	sld [smem:$0x7F5];
	[tilespmem:s7+$0x1E400] =	vst v1  }
0x252: {  	[tilespmem:s2+$0x1E400] =	vst v0;
	p1 =	sne.s32 s3, $0xD  }
.Ltmp2:
0x253: {  	s29 =	sld [smem:$0x7F8];
	s28 =	sshll.u32 s3, $0xC;
	(pc) =	sbr.rel @p1 .LBB2_9-.Ltmp2, $4  }
0x254: {  	s0 =	sadd.s32 s1, s28  }
0x255: {  	s0 =	sshrl.u32 s0, $0x3  }
0x256: {  	s30 =	simm.s32 $0x800;
	s31 =	simm.s32 $0x1DC00;
	s0 =	sadd.s32 s29, s0  }
0x257: {  	[hbm4b:s0+s30] =	stream.strided.scatter [tilespmem:s31], [sflag:$0x4], $0x1000, s21, s30, $0x38;
	[tilespmem:$0x1FD00] =	vst v63  }
.Ltmp3:
0x258: {  	(pc) =	sbr.rel .LBB2_10-.Ltmp3, $4  }
0x259: {  	s0 =	simm.s32 $0x3  }
0x25a: {  	_ =	swait.ge [sflag:s0], $0xE00  }
0x25b: {  	[sflag:s0] =	ssyncset.done $0x0  }
0x25c: {  	[sflag:s0] =	ssyncadd.s32 $0xFFFFF200  }
.LBB2_9:
0x25d: {  	s1 =	sld [smem:$0x7FC]  }
0x25e: {  	s0 =	smul.u32 $0x1C00, s3;
	_ =	sdelay $0x1  }
0x25f: {  	s0 =	sadd.s32 s0, s1  }
0x260: {  	s29 =	rddreg [dreg:$0x1];
	s30 =	simm.s32 $0x1C000;
	s0 =	sshrl.u32 s0, $0x3  }
.Ltmp4:
0x261: {  	s31 =	simm.s32 $0x3;
	s0 =	sadd.s32 s29, s0;
	(pc) =	sbr.rel @p0 .LBB2_11-.Ltmp4, $4  }
0x262: {  	[tilespmem:s30], [sflag:$0x2] =	stream.linear.gather [hbm4b:s0+s26], $0xE00, $0x38;
	[tilespmem:$0x1FD00] =	vst v63  }
0x263: {  	_ =	swait.ge [sflag:s31], $0xE00  }
0x264: {  	[sflag:s31] =	ssyncset.done $0x0  }
0x265: {  	[sflag:s31] =	ssyncadd.s32 $0xFFFFF200  }
.LBB2_10:
0x266: {  	s0 =	simm.s32 $0x5  }
0x267: {  	_ =	swait.ge [sflag:s0], $0x1000  }
0x268: {  	[sflag:s0] =	ssyncset.done $0x0  }
0x269: {  	[sflag:s0] =	ssyncadd.s32 $0xFFFFF000  }
.LBB2_11:
0x26a: {  	s2 =	simm.s32 $0x0;
	s0 =	simm.s32 $0x0  }
0x26b: {  	s5 =	simm.s32 $0x30;
	s6 =	sld [smem:$0x7F2];
	s19 =	simm.s32 $0x10  }
0x26c: {  	s20 =	simm.s32 $0x20;
	p0 =	por $0x0, $0x0;
	s1 =	sand.u32 $0xF00, s2  }
0x26d: {  	s3 =	smul.u32 $0xFFFFFC80, s0;
	s4 =	sand.u32 $0x7, s2;
	s5 =	sand.u32 $0x70, s5  }
0x26e: {  	s22 =	sand.u32 $0x40, s2;
	s4 =	sshll.u32 s4, $0x4;
	s1 =	sadd.s32 $0x1CE00, s1  }
0x26f: {  	s3 =	sshra.s32 s3, $0x2;
	s4 =	sadd.s32 $0x0, s4;
	s5 =	sor.u32 s5, s1  }
0x270: {  	s16 =	sshll.u32 s6, $0x3;
	s3 =	sadd.s32 $0x1FC30, s3;
	v0 =	vld [tilespmem:s5+$0x0];
	s18 =	sadd.s32 $0x30, s4  }
0x271: {  	s6 =	sand.u32 $0x50, s19;
	s7 =	sadd.s32 $0x0, s16;
	s5 =	sor.u32 $0x80, s18;
	v1 =	vld [tilespmem:s3+$0x0]  }
0x272: {  	s23 =	sor.u32 s6, s1;
	s7 =	scvt.s32.f32 s7;
	s3 =	sand.u32 $0x60, s20;
	v2 =	vld [tilespmem:s5+$0x1CE00]  }
0x273: {  	s5 =	sor.u32 s22, s1;
	s1 =	sor.u32 s3, s1;
	s3 =	simm.s32 $0x1  }
0x274: {  	s3 =	simm.s32 @!p0 $0x0  }
0x275: {  	v3 =	vld [tilespmem:s5+$0x0];
	s24 =	smul.f32 $1.004484300e+00, s7;
	s3 =	sshll.u32 s3, $0x6;
	v0 =	vmul.f32 $1.004484300e+00, v0  }
0x276: {  	v4 =	vld [tilespmem:s23+$0x0];
	s3 =	sadd.s32 $0x0, s3  }
0x277: {  	v5 =	vld [tilespmem:s1+$0x0];
	s25 =	sadd.f32 $-5.000000000e-01, s24;
	s3 =	sor.u32 $0x80, s3;
	v0 =	vadd.f32 v1, v0;
	v1 =	vmul.f32 $1.004484300e+00, v2  }
0x278: {  	v17 =	vld [tilespmem:s3+$0x1CE00]  }
0x279: {  	v49 =	vimm.s32 $0x0;
	v1 =	vadd.f32 s25, v1;
	v2 =	vtrunc.f32 v0  }
0x27a: {  	v3 =	vmul.f32 $1.004484300e+00, v3;
	v6 =	vcvt.f32.s32 v2;
	vm0 =	vlt.f32 v0, v2  }
0x27b: {  	v2 =	vmul.f32 $1.004484300e+00, v4;
	v4 =	vsel vm0, $0xFFFFFFFF, v49;
	v7 =	vtrunc.f32 v1  }
0x27c: {  	v8 =	vmul.f32 $1.004484300e+00, v5;
	v6 =	vadd.s32 v6, v4;
	v4 =	vcvt.f32.s32 v7  }
0x27d: {  	vm0 =	vlt.f32 v1, v7;
	v17 =	vmul.f32 $1.004484300e+00, v17;
	vm1 =	vgt.s32 v6, $0x0  }
0x27e: {  	v7 =	vadd.s32 $0x1, v6;
	v5 =	vsel vm0, $0xFFFFFFFF, v49;
	v9 =	vnsel vm1, $0x0, v6  }
0x27f: {  	vm0 =	vgt.s32 v7, $0x0;
	v11 =	vadd.s32 v4, v5;
	vm1 =	vlt.u32 v7, $0xE0  }
0x280: {  	v4 =	vmin.u32 v9, $0xDF;
	v5 =	vnsel vm0, $0x0, v7;
	vm0 =	vgt.s32 v11, $0x0  }
0x281: {  	v9 =	vadd.s32 $0x1, v11;
	vm3 =	vlt.u32 v11, $0xE0;
	v10 =	vand.u32 $0x7F, v4  }
0x282: {  	s10 =	simm.s32 $0x0;
	s30 =	simm.s32 $0x0;
	v5 =	vmin.u32 v5, $0xDF;
	v12 =	vnsel vm0, $0x0, v11;
	v4 =	vshll.u32 v4, $0x3  }
0x283: {  	s9 =	sand.u32 $0x3, s2;
	s12 =	smul.u32 $0xFFFFFC80, s30;
	s4 =	sadd.s32 $0x10, s4;
	vm0 =	vgt.s32 v9, $0x0;
	vm4 =	vlt.u32 v9, $0xE0;
	v4 =	vand.u32 $0x400, v4  }
0x284: {  	s2 =	simm.s32 $0x0;
	s4 =	sor.u32 $0x80, s4;
	s5 =	sshll.u32 s9, $0x5;
	v13 =	vand.u32 $0x7F, v5;
	v14 =	vnsel vm0, $0x0, v9;
	v12 =	vmin.u32 v12, $0xDF  }
0x285: {  	s11 =	smul.u32 $0xFFFFFC80, s2;
	s15 =	sshra.s32 s12, $0x2;
	v15 =	vld [tilespmem:s4+$0x1CE00];
	s5 =	sadd.s32 $0x0, s5;
	v5 =	vshll.u32 v5, $0x3;
	vm0 =	vlt.u32 v6, $0xE0;
	v14 =	vmin.u32 v14, $0xDF  }
0x286: {  	s14 =	smul.u32 $0xFFFFFC80, s10;
	s5 =	sadd.s32 $0x20, s5;
	s3 =	sadd.s32 $0x1FC10, s15;
	v4 =	vor.u32 v10, v4;
	v10 =	vshll.u32 v12, $0x8;
	v12 =	vshll.u32 v12, $0x7  }
0x287: {  	s13 =	sadd.s32 $0x0, s16;
	s6 =	sshra.s32 s11, $0x2;
	s5 =	sor.u32 $0x80, s5;
	v22 =	vld [tilespmem:s3+$0x0];
	v5 =	vand.u32 $0x400, v5;
	v10 =	vand.u32 $0xF800, v10;
	v12 =	vand.u32 $0x380, v12  }
0x288: {  	s6 =	sadd.s32 $0x1FC00, s6;
	s18 =	sadd.s32 $0x0, s16;
	s4 =	scvt.s32.f32 s13;
	v16 =	vld [tilespmem:s5+$0x1CE00];
	v18 =	vshll.u32 v14, $0x7;
	v20 =	vor.u32 v13, v5;
	v21 =	vor.u32 v10, v12  }
0x289: {  	s8 =	sadd.s32 $0x0, s16;
	v19 =	vld [tilespmem:s6+$0x0];
	s3 =	scvt.s32.f32 s18;
	v14 =	vshll.u32 v14, $0x8;
	v10 =	vor.u32 v10, v4;
	v13 =	vor.u32 v13, v21  }
0x28a: {  	s17 =	scvt.s32.f32 s8;
	s4 =	smul.f32 $1.004484300e+00, s4;
	s5 =	sshra.s32 s14, $0x2;
	v23 =	vor.u32 v12, v10;
	v10 =	vand.u32 $0xF800, v14;
	v12 =	vmul.f32 $1.004484300e+00, v15  }
0x28b: {  	s5 =	sadd.s32 $0x1FC20, s5;
	s3 =	smul.f32 $1.004484300e+00, s3;
	v27 =	vor.u32 v5, v13;
	v5 =	vand.u32 $0x380, v18;
	v4 =	vor.u32 v10, v4  }
0x28c: {  	s19 =	smul.f32 $1.004484300e+00, s17;
	s4 =	sadd.f32 $-5.000000000e-01, s4;
	v21 =	vld [tilespmem:s5+$0x0];
	v13 =	vadd.f32 v22, v2;
	v2 =	vcvt.s32.f32 v6;
	v6 =	vcvt.s32.f32 v11  }
0x28d: {  	s3 =	sadd.f32 $-5.000000000e-01, s3;
	v15 =	vor.u32 v5, v4;
	v4 =	vor.u32 v10, v20;
	v10 =	vmul.f32 $1.004484300e+00, v16  }
0x28e: {  	s5 =	sadd.f32 $-5.000000000e-01, s19;
	v16 =	vor.u32 v5, v4;
	v5 =	vadd.f32 v19, v3;
	v4 =	vadd.f32 s4, v12  }
0x28f: {  	v19 =	vtrunc.f32 v13;
	v0 =	vsub.f32 v0, v2;
	v12 =	vadd.f32 s3, v17  }
0x290: {  	v1 =	vsub.f32 v1, v6;
	v10 =	vadd.f32 s5, v10;
	v26 =	vcvt.f32.s32 v19  }
0x291: {  	v14 =	vadd.f32 v21, v8;
	v3 =	vld.idx.msk [tilespmem:v23+s26+$0x0], $0xffff;
	v8 =	vtrunc.f32 v5;
	v20 =	vtrunc.f32 v4  }
0x292: {  	v24 =	vsub.f32 $1.000000000e+00, v0;
	v25 =	vtrunc.f32 v12;
	v0 =	vnsel vm1, $0x0, v0;
	v18 =	vld.idx.msk [tilespmem:v27+s26+$0x0], $0xffff  }
0x293: {  	v11 =	vsub.f32 $1.000000000e+00, v1;
	v1 =	vnsel vm4, $0x0, v1;
	v21 =	vcvt.f32.s32 v8;
	v2 =	vld.idx.msk [tilespmem:v15+s26+$0x0], $0xffff  }
0x294: {  	vm2 =	vlt.f32 v5, v8;
	v8 =	vtrunc.f32 v10;
	vm14 =	vlt.f32 v12, v25;
	v22 =	vld.idx.msk [tilespmem:v16+s26+$0x0], $0xffff  }
0x295: {  	v17 =	vtrunc.f32 v14;
	v7 =	vnsel vm0, $0x0, v24;
	vm0 =	vlt.f32 v13, v19  }
0x296: {  	v9 =	vnsel vm3, $0x0, v11;
	vm3 =	vlt.f32 v4, v20;
	v11 =	vsel vm2, $0xFFFFFFFF, v49  }
0x297: {  	vm2 =	vlt.f32 v10, v8;
	vm1 =	vlt.f32 v14, v17;
	v17 =	vcvt.f32.s32 v17  }
0x298: {  	v19 =	vadd.s32 v21, v11;
	v3 =	vmul.f32 v7, v3;
	v6 =	vmul.f32 v0, v18  }
0x299: {  	s0 =	smul.u32 $0x700, s0;
	v11 =	vsel vm14, $0xFFFFFFFF, v49;
	v2 =	vmul.f32 v7, v2;
	v18 =	vmul.f32 v0, v22  }
0x29a: {  	v28 =	vsel vm2, $0xFFFFFFFF, v49;
	v24 =	vsel vm1, $0xFFFFFFFF, v49;
	v31 =	vadd.s32 $0x1, v19  }
0x29b: {  	s0 =	ssub.s32 $0x0, s0;
	vm15 =	vgt.s32 v19, $0x0;
	v3 =	vadd.f32 v3, v6;
	v2 =	vadd.f32 v2, v18  }
0x29c: {  	s0 =	sadd.s32 $0x180, s0;
	s20 =	simm.s32 $0x36;
	v63 =	vcvt.s32.f32 v19;
	v21 =	vadd.s32 v17, v24;
	vm2 =	vgt.s32 v31, $0x0  }
0x29d: {  	s0 =	sand.u32 $0xFFFFFC00, s0;
	s22 =	simm.s32 $0x1B;
	s3 =	sand.u32 $0x800, s20;
	v32 =	vnsel vm15, $0x0, v19;
	v3 =	vmul.f32 v3, v9;
	v2 =	vmul.f32 v2, v1  }
0x29e: {  	s23 =	simm.s32 $0x30;
	s4 =	sand.u32 $0x380, s22;
	s0 =	sadd.s32 s0, s3;
	v30 =	vadd.s32 $0x1, v21;
	v17 =	vnsel vm2, $0x0, v31;
	v51 =	vcvt.s32.f32 v21  }
0x29f: {  	s24 =	sand.u32 $0x70, s23;
	s0 =	sor.u32 s4, s0;
	v22 =	vcvt.f32.s32 v8;
	v8 =	vcvt.f32.s32 v25;
	v2 =	vadd.f32 v2, v3  }
0x2a0: {  	s0 =	sor.u32 s24, s0;
	v52 =	vsub.f32 v5, v63;
	vm6 =	vgt.s32 v30, $0x0;
	v6 =	vcvt.f32.s32 v20  }
0x2a1: {  	v20 =	vsel vm3, $0xFFFFFFFF, v49;
	v55 =	vsub.f32 v14, v51;
	v25 =	vadd.s32 v8, v11;
	[tilespmem:s0+$0x1EC00] =	vst v2  }
0x2a2: {  	v20 =	vadd.s32 v6, v20;
	vm3 =	vgt.s32 v25, $0x0;
	v3 =	vsel vm0, $0xFFFFFFFF, v49;
	v2 =	vld.idx.msk [tilespmem:v23+s21+$0x0], $0xffff  }
0x2a3: {  	v29 =	vnsel vm3, $0x0, v25;
	vm3 =	vlt.u32 v30, $0xE0;
	v18 =	vadd.s32 v26, v3;
	v3 =	vld.idx.msk [tilespmem:v27+s21+$0x0], $0xffff  }
0x2a4: {  	vm0 =	vgt.s32 v20, $0x0;
	v26 =	vadd.s32 v22, v28;
	v22 =	vadd.s32 $0x1, v20;
	v6 =	vld.idx.msk [tilespmem:v15+s21+$0x0], $0xffff  }
0x2a5: {  	v28 =	vadd.s32 $0x1, v25;
	v11 =	vnsel vm0, $0x0, v20;
	vm0 =	vgt.s32 v21, $0x0;
	v8 =	vld.idx.msk [tilespmem:v16+s21+$0x0], $0xffff  }
0x2a6: {  	v24 =	vadd.s32 $0x1, v18;
	vm1 =	vgt.s32 v26, $0x0;
	vm7 =	vgt.s32 v18, $0x0  }
0x2a7: {  	vm8 =	vgt.s32 v22, $0x0;
	vm2 =	vgt.s32 v28, $0x0;
	v50 =	vcvt.s32.f32 v18  }
0x2a8: {  	v27 =	vadd.s32 $0x1, v26;
	vm5 =	vgt.s32 v24, $0x0;
	v16 =	vnsel vm1, $0x0, v26  }
0x2a9: {  	v33 =	vnsel vm8, $0x0, v22;
	v2 =	vmul.f32 v7, v2;
	v3 =	vmul.f32 v0, v3  }
0x2aa: {  	v6 =	vmul.f32 v7, v6;
	v0 =	vmul.f32 v0, v8;
	v7 =	vnsel vm5, $0x0, v24  }
0x2ab: {  	vm1 =	vgt.s32 v27, $0x0;
	v8 =	vnsel vm6, $0x0, v30;
	v7 =	vmin.u32 v7, $0xDF  }
0x2ac: {  	v8 =	vmin.u32 v8, $0xDF;
	v2 =	vadd.f32 v2, v3;
	v0 =	vadd.f32 v6, v0  }
0x2ad: {  	v3 =	vnsel vm7, $0x0, v18;
	v6 =	vmin.u32 v11, $0xDF;
	v11 =	vnsel vm0, $0x0, v21  }
0x2ae: {  	v37 =	vshll.u32 v7, $0x3;
	v38 =	vshll.u32 v8, $0x3;
	v7 =	vand.u32 $0x7F, v7  }
0x2af: {  	v8 =	vand.u32 $0x7F, v8;
	v3 =	vmin.u32 v3, $0xDF;
	v11 =	vmin.u32 v11, $0xDF  }
0x2b0: {  	v57 =	vshll.u32 v6, $0x8;
	v6 =	vshll.u32 v6, $0x7;
	v37 =	vand.u32 $0x400, v37  }
0x2b1: {  	v38 =	vand.u32 $0x400, v38;
	v15 =	vmul.f32 v2, v9;
	v23 =	vmul.f32 v0, v1  }
0x2b2: {  	v0 =	vmin.u32 v17, $0xDF;
	v1 =	vmin.u32 v16, $0xDF;
	v2 =	vnsel vm1, $0x0, v27  }
0x2b3: {  	v9 =	vmin.u32 v29, $0xDF;
	v16 =	vnsel vm2, $0x0, v28;
	v17 =	vmin.u32 v32, $0xDF  }
0x2b4: {  	v29 =	vmin.u32 v33, $0xDF;
	v32 =	vand.u32 $0xF800, v57;
	v39 =	vshll.u32 v3, $0x3  }
0x2b5: {  	v40 =	vshll.u32 v11, $0x3;
	v41 =	vand.u32 $0x380, v6;
	v3 =	vand.u32 $0x7F, v3  }
0x2b6: {  	v11 =	vand.u32 $0x7F, v11;
	v48 =	vor.u32 v7, v37;
	v2 =	vmin.u32 v2, $0xDF  }
0x2b7: {  	v16 =	vmin.u32 v16, $0xDF;
	v58 =	vshll.u32 v1, $0x8;
	v1 =	vshll.u32 v1, $0x7  }
0x2b8: {  	v34 =	vshll.u32 v9, $0x8;
	v9 =	vshll.u32 v9, $0x7;
	v35 =	vshll.u32 v0, $0x3  }
0x2b9: {  	v36 =	vshll.u32 v17, $0x3;
	v6 =	vshll.u32 v29, $0x8;
	v0 =	vand.u32 $0x7F, v0  }
0x2ba: {  	v39 =	vand.u32 $0x400, v39;
	v17 =	vand.u32 $0x7F, v17;
	v40 =	vand.u32 $0x400, v40  }
0x2bb: {  	v44 =	vor.u32 v32, v41;
	v29 =	vshll.u32 v29, $0x7;
	v33 =	vand.u32 $0xF800, v58  }
0x2bc: {  	v34 =	vand.u32 $0xF800, v34;
	v1 =	vand.u32 $0x380, v1;
	v42 =	vshll.u32 v2, $0x8  }
0x2bd: {  	v43 =	vand.u32 $0x380, v9;
	v9 =	vand.u32 $0x400, v35;
	v59 =	vshll.u32 v16, $0x8  }
0x2be: {  	v36 =	vand.u32 $0x400, v36;
	v6 =	vand.u32 $0xF800, v6;
	v2 =	vshll.u32 v2, $0x7  }
0x2bf: {  	v16 =	vshll.u32 v16, $0x7;
	v3 =	vor.u32 v3, v39;
	v7 =	vor.u32 v7, v44  }
0x2c0: {  	v11 =	vor.u32 v11, v40;
	v62 =	vand.u32 $0x380, v29;
	v45 =	vor.u32 v33, v1  }
0x2c1: {  	v42 =	vand.u32 $0xF800, v42;
	v46 =	vor.u32 v34, v43;
	v35 =	vand.u32 $0xF800, v59  }
0x2c2: {  	v47 =	vor.u32 v0, v9;
	v17 =	vor.u32 v17, v36;
	v39 =	vor.u32 v6, v3  }
0x2c3: {  	v6 =	vor.u32 v6, v48;
	v32 =	vor.u32 v32, v3;
	v33 =	vor.u32 v33, v11  }
0x2c4: {  	v48 =	vand.u32 $0x380, v16;
	v7 =	vor.u32 v37, v7;
	v0 =	vor.u32 v0, v46  }
0x2c5: {  	s15 =	simm.s32 $0x4;
	v61 =	vor.u32 v35, v17;
	v16 =	vor.u32 v62, v6;
	v6 =	vor.u32 v9, v0  }
0x2c6: {  	s14 =	simm.s32 $0x80;
	s8 =	sand.u32 $0x7, s15;
	v40 =	vor.u32 v42, v11;
	v35 =	vor.u32 v35, v47;
	v3 =	vor.u32 v48, v61;
	[tilespmem:$0x1FDC0] =	vst v6  }
0x2c7: {  	s11 =	simm.s32 $0x70;
	s8 =	sshll.u32 s8, $0x4;
	s5 =	sand.u32 $0xF00, s14;
	v11 =	vand.u32 $0x380, v2;
	v34 =	vor.u32 v34, v17;
	v2 =	vor.u32 v48, v35;
	[tilespmem:$0x1FDF0] =	vst v3  }
0x2c8: {  	s11 =	sand.u32 $0x70, s11;
	s17 =	sadd.s32 $0x80, s8;
	s12 =	sadd.s32 $0x1CE00, s5;
	v60 =	vor.u32 v8, v38;
	v29 =	vor.u32 v62, v39;
	v5 =	vor.u32 v43, v34;
	[tilespmem:$0x1FE20] =	vst v2  }
0x2c9: {  	s20 =	sadd.s32 $0x30, s17;
	s18 =	sor.u32 s11, s12;
	vm1 =	vlt.u32 v19, $0xE0;
	v19 =	vnsel vm3, $0x0, v55;
	v8 =	vor.u32 v8, v45;
	[tilespmem:$0x1FDB0] =	vst v5  }
0x2ca: {  	s22 =	sor.u32 $0x80, s20;
	vm3 =	vlt.u32 v26, $0xE0;
	v58 =	vcvt.s32.f32 v26;
	v17 =	vor.u32 v38, v8;
	v26 =	vld [tilespmem:s18+$0x0]  }
0x2cb: {  	v36 =	vor.u32 v42, v60;
	v60 =	vsub.f32 $1.000000000e+00, v55;
	v0 =	vor.u32 v41, v32;
	v55 =	vld [tilespmem:s22+$0x1CE00]  }
0x2cc: {  	v53 =	vsub.f32 v13, v50;
	v9 =	vor.u32 v11, v40;
	v54 =	vld.idx.msk [tilespmem:v7+s26+$0x0], $0xffff  }
0x2cd: {  	v13 =	vsub.f32 $1.000000000e+00, v52;
	v11 =	vor.u32 v11, v36;
	v57 =	vld.idx.msk [tilespmem:v29+s26+$0x0], $0xffff  }
0x2ce: {  	v56 =	vcvt.s32.f32 v25;
	vm0 =	vlt.u32 v31, $0xE0;
	v31 =	vsub.f32 $1.000000000e+00, v53;
	v59 =	vld.idx.msk [tilespmem:v16+s26+$0x0], $0xffff  }
0x2cf: {  	vm2 =	vlt.u32 v24, $0xE0;
	v14 =	vnsel vm1, $0x0, v13;
	vm1 =	vlt.u32 v18, $0xE0;
	v30 =	vld.idx.msk [tilespmem:v17+s26+$0x0], $0xffff  }
0x2d0: {  	v24 =	vnsel vm1, $0x0, v31;
	v8 =	vor.u32 v1, v33;
	v1 =	vcvt.s32.f32 v20;
	v31 =	vld.idx.msk [tilespmem:v0+s26+$0x0], $0xffff  }
0x2d1: {  	s3 =	simm.s32 $0x0;
	vm9 =	vlt.u32 v21, $0xE0;
	v12 =	vsub.f32 v12, v56;
	v13 =	vnsel vm0, $0x0, v52;
	v61 =	vld.idx.msk [tilespmem:v9+s26+$0x0], $0xffff  }
0x2d2: {  	s9 =	smul.u32 $0xFFFFFC80, s3;
	v21 =	vnsel vm2, $0x0, v53;
	v10 =	vsub.f32 v10, v58;
	v1 =	vsub.f32 v4, v1;
	v4 =	vld.idx.msk [tilespmem:v11+s26+$0x0], $0xffff  }
0x2d3: {  	vm0 =	vlt.u32 v28, $0xE0;
	vm2 =	vlt.u32 v20, $0xE0;
	vm1 =	vlt.u32 v22, $0xE0;
	v62 =	vld.idx.msk [tilespmem:v6+s26+$0x0], $0xffff  }
0x2d4: {  	s1 =	smul.u32 $0x700, s30;
	s9 =	sshra.s32 s9, $0x2;
	v47 =	vsub.f32 $1.000000000e+00, v12;
	v18 =	vnsel vm9, $0x0, v60;
	v48 =	vsub.f32 $1.000000000e+00, v10;
	v45 =	vld.idx.msk [tilespmem:v3+s26+$0x0], $0xffff  }
0x2d5: {  	s19 =	sadd.s32 $0x1FC70, s9;
	v50 =	vld.idx.msk [tilespmem:v2+s26+$0x0], $0xffff;
	v2 =	vadd.f32 v23, v15;
	v26 =	vmul.f32 $1.004484300e+00, v26;
	v23 =	vmul.f32 $1.004484300e+00, v55  }
0x2d6: {  	s1 =	ssub.s32 $0x0, s1;
	v52 =	vld [tilespmem:s19+$0x0];
	v63 =	vsub.f32 $1.000000000e+00, v1;
	v33 =	vmul.f32 v21, v54;
	v44 =	vmul.f32 v24, v57  }
0x2d7: {  	s1 =	sadd.s32 $0x80, s1;
	s25 =	simm.s32 $0x12;
	v20 =	vnsel vm1, $0x0, v1;
	v28 =	vld.idx.msk [tilespmem:v5+s26+$0x0], $0xffff;
	v46 =	vmul.f32 v21, v59;
	v22 =	vmul.f32 v24, v31  }
0x2d8: {  	s6 =	simm.s32 $0x9;
	s1 =	sand.u32 $0xFFFFFC00, s1;
	s30 =	sand.u32 $0x800, s25;
	vm1 =	vlt.u32 v25, $0xE0;
	v51 =	vld.idx.msk [tilespmem:v8+s26+$0x0], $0xffff;
	v30 =	vmul.f32 v19, v30;
	v32 =	vmul.f32 v18, v61  }
0x2d9: {  	s7 =	simm.s32 $0x10;
	s13 =	sand.u32 $0x380, s6;
	s1 =	sadd.s32 s1, s30;
	v4 =	vmul.f32 v19, v4;
	v31 =	vadd.f32 v44, v46;
	v33 =	vadd.f32 v22, v33  }
0x2da: {  	s6 =	sand.u32 $0x70, s7;
	s1 =	sor.u32 s13, s1;
	s24 =	sadd.s32 $0x0, s16;
	v34 =	vmul.f32 v13, v62;
	v25 =	vmul.f32 v14, v45;
	v22 =	vnsel vm2, $0x0, v63  }
0x2db: {  	s4 =	sor.u32 s6, s1;
	s6 =	scvt.s32.f32 s24;
	vm2 =	vlt.u32 v27, $0xE0;
	v1 =	vmul.f32 v31, v20;
	v27 =	vmul.f32 v33, v22  }
0x2dc: {  	s23 =	simm.s32 $0x40;
	s25 =	simm.s32 $0x50;
	v26 =	vadd.f32 v52, v26;
	v54 =	vmul.f32 v14, v28;
	v31 =	vmul.f32 v13, v50  }
0x2dd: {  	s30 =	simm.s32 $0x60;
	s7 =	sand.u32 $0x50, s25;
	s6 =	smul.f32 $1.004484300e+00, s6;
	v53 =	vmul.f32 v18, v51;
	v28 =	vnsel vm0, $0x0, v12;
	v1 =	vadd.f32 v1, v27  }
0x2de: {  	s8 =	sand.u32 $0x60, s30;
	s1 =	sand.u32 $0x40, s23;
	s9 =	sor.u32 s7, s12;
	v25 =	vadd.f32 v25, v31;
	v31 =	vnsel vm2, $0x0, v10;
	v10 =	vadd.f32 v54, v34  }
0x2df: {  	s1 =	sor.u32 s1, s12;
	s11 =	sor.u32 s8, s12;
	s12 =	sadd.f32 $-5.000000000e-01, s6;
	v4 =	vadd.f32 v32, v4;
	v34 =	vnsel vm1, $0x0, v47;
	[tilespmem:s4+$0x1EC00] =	vst v1;
	v1 =	vadd.f32 v53, v30;
	v30 =	vld [tilespmem:s9+$0x0]  }
0x2e0: {  	v27 =	vnsel vm3, $0x0, v48;
	v12 =	vmul.f32 v25, v28;
	v10 =	vmul.f32 v10, v34;
	v0 =	vld.idx.msk [tilespmem:v0+s21+$0x0], $0xffff  }
0x2e1: {  	v23 =	vadd.f32 s12, v23;
	v4 =	vmul.f32 v4, v31;
	v25 =	vld [tilespmem:s1+$0x0];
	[tilespmem:$0x1FEB0] =	vst v2;
	v1 =	vmul.f32 v1, v27  }
0x2e2: {  	v37 =	vadd.f32 v12, v10;
	v56 =	vld [tilespmem:s11+$0x0]  }
0x2e3: {  	v12 =	vtrunc.f32 v23;
	v38 =	vadd.f32 v4, v1;
	v1 =	vtrunc.f32 v26  }
0x2e4: {  	v2 =	vimm.s32 $0x0;
	v4 =	vcvt.f32.s32 v1;
	vm0 =	vlt.f32 v26, v1  }
0x2e5: {  	v1 =	vmul.f32 $1.004484300e+00, v30;
	v0 =	vmul.f32 v24, v0;
	v10 =	vsel vm0, $0xFFFFFFFF, v49  }
0x2e6: {  	vm0 =	vlt.f32 v23, v12;
	v30 =	vadd.s32 v4, v10;
	v4 =	vcvt.f32.s32 v12  }
0x2e7: {  	v10 =	vsel vm0, $0xFFFFFFFF, v49;
	[tilespmem:$0x1FE40] =	vst v0;
	v0 =	vmul.f32 $1.004484300e+00, v25;
	v25 =	vmul.f32 $1.004484300e+00, v56  }
0x2e8: {  	s13 =	simm.s32 $0x2;
	vm1 =	vgt.s32 v30, $0x0;
	v32 =	vadd.s32 $0x1, v30;
	vm2 =	vlt.u32 v30, $0xE0  }
0x2e9: {  	p0 =	por !p0, !p0;
	s5 =	sadd.s32 $0x10, s17;
	s6 =	sand.u32 $0x3, s13;
	v12 =	vnsel vm1, $0x0, v30;
	vm0 =	vgt.s32 v32, $0x0;
	v33 =	vadd.s32 v4, v10  }
0x2ea: {  	s8 =	simm.s32 $0x0;
	s5 =	sor.u32 $0x80, s5;
	s6 =	sshll.u32 s6, $0x5;
	vm3 =	vlt.u32 v32, $0xE0;
	v4 =	vmin.u32 v12, $0xDF;
	v10 =	vnsel vm0, $0x0, v32  }
0x2eb: {  	s7 =	simm.s32 $0x0;
	s13 =	sadd.s32 $0x0, s16;
	s6 =	sadd.s32 $0x80, s6;
	vm0 =	vgt.s32 v33, $0x0;
	v35 =	vadd.s32 $0x1, v33;
	v12 =	vand.u32 $0x7F, v4  }
0x2ec: {  	s14 =	smul.u32 $0xFFFFFC80, s7;
	s20 =	scvt.s32.f32 s13;
	s6 =	sadd.s32 $0x20, s6;
	v40 =	vld.idx.msk [tilespmem:v29+s21+$0x0], $0xffff;
	v10 =	vmin.u32 v10, $0xDF;
	v57 =	vnsel vm0, $0x0, v33;
	v4 =	vshll.u32 v4, $0x3  }
0x2ed: {  	s6 =	sor.u32 $0x80, s6;
	s22 =	sadd.s32 $0x0, s16;
	s9 =	simm.s32 $0x1;
	v58 =	vld [tilespmem:s5+$0x1CE00];
	vm0 =	vgt.s32 v35, $0x0;
	vm10 =	vlt.u32 v35, $0xE0;
	v4 =	vand.u32 $0x400, v4  }
0x2ee: {  	s18 =	smul.u32 $0xFFFFFC80, s8;
	s23 =	scvt.s32.f32 s22;
	s9 =	simm.s32 @!p0 $0x0;
	v60 =	vld [tilespmem:s6+$0x1CE00];
	v29 =	vand.u32 $0x7F, v10;
	v39 =	vmin.u32 v57, $0xDF;
	v59 =	vnsel vm0, $0x0, v35  }
0x2ef: {  	s1 =	simm.s32 $0x0;
	s9 =	sshll.u32 s9, $0x6;
	s11 =	sshra.s32 s14, $0x2;
	v10 =	vshll.u32 v10, $0x3;
	v42 =	vmin.u32 v59, $0xDF;
	v4 =	vor.u32 v12, v4  }
0x2f0: {  	s15 =	smul.u32 $0xFFFFFC80, s1;
	s9 =	sadd.s32 $0x80, s9;
	s11 =	sadd.s32 $0x1FC40, s11;
	v10 =	vand.u32 $0x400, v10;
	v61 =	vshll.u32 v39, $0x8;
	v39 =	vshll.u32 v39, $0x7  }
0x2f1: {  	s24 =	smul.f32 $1.004484300e+00, s20;
	s9 =	sor.u32 $0x80, s9;
	s6 =	sshra.s32 s18, $0x2;
	v63 =	vld [tilespmem:s11+$0x0];
	v62 =	vshll.u32 v42, $0x7;
	v44 =	vand.u32 $0xF800, v61;
	v39 =	vand.u32 $0x380, v39  }
0x2f2: {  	s25 =	smul.f32 $1.004484300e+00, s23;
	s19 =	sshra.s32 s15, $0x2;
	s6 =	sadd.s32 $0x1FC60, s6;
	v12 =	vld [tilespmem:s9+$0x1CE00];
	v54 =	vor.u32 v29, v10;
	v42 =	vshll.u32 v42, $0x8;
	v41 =	vmul.f32 $1.004484300e+00, v58  }
0x2f3: {  	s30 =	sadd.f32 $-5.000000000e-01, s24;
	v50 =	vld [tilespmem:s6+$0x0];
	s9 =	sadd.s32 $0x1FC50, s19;
	v43 =	vmul.f32 $1.004484300e+00, v60;
	v56 =	vor.u32 v44, v4;
	v44 =	vor.u32 v44, v39  }
0x2f4: {  	s17 =	sadd.s32 $0x0, s16;
	s6 =	sadd.f32 $-5.000000000e-01, s25;
	v55 =	vld [tilespmem:s9+$0x0];
	v57 =	vand.u32 $0xF800, v42;
	v51 =	vor.u32 v39, v56;
	v29 =	vor.u32 v29, v44  }
0x2f5: {  	s5 =	scvt.s32.f32 s17;
	v4 =	vor.u32 v57, v4;
	v42 =	vadd.f32 s30, v41;
	v39 =	vmul.f32 v24, v40  }
0x2f6: {  	v43 =	vadd.f32 s6, v43;
	v44 =	vor.u32 v10, v29;
	v10 =	vand.u32 $0x380, v62  }
0x2f7: {  	s5 =	smul.f32 $1.004484300e+00, s5;
	v29 =	vadd.f32 v63, v0;
	v45 =	vor.u32 v10, v4;
	v12 =	vmul.f32 $1.004484300e+00, v12  }
0x2f8: {  	v4 =	vor.u32 v57, v54;
	v60 =	vtrunc.f32 v42;
	v63 =	vtrunc.f32 v43  }
0x2f9: {  	s5 =	sadd.f32 $-5.000000000e-01, s5;
	v54 =	vcvt.s32.f32 v33;
	v0 =	vor.u32 v10, v4;
	v6 =	vadd.f32 v55, v1  }
0x2fa: {  	v10 =	vadd.f32 v50, v25;
	v1 =	vcvt.s32.f32 v30;
	v25 =	vtrunc.f32 v29  }
0x2fb: {  	v35 =	vcvt.f32.s32 v63;
	v12 =	vadd.f32 s5, v12;
	v62 =	vcvt.f32.s32 v25  }
0x2fc: {  	vm1 =	vlt.f32 v29, v25;
	v23 =	vsub.f32 v23, v54;
	v24 =	vld.idx.msk [tilespmem:v51+s26+$0x0], $0xffff;
	v59 =	vtrunc.f32 v6  }
0x2fd: {  	v1 =	vsub.f32 v26, v1;
	v61 =	vtrunc.f32 v10;
	v58 =	vld.idx.msk [tilespmem:v44+s26+$0x0], $0xffff;
	v36 =	vtrunc.f32 v12  }
0x2fe: {  	v53 =	vcvt.f32.s32 v59;
	vm0 =	vlt.f32 v6, v59;
	v40 =	vcvt.f32.s32 v61;
	v26 =	vld.idx.msk [tilespmem:v45+s26+$0x0], $0xffff  }
0x2ff: {  	v57 =	vsub.f32 $1.000000000e+00, v23;
	v23 =	vnsel vm10, $0x0, v23;
	v52 =	vsub.f32 $1.000000000e+00, v1;
	v25 =	vld.idx.msk [tilespmem:v0+s26+$0x0], $0xffff  }
0x300: {  	v1 =	vnsel vm3, $0x0, v1;
	vm3 =	vlt.u32 v33, $0xE0;
	v59 =	vcvt.f32.s32 v36  }
0x301: {  	vm11 =	vlt.f32 v12, v36;
	v32 =	vnsel vm3, $0x0, v57;
	v30 =	vnsel vm2, $0x0, v52  }
0x302: {  	vm3 =	vlt.f32 v42, v60;
	vm2 =	vlt.f32 v10, v61;
	v24 =	vmul.f32 v30, v24  }
0x303: {  	v61 =	vsel vm2, $0xFFFFFFFF, v2;
	v56 =	vmul.f32 v1, v58;
	v58 =	vsel vm1, $0xFFFFFFFF, v2  }
0x304: {  	s3 =	smul.u32 $0x700, s3;
	vm1 =	vlt.f32 v43, v63;
	v26 =	vmul.f32 v30, v26;
	v25 =	vmul.f32 v1, v25  }
0x305: {  	v54 =	vadd.s32 v40, v61;
	v55 =	vadd.s32 v62, v58;
	v62 =	vsel vm11, $0xFFFFFFFF, v2  }
0x306: {  	s3 =	ssub.s32 $0x200, s3;
	v63 =	vsel vm1, $0xFFFFFFFF, v2;
	v24 =	vadd.f32 v24, v56;
	v25 =	vadd.f32 v26, v25  }
0x307: {  	s3 =	sadd.s32 $0x180, s3;
	s9 =	simm.s32 $0x80;
	v47 =	vadd.s32 v59, v62;
	v59 =	vadd.s32 $0x1, v55;
	v48 =	vadd.s32 v35, v63  }
0x308: {  	s3 =	sand.u32 $0xFFFFFC00, s3;
	s11 =	simm.s32 $0x40;
	s5 =	sand.u32 $0x800, s9;
	v56 =	vadd.s32 $0x1, v54;
	v24 =	vmul.f32 v24, v32;
	v25 =	vmul.f32 v25, v23  }
0x309: {  	s12 =	simm.s32 $0x70;
	s6 =	sand.u32 $0x380, s11;
	s3 =	sadd.s32 s3, s5;
	vm4 =	vgt.s32 v55, $0x0;
	vm1 =	vgt.s32 v48, $0x0;
	v50 =	vadd.s32 $0x1, v48  }
0x30a: {  	s13 =	sand.u32 $0x70, s12;
	s3 =	sor.u32 s6, s3;
	vm2 =	vgt.s32 v59, $0x0;
	vm13 =	vgt.s32 v56, $0x0;
	v24 =	vadd.f32 v25, v24  }
0x30b: {  	s24 =	sor.u32 s13, s3;
	v62 =	vnsel vm4, $0x0, v55;
	v26 =	vcvt.f32.s32 v60;
	v60 =	vsel vm3, $0xFFFFFFFF, v2  }
0x30c: {  	vm3 =	vgt.s32 v47, $0x0;
	v35 =	vnsel vm1, $0x0, v48;
	vm1 =	vgt.s32 v50, $0x0;
	[tilespmem:s24+$0x1EC00] =	vst v24  }
0x30d: {  	v40 =	vnsel vm2, $0x0, v59;
	v49 =	vadd.s32 v26, v60;
	v25 =	vsel vm0, $0xFFFFFFFF, v2;
	v24 =	vld.idx.msk [tilespmem:v51+s21+$0x0], $0xffff  }
0x30e: {  	v61 =	vnsel vm13, $0x0, v56;
	v52 =	vadd.s32 $0x1, v49;
	v41 =	vadd.s32 v53, v25;
	v25 =	vld.idx.msk [tilespmem:v44+s21+$0x0], $0xffff  }
0x30f: {  	v40 =	vmin.u32 v40, $0xDF;
	vm0 =	vgt.s32 v49, $0x0;
	vm15 =	vgt.s32 v52, $0x0;
	v26 =	vld.idx.msk [tilespmem:v45+s21+$0x0], $0xffff  }
0x310: {  	v60 =	vnsel vm0, $0x0, v49;
	vm0 =	vgt.s32 v54, $0x0;
	v57 =	vnsel vm15, $0x0, v52;
	v0 =	vld.idx.msk [tilespmem:v0+s21+$0x0], $0xffff  }
0x311: {  	v58 =	vadd.s32 $0x1, v41;
	vm14 =	vgt.s32 v41, $0x0;
	v63 =	vnsel vm0, $0x0, v54  }
0x312: {  	v51 =	vadd.s32 $0x1, v47;
	vm12 =	vgt.s32 v58, $0x0;
	v33 =	vmin.u32 v63, $0xDF  }
0x313: {  	v63 =	vshll.u32 v33, $0x3;
	v33 =	vand.u32 $0x7F, v33;
	vm0 =	vgt.s32 v51, $0x0  }
0x314: {  	v63 =	vand.u32 $0x400, v63;
	v24 =	vmul.f32 v30, v24;
	v25 =	vmul.f32 v1, v25  }
0x315: {  	v26 =	vmul.f32 v30, v26;
	v0 =	vmul.f32 v1, v0;
	v30 =	vnsel vm12, $0x0, v58  }
0x316: {  	v33 =	vor.u32 v33, v63;
	v1 =	vnsel vm3, $0x0, v47;
	v30 =	vmin.u32 v30, $0xDF  }
0x317: {  	v1 =	vmin.u32 v1, $0xDF;
	v24 =	vadd.f32 v24, v25;
	v0 =	vadd.f32 v26, v0  }
0x318: {  	v25 =	vnsel vm14, $0x0, v41;
	v26 =	vmin.u32 v60, $0xDF;
	v60 =	vshll.u32 v30, $0x3  }
0x319: {  	v30 =	vand.u32 $0x7F, v30;
	v25 =	vmin.u32 v25, $0xDF;
	v44 =	vshll.u32 v26, $0x8  }
0x31a: {  	v26 =	vshll.u32 v26, $0x7;
	v60 =	vand.u32 $0x400, v60;
	v45 =	vmul.f32 v24, v32  }
0x31b: {  	v46 =	vmul.f32 v0, v23;
	v0 =	vmin.u32 v35, $0xDF;
	v23 =	vnsel vm1, $0x0, v50  }
0x31c: {  	v24 =	vmin.u32 v62, $0xDF;
	v32 =	vmin.u32 v61, $0xDF;
	v35 =	vmin.u32 v57, $0xDF  }
0x31d: {  	v44 =	vand.u32 $0xF800, v44;
	v62 =	vshll.u32 v25, $0x3;
	v26 =	vand.u32 $0x380, v26  }
0x31e: {  	v25 =	vand.u32 $0x7F, v25;
	v23 =	vmin.u32 v23, $0xDF;
	v53 =	vshll.u32 v0, $0x8  }
0x31f: {  	v0 =	vshll.u32 v0, $0x7;
	v57 =	vshll.u32 v24, $0x3;
	v61 =	vshll.u32 v32, $0x3  }
0x320: {  	v24 =	vand.u32 $0x7F, v24;
	v62 =	vand.u32 $0x400, v62;
	v63 =	vor.u32 v44, v26  }
0x321: {  	v32 =	vand.u32 $0x7F, v32;
	v57 =	vand.u32 $0x400, v57;
	v53 =	vand.u32 $0xF800, v53  }
0x322: {  	v4 =	vand.u32 $0x380, v0;
	v25 =	vor.u32 v25, v62;
	v62 =	vshll.u32 v23, $0x8  }
0x323: {  	v63 =	vor.u32 v30, v63;
	v30 =	vor.u32 v30, v60;
	v61 =	vand.u32 $0x400, v61  }
0x324: {  	v0 =	vshll.u32 v40, $0x3;
	v24 =	vor.u32 v24, v57;
	v57 =	vshll.u32 v35, $0x8  }
0x325: {  	v40 =	vand.u32 $0x7F, v40;
	v23 =	vshll.u32 v23, $0x7;
	v57 =	vand.u32 $0xF800, v57  }
0x326: {  	v62 =	vand.u32 $0xF800, v62;
	v5 =	vor.u32 v53, v33;
	v30 =	vor.u32 v57, v30  }
0x327: {  	v57 =	vor.u32 v57, v25;
	v25 =	vor.u32 v44, v25;
	v44 =	vor.u32 v53, v4  }
0x328: {  	v35 =	vshll.u32 v35, $0x7;
	v44 =	vor.u32 v32, v44;
	v32 =	vor.u32 v32, v61  }
0x329: {  	v63 =	vor.u32 v60, v63;
	v53 =	vnsel vm0, $0x0, v51;
	v32 =	vor.u32 v62, v32  }
0x32a: {  	v62 =	vor.u32 v62, v33;
	v33 =	vshll.u32 v1, $0x8;
	v1 =	vshll.u32 v1, $0x7  }
0x32b: {  	v7 =	vld.idx.msk [tilespmem:v7+s21+$0x0], $0xffff;
	v53 =	vmin.u32 v53, $0xDF;
	v33 =	vand.u32 $0xF800, v33;
	v2 =	vand.u32 $0x380, v1  }
0x32c: {  	v1 =	vand.u32 $0x400, v0;
	v0 =	vshll.u32 v53, $0x8;
	v15 =	vor.u32 v33, v2  }
0x32d: {  	v0 =	vand.u32 $0xF800, v0;
	v15 =	vor.u32 v40, v15;
	v40 =	vor.u32 v40, v1  }
0x32e: {  	v23 =	vand.u32 $0x380, v23;
	v35 =	vand.u32 $0x380, v35;
	v3 =	vor.u32 v0, v40  }
0x32f: {  	v0 =	vor.u32 v0, v24;
	v24 =	vor.u32 v33, v24;
	v40 =	vor.u32 v35, v57  }
0x330: {  	v57 =	vmul.f32 v21, v7;
	v7 =	vshll.u32 v53, $0x7;
	v33 =	vor.u32 v1, v15  }
0x331: {  	v30 =	vor.u32 v35, v30;
	v35 =	vor.u32 v23, v32;
	[tilespmem:$0x1FE80] =	vst v33;
	v7 =	vand.u32 $0x380, v7  }
0x332: {  	v60 =	vor.u32 v61, v44;
	v61 =	vor.u32 v23, v62;
	[tilespmem:$0x1FE70] =	vst v35;
	v23 =	vor.u32 v7, v0  }
0x333: {  	v15 =	vcvt.s32.f32 v55;
	v0 =	vor.u32 v7, v3;
	[tilespmem:$0x1FE90] =	vst v23  }
0x334: {  	[tilespmem:$0x1FEA0] =	vst v0  }
0x335: {  	s14 =	smul.u32 $0x700, s10;
	v7 =	vsub.f32 v29, v15;
	v15 =	vld.idx.msk [tilespmem:v16+s21+$0x0], $0xffff  }
0x336: {  	v32 =	vld.idx.msk [tilespmem:v30+s26+$0x0], $0xffff  }
0x337: {  	s3 =	ssub.s32 $0x0, s14;
	v53 =	vor.u32 v26, v25;
	v62 =	vld.idx.msk [tilespmem:v63+s26+$0x0], $0xffff  }
0x338: {  	s15 =	simm.s32 $0x24;
	s3 =	sadd.s32 $0x100, s3;
	vm2 =	vlt.u32 v58, $0xE0;
	v44 =	vcvt.s32.f32 v41;
	v1 =	vor.u32 v4, v5;
	v58 =	vld.idx.msk [tilespmem:v60+s26+$0x0], $0xffff  }
0x339: {  	s18 =	simm.s32 $0x12;
	s5 =	sand.u32 $0x800, s15;
	s3 =	sand.u32 $0xFFFFFC00, s3;
	vm0 =	vlt.u32 v59, $0xE0;
	v59 =	vld.idx.msk [tilespmem:v61+s26+$0x0], $0xffff  }
0x33a: {  	s19 =	simm.s32 $0x20;
	s9 =	sand.u32 $0x380, s18;
	s3 =	sadd.s32 s3, s5;
	v6 =	vsub.f32 v6, v44;
	v3 =	vcvt.s32.f32 v54;
	v25 =	vld.idx.msk [tilespmem:v40+s26+$0x0], $0xffff  }
0x33b: {  	s17 =	smul.u32 $0xFFFFFF20, s2;
	s10 =	sand.u32 $0x60, s19;
	s3 =	sor.u32 s9, s3;
	v29 =	vor.u32 v2, v24;
	v2 =	vsub.f32 $1.000000000e+00, v7;
	v4 =	vnsel vm0, $0x0, v7;
	v7 =	vld.idx.msk [tilespmem:v35+s26+$0x0], $0xffff  }
0x33c: {  	s2 =	smul.u32 $0xFFFFF900, s2;
	s5 =	sor.u32 s10, s3;
	vm0 =	vlt.u32 v51, $0xE0;
	v51 =	vld.idx.msk [tilespmem:v53+s26+$0x0], $0xffff  }
0x33d: {  	vm1 =	vlt.u32 v55, $0xE0;
	v16 =	vsub.f32 v10, v3;
	v3 =	vsub.f32 $1.000000000e+00, v6;
	[tilespmem:s5+$0x1EC00] =	vst v38;
	v55 =	vld.idx.msk [tilespmem:v1+s26+$0x0], $0xffff  }
0x33e: {  	s20 =	simm.s32 $0x0;
	s2 =	sadd.s32 $0x0, s2;
	v5 =	vcvt.s32.f32 v49;
	v17 =	vld.idx.msk [tilespmem:v17+s21+$0x0], $0xffff;
	v2 =	vnsel vm1, $0x0, v2;
	vm1 =	vlt.u32 v41, $0xE0  }
0x33f: {  	s22 =	sand.u32 $0x800, s20;
	s23 =	simm.s32 $0x0;
	s2 =	sand.u32 $0xFFFFFC00, s2;
	v24 =	vcvt.s32.f32 v47;
	v41 =	vnsel vm1, $0x0, v3;
	v3 =	vnsel vm2, $0x0, v6;
	v6 =	vld.idx.msk [tilespmem:v33+s26+$0x0], $0xffff  }
0x340: {  	s2 =	sadd.s32 s2, s22;
	s6 =	sadd.s32 $0x0, s17;
	s3 =	sand.u32 $0x380, s23;
	vm3 =	vlt.u32 v56, $0xE0;
	v26 =	vcvt.s32.f32 v48;
	v5 =	vsub.f32 v42, v5;
	v42 =	vld.idx.msk [tilespmem:v23+s26+$0x0], $0xffff  }
0x341: {  	s6 =	sand.u32 $0x60, s6;
	s2 =	sor.u32 s3, s2;
	v24 =	vsub.f32 v12, v24;
	v10 =	vsub.f32 $1.000000000e+00, v16;
	v12 =	vnsel vm3, $0x0, v16;
	v16 =	vld.idx.msk [tilespmem:v0+s26+$0x0], $0xffff  }
0x342: {  	vm8 =	vlt.u32 v54, $0xE0;
	s6 =	sor.u32 s6, s2;
	v33 =	vld.idx.msk [tilespmem:v8+s21+$0x0], $0xffff  }
0x343: {  	v26 =	vsub.f32 v43, v26;
	v10 =	vnsel vm8, $0x0, v10;
	v43 =	vmul.f32 v3, v62;
	v62 =	vld.idx.msk [tilespmem:v29+s26+$0x0], $0xffff;
	[dreg:$0x12] =	wrdreg s6  }
0x344: {  	v44 =	vsub.f32 $1.000000000e+00, v5;
	v54 =	vmul.f32 v10, v59;
	v7 =	vmul.f32 v12, v7;
	[tilespmem:s6+$0x1EC00] =	vst v37  }
0x345: {  	vm9 =	vlt.u32 v49, $0xE0;
	v0 =	vld [tilespmem:$0x1FDB0]  }
0x346: {  	v35 =	vadd.f32 v54, v7;
	v7 =	vnsel vm9, $0x0, v44;
	v44 =	vld.idx.msk [tilespmem:v9+s21+$0x0], $0xffff  }
0x347: {  	v9 =	vld [tilespmem:$0x1FDC0];
	_ =	sdelay $0x4  }
0x348: {  	vm3 =	vlt.u32 v50, $0xE0;
	v32 =	vmul.f32 v3, v32;
	v25 =	vmul.f32 v41, v25  }
0x349: {  	s13 =	simm.s32 $0x100;
	v50 =	vsub.f32 $1.000000000e+00, v26;
	v37 =	vld.idx.msk [tilespmem:v11+s21+$0x0], $0xffff;
	v42 =	vmul.f32 v2, v42;
	v16 =	vmul.f32 v4, v16  }
0x34a: {  	vm2 =	vlt.u32 v52, $0xE0;
	v8 =	vnsel vm3, $0x0, v26;
	v25 =	vadd.f32 v25, v32;
	v26 =	vld.idx.msk [tilespmem:v0+s21+$0x0], $0xffff;
	[dreg:$0x6] =	wrdreg s13  }
0x34b: {  	v5 =	vnsel vm2, $0x0, v5;
	v11 =	vadd.f32 v42, v16;
	v42 =	vld.idx.msk [tilespmem:v9+s21+$0x0], $0xffff  }
0x34c: {  	v25 =	vmul.f32 v25, v5;
	[tilespmem:$0x1FDD0] =	vst v5;
	v5 =	vld [tilespmem:$0x1FDF0];
	_ =	sdelay $0x6  }
0x34d: {  	s1 =	smul.u32 $0x700, s1;
	v52 =	vmul.f32 v12, v58;
	v16 =	vmul.f32 v10, v55;
	[tilespmem:$0x1FDE0] =	vst v8  }
0x34e: {  	v32 =	vsub.f32 $1.000000000e+00, v24;
	v0 =	vnsel vm0, $0x0, v24;
	v24 =	vmul.f32 v2, v62;
	v62 =	vld.idx.msk [tilespmem:v5+s21+$0x0], $0xffff  }
0x34f: {  	s1 =	ssub.s32 $0x200, s1;
	v16 =	vadd.f32 v16, v52;
	v52 =	vmul.f32 v11, v0;
	[tilespmem:$0x1FE00] =	vst v0;
	v0 =	vld [tilespmem:$0x1FE20]  }
0x350: {  	s28 =	simm.s32 $0x8;
	s12 =	simm.s32 $0x100;
	s1 =	sadd.s32 $0x80, s1  }
0x351: {  	p0 =	por !p0, !p0;
	s1 =	sand.u32 $0xFFFFFC00, s1;
	s25 =	simm.s32 $0x5B  }
0x352: {  	s30 =	simm.s32 $0x2D;
	s18 =	simm.s32 $0xB0;
	s17 =	sand.u32 $0x7, s28  }
0x353: {  	s14 =	sand.u32 $0xF00, s12;
	s11 =	sshll.u32 s17, $0x4;
	s12 =	sand.u32 $0x70, s18  }
0x354: {  	s9 =	sand.u32 $0x380, s30;
	s30 =	sadd.s32 $0x0, s16;
	s10 =	sadd.s32 $0x100, s11;
	v54 =	vmul.f32 v41, v51  }
0x355: {  	s3 =	sadd.s32 $0x1CE00, s14;
	s23 =	sadd.s32 $0x30, s10;
	vm10 =	vlt.u32 v48, $0xE0;
	vm1 =	vlt.u32 v47, $0xE0;
	s6 =	simm.s32 $0x0;
	v49 =	vmul.f32 v4, v6;
	v5 =	vld [tilespmem:$0x1FE40]  }
0x356: {  	s14 =	simm.s32 $0x80;
	s10 =	sadd.s32 $0x10, s10;
	s15 =	smul.u32 $0xFFFFFC80, s6;
	v6 =	vnsel vm10, $0x0, v50;
	v58 =	vadd.f32 v54, v43;
	v59 =	vmul.f32 v35, v8;
	[tilespmem:$0x1FE10] =	vst v7  }
0x357: {  	s2 =	sand.u32 $0x800, s25;
	s20 =	sor.u32 s12, s3;
	s25 =	simm.s32 $0x50;
	v55 =	vmul.f32 v18, v33;
	v16 =	vmul.f32 v16, v6;
	v54 =	vld.idx.msk [tilespmem:v0+s21+$0x0], $0xffff;
	v0 =	vnsel vm1, $0x0, v32;
	[tilespmem:$0x1FE30] =	vst v6  }
0x358: {  	s1 =	sadd.s32 s1, s2;
	s12 =	sand.u32 $0x70, s25;
	s19 =	sshra.s32 s15, $0x2;
	v38 =	vmul.f32 v58, v7;
	v44 =	vmul.f32 v18, v44;
	[tilespmem:$0x1FE50] =	vst v0  }
0x359: {  	s1 =	sor.u32 s9, s1;
	s22 =	sadd.s32 $0x1FCB0, s19;
	s19 =	simm.s32 $0x4;
	v18 =	vadd.f32 v59, v16;
	v26 =	vmul.f32 v14, v26;
	v16 =	vmul.f32 v13, v42;
	v56 =	vld [tilespmem:s20+$0x0]  }
0x35a: {  	s11 =	sor.u32 $0x80, s23;
	s1 =	sor.u32 s12, s1;
	v15 =	vmul.f32 v21, v15;
	s12 =	sand.u32 $0x3, s19;
	v25 =	vadd.f32 v25, v38;
	v21 =	vadd.f32 v5, v57;
	v57 =	vld [tilespmem:s22+$0x0]  }
0x35b: {  	s17 =	sand.u32 $0x40, s14;
	s12 =	sshll.u32 s12, $0x5;
	v24 =	vadd.f32 v24, v49;
	v16 =	vadd.f32 v26, v16;
	v58 =	vld [tilespmem:s11+$0x1CE00];
	[dreg:$0x8] =	wrdreg s1  }
0x35c: {  	s15 =	simm.s32 $0x80;
	s12 =	sadd.s32 $0x100, s12;
	s13 =	scvt.s32.f32 s30;
	[tilespmem:s1+$0x1EC00] =	vst v25  }
0x35d: {  	s14 =	simm.s32 $0x90;
	s12 =	sadd.s32 $0x20, s12;
	v24 =	vmul.f32 v24, v0;
	v0 =	vmul.f32 v16, v34;
	[dreg:$0xe] =	wrdreg s15  }
0x35e: {  	v17 =	vmul.f32 v19, v17;
	v15 =	vadd.f32 v39, v15;
	s9 =	smul.f32 $1.004484300e+00, s13;
	s13 =	simm.s32 $0x1;
	s1 =	sor.u32 s17, s3;
	v25 =	vld.idx.msk [tilespmem:v53+s21+$0x0], $0xffff  }
0x35f: {  	s14 =	sand.u32 $0x50, s14;
	s12 =	sor.u32 $0x80, s12;
	s13 =	simm.s32 @!p0 $0x0;
	v26 =	vld [tilespmem:s1+$0x0];
	[tilespmem:$0x1FE60] =	vst v0  }
0x360: {  	v15 =	vmul.f32 v15, v20;
	v19 =	vmul.f32 v19, v37;
	v17 =	vadd.f32 v55, v17;
	s13 =	sshll.u32 s13, $0x6;
	s11 =	simm.s32 $0x0;
	s22 =	sor.u32 $0x80, s10;
	v34 =	vld.idx.msk [tilespmem:v63+s21+$0x0], $0xffff  }
0x361: {  	s13 =	sadd.s32 $0x100, s13;
	v14 =	vmul.f32 v14, v62;
	v6 =	vadd.f32 v46, v45;
	s20 =	smul.u32 $0xFFFFFC80, s11;
	s15 =	simm.s32 $0xA0;
	v13 =	vmul.f32 v13, v54;
	v45 =	vld [tilespmem:s22+$0x1CE00]  }
0x362: {  	s14 =	sor.u32 s14, s3;
	v19 =	vadd.f32 v44, v19;
	s25 =	sor.u32 $0x80, s13;
	v22 =	vmul.f32 v21, v22;
	s15 =	sand.u32 $0x60, s15;
	v32 =	vld [tilespmem:s12+$0x1CE00];
	v21 =	vmul.f32 $1.004484300e+00, v56  }
0x363: {  	v27 =	vmul.f32 v17, v27;
	s18 =	sadd.f32 $-5.000000000e-01, s9;
	s2 =	sshra.s32 s20, $0x2;
	s3 =	sor.u32 s15, s3;
	v33 =	vld [tilespmem:s25+$0x1CE00];
	v14 =	vadd.f32 v14, v13;
	v17 =	vmul.f32 $1.004484300e+00, v58  }
0x364: {  	v23 =	vadd.f32 v52, v24;
	v24 =	vmul.f32 v19, v31;
	s15 =	sadd.s32 $0x1FC80, s2;
	v43 =	vld [tilespmem:s3+$0x0];
	v20 =	vadd.f32 v57, v21  }
0x365: {  	v58 =	vld [tilespmem:s15+$0x0];
	v14 =	vmul.f32 v14, v28;
	v17 =	vadd.f32 s18, v17;
	v19 =	vmul.f32 v41, v25  }
0x366: {  	v36 =	vimm.s32 $0x0;
	v25 =	vmul.f32 $1.004484300e+00, v26;
	v16 =	vtrunc.f32 v20  }
0x367: {  	v7 =	vadd.f32 v15, v22;
	s18 =	sadd.s32 $0x0, s16;
	v22 =	vtrunc.f32 v17;
	v45 =	vmul.f32 $1.004484300e+00, v45  }
0x368: {  	v8 =	vadd.f32 v24, v27;
	s10 =	scvt.s32.f32 s18;
	v24 =	vmul.f32 $1.004484300e+00, v33;
	v27 =	vmul.f32 $1.004484300e+00, v32  }
0x369: {  	v34 =	vmul.f32 v3, v34;
	v15 =	vcvt.f32.s32 v16;
	vm0 =	vlt.f32 v20, v16  }
0x36a: {  	v43 =	vmul.f32 $1.004484300e+00, v43;
	s10 =	smul.f32 $1.004484300e+00, s10;
	v47 =	vadd.f32 v58, v25;
	v16 =	vsel vm0, $0xFFFFFFFF, v36  }
0x36b: {  	vm0 =	vlt.f32 v17, v22;
	v15 =	vadd.s32 v15, v16;
	v16 =	vcvt.f32.s32 v22  }
0x36c: {  	v26 =	vsel vm0, $0xFFFFFFFF, v36;
	s10 =	sadd.f32 $-5.000000000e-01, s10;
	vm1 =	vgt.s32 v15, $0x0;
	v22 =	vadd.s32 $0x1, v15  }
0x36d: {  	v58 =	vcvt.s32.f32 v15;
	v28 =	vnsel vm1, $0x0, v15;
	vm0 =	vgt.s32 v22, $0x0  }
0x36e: {  	v26 =	vadd.s32 v16, v26;
	v54 =	vadd.f32 s10, v24;
	vm1 =	vlt.u32 v22, $0xE0  }
0x36f: {  	v16 =	vmin.u32 v28, $0xDF;
	v28 =	vnsel vm0, $0x0, v22;
	vm0 =	vgt.s32 v26, $0x0  }
0x370: {  	v31 =	vadd.s32 $0x1, v26;
	v59 =	vand.u32 $0x7F, v16;
	v28 =	vmin.u32 v28, $0xDF  }
0x371: {  	s1 =	simm.s32 $0x0;
	v62 =	vnsel vm0, $0x0, v26;
	v16 =	vshll.u32 v16, $0x3;
	vm0 =	vgt.s32 v31, $0x0  }
0x372: {  	s23 =	smul.u32 $0xFFFFFC80, s1;
	v16 =	vand.u32 $0x400, v16;
	v63 =	vand.u32 $0x7F, v28;
	v55 =	vnsel vm0, $0x0, v31  }
0x373: {  	v37 =	vmin.u32 v62, $0xDF;
	v28 =	vshll.u32 v28, $0x3;
	v44 =	vmin.u32 v55, $0xDF  }
0x374: {  	s9 =	simm.s32 $0x0;
	v38 =	vld [tilespmem:s14+$0x0];
	s14 =	sshra.s32 s23, $0x2;
	v16 =	vor.u32 v59, v16;
	v28 =	vand.u32 $0x400, v28;
	v56 =	vshll.u32 v37, $0x8  }
0x375: {  	s30 =	smul.u32 $0xFFFFFC80, s9;
	s17 =	sadd.s32 $0x0, s16;
	s3 =	sadd.s32 $0x1FC90, s14;
	v37 =	vshll.u32 v37, $0x7;
	v57 =	vshll.u32 v44, $0x7;
	v46 =	vand.u32 $0xF800, v56  }
0x376: {  	s19 =	sadd.s32 $0x0, s16;
	s13 =	scvt.s32.f32 s17;
	v62 =	vld [tilespmem:s3+$0x0];
	[dreg:$0x4] =	wrdreg s16;
	v37 =	vand.u32 $0x380, v37;
	v35 =	vor.u32 v63, v28;
	v44 =	vshll.u32 v44, $0x8  }
0x377: {  	s3 =	scvt.s32.f32 s19;
	v40 =	vld.idx.msk [tilespmem:v40+s21+$0x0], $0xffff;
	v59 =	vor.u32 v46, v16;
	v46 =	vor.u32 v46, v37;
	v44 =	vand.u32 $0xF800, v44  }
0x378: {  	s12 =	sshra.s32 s30, $0x2;
	s20 =	smul.f32 $1.004484300e+00, s13;
	v56 =	vand.u32 $0x380, v57;
	v37 =	vor.u32 v37, v59;
	v42 =	vor.u32 v63, v46  }
0x379: {  	s12 =	sadd.s32 $0x1FCA0, s12;
	s3 =	smul.f32 $1.004484300e+00, s3;
	v57 =	vmul.f32 $1.004484300e+00, v38;
	v16 =	vor.u32 v44, v16;
	v28 =	vor.u32 v28, v42  }
0x37a: {  	v20 =	vsub.f32 v20, v58;
	v63 =	vld [tilespmem:s12+$0x0];
	s12 =	sadd.f32 $-5.000000000e-01, s20;
	v53 =	vor.u32 v56, v16;
	v16 =	vor.u32 v44, v35  }
0x37b: {  	vm0 =	vlt.u32 v15, $0xE0;
	s3 =	sadd.f32 $-5.000000000e-01, s3;
	v46 =	vadd.f32 v62, v57;
	v42 =	vor.u32 v56, v16  }
0x37c: {  	v57 =	vcvt.s32.f32 v26;
	v45 =	vadd.f32 s12, v45;
	v16 =	vmul.f32 v41, v40  }
0x37d: {  	v49 =	vadd.f32 s3, v27;
	v27 =	vtrunc.f32 v47;
	v56 =	vsub.f32 $1.000000000e+00, v20;
	v25 =	vld.idx.msk [tilespmem:v37+s26+$0x0], $0xffff  }
0x37e: {  	v20 =	vnsel vm1, $0x0, v20;
	vm1 =	vlt.u32 v31, $0xE0;
	v32 =	vtrunc.f32 v46;
	v59 =	vld.idx.msk [tilespmem:v28+s26+$0x0], $0xffff  }
0x37f: {  	v15 =	vcvt.f32.s32 v27;
	v58 =	vsub.f32 v17, v57;
	v17 =	vadd.f32 v19, v34;
	v24 =	vld.idx.msk [tilespmem:v53+s26+$0x0], $0xffff  }
0x380: {  	v22 =	vnsel vm0, $0x0, v56;
	vm0 =	vlt.u32 v26, $0xE0;
	v48 =	vadd.f32 v63, v43;
	v62 =	vld.idx.msk [tilespmem:v42+s26+$0x0], $0xffff  }
0x381: {  	v63 =	vtrunc.f32 v45;
	v26 =	vsub.f32 $1.000000000e+00, v58;
	v40 =	vnsel vm1, $0x0, v58  }
0x382: {  	vm1 =	vlt.f32 v46, v32;
	vm3 =	vlt.f32 v45, v63;
	v38 =	vtrunc.f32 v48  }
0x383: {  	v26 =	vnsel vm0, $0x0, v26;
	vm0 =	vlt.f32 v47, v27;
	v31 =	vcvt.f32.s32 v38  }
0x384: {  	vm2 =	vlt.f32 v48, v38;
	v25 =	vmul.f32 v22, v25;
	v43 =	vmul.f32 v20, v59  }
0x385: {  	s22 =	smul.u32 $0x700, s6;
	v35 =	vsel vm2, $0xFFFFFFFF, v36;
	v19 =	vmul.f32 v22, v24;
	v24 =	vmul.f32 v20, v62  }
0x386: {  	v27 =	vcvt.f32.s32 v32;
	v32 =	vcvt.f32.s32 v63;
	v55 =	vadd.s32 v31, v35  }
0x387: {  	s3 =	ssub.s32 $0x400, s22;
	v59 =	vtrunc.f32 v49;
	v25 =	vadd.f32 v25, v43;
	v19 =	vadd.f32 v19, v24  }
0x388: {  	s23 =	simm.s32 $0xC9;
	s3 =	sadd.s32 $0x180, s3;
	v57 =	vadd.s32 $0x1, v55;
	v62 =	vcvt.f32.s32 v59;
	v24 =	vtrunc.f32 v54  }
0x389: {  	s25 =	simm.s32 $0x64;
	s6 =	sand.u32 $0x800, s23;
	s3 =	sand.u32 $0xFFFFFC00, s3;
	vm12 =	vgt.s32 v57, $0x0;
	v25 =	vmul.f32 v25, v26;
	v19 =	vmul.f32 v19, v40  }
0x38a: {  	s30 =	simm.s32 $0xB0;
	s10 =	sand.u32 $0x380, s25;
	s3 =	sadd.s32 s3, s6;
	v63 =	vcvt.f32.s32 v24;
	vm11 =	vlt.f32 v54, v24;
	v24 =	vsel vm3, $0xFFFFFFFF, v36  }
0x38b: {  	s2 =	sand.u32 $0x70, s30;
	s3 =	sor.u32 s10, s3;
	v19 =	vadd.f32 v19, v25;
	v25 =	vsel vm0, $0xFFFFFFFF, v36;
	vm0 =	vlt.f32 v49, v59  }
0x38c: {  	s15 =	sor.u32 s2, s3;
	v56 =	vadd.s32 v15, v25;
	v15 =	vsel vm11, $0xFFFFFFFF, v36;
	v25 =	vsel vm0, $0xFFFFFFFF, v36  }
0x38d: {  	[tilespmem:s15+$0x1EC00] =	vst v19;
	v19 =	vsel vm1, $0xFFFFFFFF, v36;
	v31 =	vadd.s32 v62, v25;
	vm2 =	vgt.s32 v56, $0x0  }
0x38e: {  	v39 =	vadd.s32 $0x1, v56;
	v44 =	vld.idx.msk [tilespmem:v28+s21+$0x0], $0xffff;
	v51 =	vadd.s32 v27, v19;
	v28 =	vadd.s32 v32, v24  }
0x38f: {  	v37 =	vld.idx.msk [tilespmem:v37+s21+$0x0], $0xffff;
	v27 =	vadd.s32 v63, v15;
	vm1 =	vgt.s32 v31, $0x0;
	v9 =	vadd.s32 $0x1, v31  }
0x390: {  	v19 =	vld.idx.msk [tilespmem:v53+s21+$0x0], $0xffff;
	v62 =	vnsel vm2, $0x0, v56;
	v58 =	vadd.s32 $0x1, v51;
	vm0 =	vgt.s32 v28, $0x0  }
0x391: {  	v15 =	vld.idx.msk [tilespmem:v42+s21+$0x0], $0xffff;
	v53 =	vadd.s32 $0x1, v28;
	vm13 =	vgt.s32 v51, $0x0;
	vm3 =	vgt.s32 v58, $0x0  }
0x392: {  	v24 =	vnsel vm0, $0x0, v28;
	vm0 =	vgt.s32 v55, $0x0;
	vm14 =	vgt.s32 v53, $0x0  }
0x393: {  	v63 =	vnsel vm13, $0x0, v51;
	v24 =	vmin.u32 v24, $0xDF;
	v35 =	vnsel vm14, $0x0, v53  }
0x394: {  	v32 =	vmin.u32 v35, $0xDF;
	v50 =	vshll.u32 v24, $0x8;
	v25 =	vmul.f32 v22, v37  }
0x395: {  	v24 =	vshll.u32 v24, $0x7;
	v59 =	vmul.f32 v20, v44;
	v19 =	vmul.f32 v22, v19  }
0x396: {  	v15 =	vmul.f32 v20, v15;
	v20 =	vnsel vm1, $0x0, v31;
	vm1 =	vgt.s32 v9, $0x0  }
0x397: {  	v22 =	vnsel vm3, $0x0, v58;
	v34 =	vand.u32 $0xF800, v50;
	v20 =	vmin.u32 v20, $0xDF  }
0x398: {  	v44 =	vnsel vm1, $0x0, v9;
	v22 =	vmin.u32 v22, $0xDF;
	vm1 =	vgt.s32 v39, $0x0  }
0x399: {  	v25 =	vadd.f32 v25, v59;
	v15 =	vadd.f32 v19, v15;
	v19 =	vnsel vm12, $0x0, v57  }
0x39a: {  	v37 =	vmin.u32 v44, $0xDF;
	v42 =	vshll.u32 v22, $0x3;
	v22 =	vand.u32 $0x7F, v22  }
0x39b: {  	v19 =	vmin.u32 v19, $0xDF;
	v25 =	vmul.f32 v25, v26;
	v15 =	vmul.f32 v15, v40  }
0x39c: {  	v26 =	vnsel vm0, $0x0, v55;
	v40 =	vshll.u32 v20, $0x8;
	v20 =	vshll.u32 v20, $0x7  }
0x39d: {  	v52 =	vshll.u32 v19, $0x3;
	v19 =	vand.u32 $0x7F, v19;
	vm0 =	vgt.s32 v27, $0x0  }
0x39e: {  	v26 =	vmin.u32 v26, $0xDF;
	v40 =	vand.u32 $0xF800, v40;
	v21 =	vand.u32 $0x400, v52  }
0x39f: {  	v11 =	vadd.f32 v15, v25;
	v15 =	vmin.u32 v62, $0xDF;
	v25 =	vmin.u32 v63, $0xDF  }
0x3a0: {  	v38 =	vshll.u32 v26, $0x3;
	v62 =	vand.u32 $0x380, v24;
	v24 =	vshll.u32 v32, $0x8  }
0x3a1: {  	v63 =	vand.u32 $0x380, v20;
	v20 =	vshll.u32 v37, $0x8;
	v26 =	vand.u32 $0x7F, v26  }
0x3a2: {  	v41 =	vshll.u32 v15, $0x3;
	v36 =	vshll.u32 v25, $0x3;
	v15 =	vand.u32 $0x7F, v15  }
0x3a3: {  	v52 =	vand.u32 $0x400, v38;
	v25 =	vand.u32 $0x7F, v25;
	v59 =	vor.u32 v34, v62  }
0x3a4: {  	s10 =	smul.u32 $0x700, s8;
	v24 =	vand.u32 $0xF800, v24;
	v33 =	vor.u32 v40, v63;
	v20 =	vand.u32 $0xF800, v20  }
0x3a5: {  	v41 =	vand.u32 $0x400, v41;
	v50 =	vand.u32 $0x400, v36;
	v26 =	vor.u32 v26, v52  }
0x3a6: {  	s13 =	simm.s32 $0x36;
	s3 =	ssub.s32 $0x200, s10;
	v35 =	vor.u32 v15, v41;
	v41 =	vand.u32 $0x400, v42;
	v25 =	vor.u32 v25, v50  }
0x3a7: {  	s14 =	simm.s32 $0x60;
	s12 =	simm.s32 $0x6D;
	s3 =	sadd.s32 $0x100, s3;
	v42 =	vor.u32 v22, v59;
	v50 =	vor.u32 v19, v33;
	v19 =	vor.u32 v19, v21  }
0x3a8: {  	s16 =	smul.u32 $0xFFFFF900, s7;
	s8 =	sand.u32 $0x800, s12;
	s3 =	sand.u32 $0xFFFFFC00, s3;
	v44 =	vor.u32 v40, v26;
	v59 =	vadd.s32 $0x1, v27;
	v22 =	vor.u32 v22, v41  }
0x3a9: {  	s17 =	sand.u32 $0x60, s14;
	s10 =	sand.u32 $0x380, s13;
	s3 =	sadd.s32 s3, s8;
	v38 =	vor.u32 v34, v25;
	v34 =	vor.u32 v20, v26;
	vm2 =	vgt.s32 v59, $0x0  }
0x3aa: {  	s18 =	simm.s32 $0x49;
	s19 =	sadd.s32 $0x200, s16;
	s3 =	sor.u32 s10, s3;
	v22 =	vor.u32 v24, v22;
	v24 =	vor.u32 v24, v25;
	v25 =	vor.u32 v20, v19  }
0x3ab: {  	s7 =	smul.u32 $0xFFFFFF20, s7;
	s23 =	sand.u32 $0xFFFFFC00, s19;
	s3 =	sor.u32 s17, s3;
	v19 =	vnsel vm0, $0x0, v27;
	v20 =	vnsel vm1, $0x0, v39;
	v26 =	vnsel vm2, $0x0, v59  }
0x3ac: {  	s20 =	sand.u32 $0x800, s18;
	s22 =	simm.s32 $0x24;
	[dreg:$0xa] =	wrdreg s3;
	v19 =	vmin.u32 v19, $0xDF;
	v20 =	vmin.u32 v20, $0xDF;
	v26 =	vmin.u32 v26, $0xDF  }
0x3ad: {  	s7 =	sadd.s32 $0x40, s7;
	s8 =	sand.u32 $0x380, s22;
	[tilespmem:s3+$0x1EC00] =	vst v18;
	s3 =	sadd.s32 s23, s20;
	v36 =	vshll.u32 v19, $0x8;
	v19 =	vshll.u32 v19, $0x7;
	v52 =	vshll.u32 v20, $0x3  }
0x3ae: {  	s7 =	sand.u32 $0x60, s7;
	s3 =	sor.u32 s8, s3;
	v40 =	vand.u32 $0xF800, v36;
	v33 =	vand.u32 $0x380, v19;
	v19 =	vshll.u32 v26, $0x8  }
0x3af: {  	s13 =	sor.u32 s7, s3;
	v20 =	vand.u32 $0x7F, v20;
	v36 =	vand.u32 $0xF800, v19;
	v19 =	vor.u32 v40, v33  }
0x3b0: {  	v18 =	vld.idx.msk [tilespmem:v30+s21+$0x0], $0xffff;
	[tilespmem:s13+$0x1EC00] =	vst v23;
	v0 =	vand.u32 $0x400, v52;
	v30 =	vor.u32 v20, v19  }
0x3b1: {  	v20 =	vor.u32 v20, v0;
	v30 =	vor.u32 v0, v30;
	v0 =	vld [tilespmem:$0x1FE70]  }
0x3b2: {  	v5 =	vld [tilespmem:$0x1FE80];
	_ =	sdelay $0x1  }
0x3b3: {  	v32 =	vshll.u32 v32, $0x7  }
0x3b4: {  	v32 =	vand.u32 $0x380, v32  }
0x3b5: {  	v43 =	vor.u32 v41, v42;
	v42 =	vor.u32 v32, v24;
	v24 =	vshll.u32 v37, $0x7  }
0x3b6: {  	v23 =	vld.idx.msk [tilespmem:v29+s21+$0x0], $0xffff;
	v24 =	vand.u32 $0x380, v24  }
0x3b7: {  	v37 =	vor.u32 v24, v34;
	v52 =	vor.u32 v40, v35;
	v19 =	vld.idx.msk [tilespmem:v1+s21+$0x0], $0xffff  }
0x3b8: {  	v1 =	vor.u32 v36, v35;
	v35 =	vor.u32 v21, v50;
	v21 =	vld.idx.msk [tilespmem:v0+s21+$0x0], $0xffff;
	v0 =	vshll.u32 v26, $0x7  }
0x3b9: {  	v34 =	vor.u32 v24, v25;
	v24 =	vld.idx.msk [tilespmem:v5+s21+$0x0], $0xffff;
	v15 =	vor.u32 v36, v20;
	v0 =	vand.u32 $0x380, v0  }
0x3ba: {  	v40 =	vor.u32 v32, v22;
	v32 =	vor.u32 v0, v1;
	v29 =	vor.u32 v0, v15;
	v0 =	vld [tilespmem:$0x1FE90]  }
0x3bb: {  	v5 =	vld [tilespmem:$0x1FEA0];
	_ =	sdelay $0x1  }
0x3bc: {  	s9 =	smul.u32 $0x700, s9;
	_ =	sdelay $0x1  }
0x3bd: {  	s9 =	ssub.s32 $0x400, s9;
	s1 =	smul.u32 $0x700, s1  }
0x3be: {  	s9 =	sadd.s32 $0x100, s9;
	v22 =	vld.idx.msk [tilespmem:v61+s21+$0x0], $0xffff  }
0x3bf: {  	s9 =	sand.u32 $0xFFFFFC00, s9;
	s1 =	ssub.s32 $0x400, s1;
	s10 =	simm.s32 $0x8;
	v20 =	vld.idx.msk [tilespmem:v60+s21+$0x0], $0xffff  }
0x3c0: {  	s30 =	smul.u32 $0xFFFFFF20, s11;
	s1 =	sadd.s32 $0x80, s1;
	vm15 =	vlt.u32 v51, $0xE0;
	v25 =	vld.idx.msk [tilespmem:v0+s21+$0x0], $0xffff;
	[dreg:$0x10] =	wrdreg s10  }
0x3c1: {  	s1 =	sand.u32 $0xFFFFFC00, s1;
	s14 =	simm.s32 $0x49;
	s25 =	smul.u32 $0xFFFFF900, s11;
	v41 =	vor.u32 v63, v44;
	vm1 =	vlt.u32 v39, $0xE0;
	v61 =	vcvt.s32.f32 v56;
	v26 =	vld.idx.msk [tilespmem:v5+s21+$0x0], $0xffff  }
0x3c2: {  	s11 =	simm.s32 $0xA4;
	s16 =	simm.s32 $0x52;
	s19 =	simm.s32 $0xA0;
	vm2 =	vlt.u32 v56, $0xE0;
	vm0 =	vlt.u32 v57, $0xE0;
	v56 =	vcvt.s32.f32 v31;
	v63 =	vld.idx.msk [tilespmem:v43+s26+$0x0], $0xffff  }
0x3c3: {  	s18 =	simm.s32 $0x90;
	s6 =	simm.s32 $0x24928;
	s12 =	simm.s32 $0xB6;
	v50 =	vor.u32 v62, v38;
	v36 =	vcvt.s32.f32 v28;
	v15 =	vsub.f32 v47, v61;
	v60 =	vld.idx.msk [tilespmem:v42+s26+$0x0], $0xffff  }
0x3c4: {  	s2 =	simm.s32 $0x92;
	s22 =	simm.s32 $0x1FCB0;
	s17 =	simm.s32 $0x5B;
	v56 =	vsub.f32 v49, v56;
	v1 =	vcvt.s32.f32 v55;
	v0 =	vcvt.s32.f32 v51;
	v5 =	vld [tilespmem:$0x1FEB0]  }
0x3c5: {  	s23 =	simm.s32 $0x32497;
	s20 =	sand.u32 $0x70, s18;
	s8 =	sand.u32 $0x800, s2;
	v38 =	vor.u32 v33, v52;
	v57 =	vsub.f32 v45, v36;
	v52 =	vsub.f32 $1.000000000e+00, v15;
	v62 =	vld.idx.msk [tilespmem:v40+s26+$0x0], $0xffff  }
0x3c6: {  	s3 =	sadd.s32 $0x400, s25;
	s7 =	sadd.s32 $0x80, s30;
	s25 =	sand.u32 $0x60, s19;
	v1 =	vsub.f32 v48, v1;
	v47 =	vnsel vm1, $0x0, v15;
	v44 =	vld.idx.msk [tilespmem:v35+s26+$0x0], $0xffff;
	v0 =	vsub.f32 v46, v0  }
0x3c7: {  	s30 =	simm.s32 $0x1FC80;
	s3 =	sand.u32 $0xFFFFFC00, s3;
	s7 =	sand.u32 $0x60, s7;
	vm1 =	vlt.u32 v53, $0xE0;
	v53 =	vsub.f32 $1.000000000e+00, v56;
	v51 =	vnsel vm2, $0x0, v52;
	v52 =	vld.idx.msk [tilespmem:v37+s26+$0x0], $0xffff  }
0x3c8: {  	s3 =	sadd.s32 s3, s8;
	s8 =	sand.u32 $0x800, s12;
	vm3 =	vlt.u32 v58, $0xE0;
	v48 =	vsub.f32 $1.000000000e+00, v1;
	s10 =	sand.u32 $0x800, s11;
	v13 =	vld.idx.msk [tilespmem:v34+s26+$0x0], $0xffff;
	[tilespmem:s24+$0x1F400] =	vst v6;
	v39 =	vsub.f32 $1.000000000e+00, v0  }
0x3c9: {  	s8 =	sadd.s32 s9, s8;
	s9 =	sand.u32 $0x380, s16;
	v15 =	vnsel vm0, $0x0, v1;
	vm2 =	vlt.u32 v55, $0xE0;
	s1 =	sadd.s32 s1, s10;
	v61 =	vld.idx.msk [tilespmem:v30+s26+$0x0], $0xffff;
	v46 =	vcvt.s32.f32 v27;
	[tilespmem:s0+$0x1F400] =	vst v5  }
0x3ca: {  	vm0 =	vlt.u32 v59, $0xE0;
	s10 =	sand.u32 $0x380, s14;
	v48 =	vnsel vm2, $0x0, v48;
	v58 =	vld.idx.msk [tilespmem:v32+s26+$0x0], $0xffff;
	s24 =	simm.s32 $0x1FCA0;
	v33 =	vnsel vm15, $0x0, v39;
	[dreg:$0x13] =	wrdreg s30  }
0x3cb: {  	s14 =	simm.s32 $0x40006;
	s3 =	sor.u32 s10, s3;
	s1 =	sor.u32 s9, s1;
	v55 =	vnsel vm3, $0x0, v0;
	v45 =	vsub.f32 v54, v46;
	v0 =	vmul.f32 v33, v60;
	v60 =	vld.idx.msk [tilespmem:v29+s26+$0x0], $0xffff  }
0x3cc: {  	vm2 =	vlt.u32 v9, $0xE0;
	s10 =	sand.u32 $0x380, s17;
	s9 =	simm.s32 $0x400;
	s17 =	simm.s32 $0x3B6E1;
	v54 =	vmul.f32 v55, v62;
	v36 =	vmul.f32 v55, v63;
	[tilespmem:s4+$0x1F400] =	vst v7;
	v63 =	vld.idx.msk [tilespmem:v50+s26+$0x0], $0xffff  }
0x3cd: {  	s8 =	sor.u32 s10, s8;
	s2 =	sor.u32 s7, s3;
	s31 =	sor.u32 s20, s1;
	v62 =	vsub.f32 $1.000000000e+00, v57;
	v44 =	vmul.f32 v15, v44;
	v46 =	vmul.f32 v15, v13;
	[tilespmem:s5+$0x1F400] =	vst v8;
	v59 =	vld.idx.msk [tilespmem:v41+s26+$0x0], $0xffff  }
0x3ce: {  	s20 =	simm.s32 $0x6;
	s29 =	sor.u32 s25, s8;
	v39 =	vsub.f32 $1.000000000e+00, v45;
	s4 =	simm.s32 $0x1FC90;
	[tilespmem:s15+$0x1F400] =	vst v11;
	v49 =	vadd.f32 v0, v54;
	v54 =	vmul.f32 v48, v52;
	v52 =	vld.idx.msk [tilespmem:v38+s26+$0x0], $0xffff  }
.LBB2_12:
0x3cf: {  	[dreg:$0x17] =	wrdreg s13  }
0x3d0: {  	s15 =	sshrl.u32 s14, $0x12;
	p0 =	por !p0, !p0;
	s16 =	rddreg [dreg:$0xe];
	v19 =	vmul.f32 v10, v19  }
0x3d1: {  	s6 =	sadd.s32 $0x12494, s6;
	s18 =	sshrl.u32 s17, $0x12;
	s25 =	rddreg [dreg:$0x6];
	v20 =	vmul.f32 v12, v20;
	v10 =	vmul.f32 v10, v22  }
0x3d2: {  	v12 =	vmul.f32 v12, v21;
	v21 =	vmul.f32 v4, v24;
	[dreg:$0xc] =	wrdreg s6;
	s19 =	sshrl.u32 s6, $0x12;
	s0 =	sshll.u32 s15, $0x5  }
0x3d3: {  	v22 =	vmul.f32 v2, v25;
	v4 =	vmul.f32 v4, v26;
	s11 =	smul.u32 $0xFFFFFC80, s18;
	s12 =	sshll.u32 s18, $0x5;
	[dreg:$0x1d] =	wrdreg s0  }
0x3d4: {  	vm3 =	vlt.u32 v28, $0xE0;
	vm4 =	vlt.u32 v31, $0xE0;
	s1 =	simm.s32 $0x1;
	vm5 =	vlt.u32 v27, $0xE0;
	s10 =	smul.u32 $0xFFFFFF20, s19;
	[smem:$0x7EE] =	sst s12  }
0x3d5: {  	s23 =	sadd.s32 $0x12494, s23;
	v18 =	vmul.f32 v3, v18;
	s13 =	smul.u32 $0xFFFFFC80, s19;
	v22 =	vadd.f32 v22, v4;
	v4 =	vld [tilespmem:$0x1FDD0];
	[dreg:$0x19] =	wrdreg s11;
	v0 =	vmul.f32 v47, v61  }
0x3d6: {  	s22 =	sadd.s32 $0x40, s22;
	v3 =	vld [tilespmem:$0x1FE60];
	v31 =	vnsel vm3, $0x0, v62;
	s0 =	sadd.s32 $0x40, s16;
	v1 =	vmul.f32 v51, v58;
	[smem:$0x7ED] =	sst s10;
	v62 =	vmul.f32 v33, v63  }
0x3d7: {  	v45 =	vnsel vm0, $0x0, v45;
	s11 =	sadd.s32 $0x4, s28;
	s30 =	sadd.s32 $0x30, s0;
	v28 =	vmul.f32 v47, v60;
	[dreg:$0x1b] =	wrdreg s13;
	v52 =	vmul.f32 v51, v52  }
0x3d8: {  	v18 =	vadd.f32 v16, v18;
	v61 =	vnsel vm1, $0x0, v57;
	s13 =	sadd.s32 $0x80, s25;
	s25 =	sshrl.u32 s23, $0x12;
	s10 =	sand.u32 $0x7, s11;
	v36 =	vadd.f32 v62, v36  }
0x3d9: {  	[dreg:$0x15] =	wrdreg s30;
	s26 =	sand.u32 $0xF00, s13;
	v49 =	vmul.f32 v49, v61;
	s8 =	smul.u32 $0xFFFFFC80, s25;
	v1 =	vadd.f32 v1, v28;
	v0 =	vadd.f32 v52, v0  }
0x3da: {  	v5 =	vld [tilespmem:$0x1FE10];
	v39 =	vnsel vm5, $0x0, v39;
	s6 =	sand.u32 $0x70, s30;
	s12 =	sshll.u32 s10, $0x4;
	s10 =	sadd.s32 $0x1CE00, s26;
	v18 =	vmul.f32 v18, v4;
	v4 =	vmovc v61;
	v36 =	vmul.f32 v36, v31  }
0x3db: {  	v13 =	vadd.f32 v14, v3;
	s12 =	sadd.s32 s13, s12;
	s8 =	sshra.s32 s8, $0x2;
	s16 =	sor.u32 s6, s10;
	v1 =	vmul.f32 v1, v45;
	v0 =	vmul.f32 v0, v39;
	[tilespmem:$0x1FDD0] =	vst v4;
	v4 =	vld [tilespmem:$0x1FE30]  }
0x3dc: {  	s7 =	sadd.s32 $0x30, s12;
	s30 =	sadd.s32 s8, s22;
	v57 =	vld [tilespmem:s16+$0x0];
	s8 =	rddreg [dreg:$0x12];
	v14 =	vadd.f32 v49, v36  }
0x3dd: {  	s5 =	sand.u32 $0x3, s20;
	s1 =	simm.s32 @!p0 $0x0;
	s16 =	sor.u32 $0x80, s7;
	[tilespmem:s8+$0x1F400] =	vst v13;
	v13 =	vld [tilespmem:s30+$0x0];
	v0 =	vadd.f32 v1, v0;
	v1 =	vmul.f32 v2, v23  }
0x3de: {  	s5 =	sshll.u32 s5, $0x5;
	s3 =	sshll.u32 s1, $0x6;
	v19 =	vadd.f32 v19, v20;
	v63 =	vmul.f32 v48, v59;
	[tilespmem:s31+$0x1EC00] =	vst v14;
	v14 =	vld [tilespmem:s16+$0x1CE00]  }
0x3df: {  	v27 =	vadd.f32 v54, v46;
	s1 =	sadd.s32 $0x10, s0;
	s5 =	sadd.s32 s13, s5;
	[dreg:$0x6] =	wrdreg s13;
	v28 =	vnsel vm2, $0x0, v56;
	[tilespmem:s2+$0x1EC00] =	vst v0;
	v0 =	vld.idx.msk [tilespmem:v50+s21+$0x0], $0xffff  }
0x3e0: {  	s3 =	sadd.s32 s3, s13;
	v20 =	vmul.f32 v17, v5;
	v44 =	vadd.f32 v63, v44;
	s26 =	sand.u32 $0x40, s0;
	s6 =	rddreg [dreg:$0x4];
	v5 =	vmovc v28;
	v19 =	vmul.f32 v19, v4;
	v4 =	vld [tilespmem:$0x1FDE0]  }
0x3e1: {  	v60 =	vnsel vm4, $0x0, v53;
	s13 =	simm.s32 $0xE000;
	s3 =	sor.u32 $0x80, s3;
	s28 =	sadd.s32 s6, s25;
	v8 =	vadd.f32 v1, v21;
	[tilespmem:$0x1FDE0] =	vst v5;
	v5 =	vld [tilespmem:$0x1FE50];
	v1 =	vmov v39  }
0x3e2: {  	v27 =	vmul.f32 v27, v28;
	s12 =	sadd.s32 $0x10, s12;
	v44 =	vmul.f32 v44, v60;
	s7 =	smov.u32 s31;
	s28 =	scvt.s32.f32 s28;
	[tilespmem:$0x1FE50] =	vst v1;
	v1 =	vld [tilespmem:$0x1FE00]  }
0x3e3: {  	s30 =	sand.u32 $0x50, s1;
	s16 =	sor.u32 s26, s10;
	s26 =	rddreg [dreg:$0x10];
	v16 =	vld.idx.msk [tilespmem:v43+s13+$0x0], $0xffff  }
0x3e4: {  	v9 =	vadd.f32 v10, v12;
	v6 =	vmov v60;
	v27 =	vadd.f32 v27, v44;
	s30 =	sor.u32 s30, s10;
	s28 =	smul.f32 $1.004484300e+00, s28;
	v21 =	vld [tilespmem:s16+$0x0];
	s26 =	sadd.s32 $0x4, s26  }
0x3e5: {  	[tilespmem:$0x1FE30] =	vst v6;
	s12 =	sor.u32 $0x80, s12;
	s21 =	sadd.s32 $0x20, s5;
	v12 =	vmul.f32 $1.004484300e+00, v57;
	v23 =	vld [tilespmem:s30+$0x0];
	[dreg:$0x10] =	wrdreg s26  }
0x3e6: {  	v7 =	vmov v31;
	[tilespmem:s29+$0x1EC00] =	vst v27;
	s5 =	sadd.s32 $0xFFFF2491, s23;
	v17 =	vld.idx.msk [tilespmem:v42+s13+$0x0], $0xffff;
	p1 =	slt.u32 s26, $0x6C;
	s26 =	sadd.f32 $-5.000000000e-01, s28;
	v6 =	vmul.f32 $1.004484300e+00, v14;
	v24 =	vmul.f32 v9, v4  }
0x3e7: {  	s8 =	sadd.s32 $0x20, s0;
	v36 =	vld [tilespmem:s12+$0x1CE00];
	s21 =	sor.u32 $0x80, s21;
	s28 =	sshrl.u32 s5, $0x12;
	v31 =	vmul.f32 v33, v0;
	v0 =	vmovc v45;
	v14 =	vmul.f32 v22, v1;
	v1 =	vadd.f32 v18, v20  }
0x3e8: {  	s31 =	sand.u32 $0x60, s8;
	v27 =	vadd.f32 s26, v6;
	[tilespmem:$0x1FE00] =	vst v0;
	s26 =	sadd.s32 s6, s28;
	v0 =	vld [tilespmem:s21+$0x1CE00];
	s21 =	rddreg [dreg:$0x8]  }
0x3e9: {  	s10 =	sor.u32 s31, s10;
	s16 =	sadd.s32 $0xFFFF6DB6, s23;
	v18 =	vadd.f32 v24, v19;
	[tilespmem:s21+$0x1F400] =	vst v1;
	v1 =	vld [tilespmem:s3+$0x1CE00];
	s3 =	scvt.s32.f32 s26  }
0x3ea: {  	v25 =	vld [tilespmem:s10+$0x0];
	s31 =	sshrl.u32 s16, $0x12;
	v28 =	vadd.f32 v13, v12;
	v5 =	vmul.f32 v8, v5;
	s26 =	rddreg [dreg:$0xa]  }
0x3eb: {  	s10 =	sshrl.u32 s5, $0xA;
	v12 =	vmov v15;
	v15 =	vmul.f32 $1.004484300e+00, v21;
	v39 =	vmul.f32 $1.004484300e+00, v23;
	s28 =	sadd.s32 s6, s31;
	[tilespmem:s26+$0x1F400] =	vst v18;
	s26 =	smul.f32 $1.004484300e+00, s3  }
0x3ec: {  	v36 =	vmul.f32 $1.004484300e+00, v36;
	[tilespmem:$0x1FE60] =	vst v5;
	v19 =	vtrunc.f32 v28;
	v5 =	vimm.s32 $0x0;
	s21 =	scvt.s32.f32 s28;
	s28 =	sshrl.u32 s16, $0xA;
	s3 =	sand.u32 $0x800, s10  }
0x3ed: {  	v20 =	vcvt.f32.s32 v19;
	vm0 =	vlt.f32 v28, v19;
	v21 =	vtrunc.f32 v27;
	s10 =	sand.u32 $0x800, s28;
	s28 =	sshrl.u32 s5, $0xB;
	s5 =	sadd.f32 $-5.000000000e-01, s26  }
0x3ee: {  	s30 =	sadd.s32 $0xFFFFB6DB, s23;
	v19 =	vsel vm0, $0xFFFFFFFF, v5;
	v22 =	vcvt.f32.s32 v21;
	vm0 =	vlt.f32 v27, v21;
	s26 =	sshrl.u32 s16, $0xB;
	s16 =	sld [smem:$0x7ED]  }
0x3ef: {  	[dreg:$0xe] =	wrdreg s0;
	s12 =	sshrl.u32 s30, $0x12;
	v43 =	vmul.f32 $1.004484300e+00, v25;
	v42 =	vadd.s32 v20, v19;
	v18 =	vld.idx.msk [tilespmem:v40+s13+$0x0], $0xffff;
	v21 =	vsel vm0, $0xFFFFFFFF, v5;
	s21 =	smul.f32 $1.004484300e+00, s21  }
0x3f0: {  	s24 =	sadd.s32 $0x40, s24;
	s12 =	sadd.s32 s6, s12;
	vm1 =	vgt.s32 v42, $0x0;
	v40 =	vadd.s32 $0x1, v42;
	v20 =	vld.idx.msk [tilespmem:v35+s13+$0x0], $0xffff;
	v35 =	vadd.s32 v22, v21;
	[dreg:$0x1f] =	wrdreg s10  }
0x3f1: {  	s31 =	scvt.s32.f32 s12;
	v0 =	vmul.f32 $1.004484300e+00, v0;
	vm2 =	vlt.u32 v42, $0xE0;
	v23 =	vnsel vm1, $0x0, v42;
	s6 =	sadd.s32 s16, s0;
	s16 =	sadd.f32 $-5.000000000e-01, s21  }
0x3f2: {  	s12 =	sshrl.u32 s30, $0xA;
	v22 =	vld.idx.msk [tilespmem:v37+s13+$0x0], $0xffff;
	vm0 =	vgt.s32 v40, $0x0;
	v37 =	vadd.s32 $0x1, v35;
	vm3 =	vlt.u32 v40, $0xE0;
	s21 =	sshrl.u32 s30, $0xB;
	s30 =	sld [smem:$0x7EE]  }
0x3f3: {  	s31 =	smul.f32 $1.004484300e+00, s31;
	v23 =	vmin.u32 v23, $0xDF;
	v24 =	vnsel vm0, $0x0, v40;
	vm0 =	vgt.s32 v35, $0x0;
	s0 =	sand.u32 $0x380, s26;
	s26 =	rddreg [dreg:$0x1d]  }
0x3f4: {  	v19 =	vld.idx.msk [tilespmem:v41+s13+$0x0], $0xffff;
	s10 =	sand.u32 $0x800, s12;
	s12 =	sand.u32 $0x380, s28;
	v26 =	vand.u32 $0x7F, v23;
	v25 =	vmin.u32 v24, $0xDF;
	v24 =	vshll.u32 v23, $0x3;
	s26 =	sadd.s32 s26, s8  }
0x3f5: {  	v21 =	vld.idx.msk [tilespmem:v34+s13+$0x0], $0xffff;
	v58 =	vnsel vm0, $0x0, v35;
	vm0 =	vgt.s32 v37, $0x0;
	v59 =	vand.u32 $0x400, v24;
	s8 =	sand.u32 $0x380, s21;
	s28 =	sadd.s32 s30, s1;
	s30 =	sadd.f32 $-5.000000000e-01, s31  }
0x3f6: {  	v60 =	vand.u32 $0x7F, v25;
	v24 =	vld.idx.msk [tilespmem:v30+s13+$0x0], $0xffff;
	v30 =	vmin.u32 v58, $0xDF;
	v61 =	vnsel vm0, $0x0, v37;
	s1 =	sand.u32 $0x60, s6;
	s6 =	smul.u32 $0xFFFFFC80, s15;
	s31 =	sand.u32 $0x70, s28  }
0x3f7: {  	v23 =	vld.idx.msk [tilespmem:v38+s13+$0x0], $0xffff;
	v62 =	vshll.u32 v25, $0x3;
	v63 =	vmin.u32 v61, $0xDF;
	v38 =	vor.u32 v26, v59;
	s28 =	smov.u32 s11;
	s11 =	sand.u32 $0x60, s26;
	s26 =	rddreg [dreg:$0x1b]  }
0x3f8: {  	v44 =	vand.u32 $0x400, v62;
	v26 =	vld.idx.msk [tilespmem:v29+s13+$0x0], $0xffff;
	v29 =	vshll.u32 v30, $0x8;
	v30 =	vshll.u32 v30, $0x7;
	s21 =	sshra.s32 s26, $0x2;
	s26 =	rddreg [dreg:$0x13];
	s6 =	sshra.s32 s6, $0x2  }
0x3f9: {  	v25 =	vld.idx.msk [tilespmem:v32+s13+$0x0], $0xffff;
	v52 =	vshll.u32 v63, $0x7;
	v29 =	vand.u32 $0xF800, v29;
	v30 =	vand.u32 $0x380, v30;
	s13 =	sadd.s32 $0x40, s26;
	s26 =	rddreg [dreg:$0x19];
	s6 =	sadd.s32 s6, s24  }
0x3fa: {  	s4 =	sadd.s32 $0x40, s4;
	v32 =	vshll.u32 v63, $0x8;
	v56 =	vor.u32 v29, v38;
	v29 =	vor.u32 v29, v30;
	s26 =	sshra.s32 s26, $0x2;
	s21 =	sadd.s32 s21, s13;
	v57 =	vld [tilespmem:s6+$0x0]  }
0x3fb: {  	v34 =	vor.u32 v30, v56;
	v29 =	vor.u32 v60, v29;
	v30 =	vand.u32 $0xF800, v32;
	s26 =	sadd.s32 s26, s4;
	v53 =	vld [tilespmem:s21+$0x0]  }
0x3fc: {  	v3 =	vmovc v55;
	v58 =	vand.u32 $0x380, v52;
	v32 =	vor.u32 v44, v29;
	v29 =	vor.u32 v30, v38;
	v55 =	vld [tilespmem:s26+$0x0]  }
0x3fd: {  	vm11 =	vlt.u32 v37, $0xE0;
	v59 =	vmul.f32 v3, v16;
	v29 =	vor.u32 v58, v29  }
0x3fe: {  	v1 =	vmul.f32 $1.004484300e+00, v1;
	v16 =	vmul.f32 v33, v17;
	v54 =	vor.u32 v60, v44  }
0x3ff: {  	v17 =	vadd.f32 v31, v59;
	v30 =	vor.u32 v30, v54;
	v45 =	vadd.f32 v57, v43  }
0x400: {  	v30 =	vor.u32 v58, v30;
	v38 =	vadd.f32 v53, v15;
	v15 =	vadd.f32 s16, v36  }
0x401: {  	v59 =	vcvt.s32.f32 v35;
	s26 =	simm.s32 $0x0;
	v36 =	vadd.f32 s5, v1;
	v44 =	vadd.f32 v55, v39  }
0x402: {  	v62 =	vld.idx.msk [tilespmem:v29+s26+$0x0], $0xffff;
	v39 =	vadd.f32 s30, v0;
	v0 =	vcvt.s32.f32 v42;
	v63 =	vtrunc.f32 v45  }
0x403: {  	v27 =	vsub.f32 v27, v59;
	v43 =	vld.idx.msk [tilespmem:v34+s26+$0x0], $0xffff;
	v60 =	vtrunc.f32 v38;
	v31 =	vtrunc.f32 v15  }
0x404: {  	v1 =	vld.idx.msk [tilespmem:v32+s26+$0x0], $0xffff;
	v57 =	vtrunc.f32 v36;
	v41 =	vcvt.f32.s32 v63;
	v0 =	vsub.f32 v28, v0  }
0x405: {  	v10 =	vmovc v48;
	v42 =	vnsel vm11, $0x0, v27;
	v61 =	vtrunc.f32 v44;
	v28 =	vld.idx.msk [tilespmem:v30+s26+$0x0], $0xffff;
	v48 =	vcvt.f32.s32 v60  }
0x406: {  	vm1 =	vlt.f32 v38, v60;
	v56 =	vtrunc.f32 v39;
	v58 =	vsub.f32 $1.000000000e+00, v0  }
0x407: {  	vm12 =	vlt.f32 v36, v57;
	v50 =	vcvt.f32.s32 v61;
	vm0 =	vlt.f32 v44, v61  }
0x408: {  	v59 =	vsel vm12, $0xFFFFFFFF, v5;
	v0 =	vnsel vm3, $0x0, v0;
	v40 =	vnsel vm2, $0x0, v58  }
0x409: {  	vm3 =	vlt.u32 v35, $0xE0;
	v1 =	vmul.f32 v0, v1;
	v60 =	vmul.f32 v40, v43  }
0x40a: {  	v61 =	vmul.f32 v40, v62;
	v28 =	vmul.f32 v0, v28;
	v62 =	vsub.f32 $1.000000000e+00, v27  }
0x40b: {  	vm2 =	vlt.f32 v45, v63;
	v63 =	vcvt.f32.s32 v31;
	v1 =	vadd.f32 v60, v1  }
0x40c: {  	v58 =	vsel vm2, $0xFFFFFFFF, v5;
	v28 =	vadd.f32 v61, v28;
	v35 =	vnsel vm3, $0x0, v62  }
0x40d: {  	vm3 =	vlt.f32 v15, v31;
	v31 =	vcvt.f32.s32 v56;
	v1 =	vmul.f32 v1, v35  }
0x40e: {  	v27 =	vmul.f32 v28, v42;
	v28 =	vsel vm1, $0xFFFFFFFF, v5;
	vm1 =	vlt.f32 v39, v56  }
0x40f: {  	s9 =	sadd.s32 $0x200, s9;
	s15 =	smul.u32 $0x700, s15;
	s21 =	rddreg [dreg:$0x17];
	v56 =	vcvt.f32.s32 v57;
	v57 =	vsel vm3, $0xFFFFFFFF, v5;
	v33 =	vadd.s32 v48, v28  }
0x410: {  	[dreg:$0x13] =	wrdreg s13;
	s13 =	smov.u32 s21;
	s21 =	smul.u32 $0x700, s18;
	v60 =	vsel vm1, $0xFFFFFFFF, v5;
	v28 =	vadd.s32 v63, v57;
	v48 =	vadd.s32 v41, v58  }
0x411: {  	v2 =	vmovc v51;
	[dreg:$0x12] =	wrdreg s13;
	s13 =	smov.u32 s2;
	s2 =	smov.u32 s7;
	v1 =	vadd.f32 v27, v1;
	v27 =	vsel vm0, $0xFFFFFFFF, v5;
	v51 =	vadd.s32 $0x1, v33  }
0x412: {  	s7 =	smov.u32 s29;
	[dreg:$0x8] =	wrdreg s2;
	s30 =	smul.u32 $0x700, s25;
	v31 =	vadd.s32 v31, v60;
	vm0 =	vgt.s32 v28, $0x0;
	v54 =	vadd.s32 $0x1, v48  }
0x413: {  	[dreg:$0xa] =	wrdreg s7;
	s6 =	ssub.s32 s9, s21;
	s2 =	sshrl.u32 s23, $0xA;
	v49 =	vadd.s32 $0x1, v28;
	vm13 =	vgt.s32 v33, $0x0;
	vm15 =	vlt.u32 v48, $0xE0  }
0x414: {  	v4 =	vmovc v47;
	s7 =	sshrl.u32 s23, $0xB;
	s5 =	ssub.s32 s9, s15;
	s15 =	ssub.s32 s9, s30;
	v47 =	vadd.s32 v50, v27;
	v27 =	vadd.s32 v56, v59;
	vm1 =	vgt.s32 v31, $0x0  }
0x415: {  	s18 =	sand.u32 $0x800, s2;
	s16 =	smul.u32 $0xFFFFF900, s19;
	s15 =	sadd.s32 $0x180, s15;
	v46 =	vadd.s32 $0x1, v31;
	vm2 =	vgt.s32 v51, $0x0;
	vm6 =	vgt.s32 v54, $0x0  }
0x416: {  	s25 =	sshll.u32 s25, $0x5;
	s30 =	rddreg [dreg:$0x15];
	s15 =	sand.u32 $0xFFFFFC00, s15;
	v61 =	vnsel vm0, $0x0, v28;
	vm0 =	vgt.s32 v48, $0x0;
	vm8 =	vgt.s32 v49, $0x0  }
0x417: {  	s19 =	sand.u32 $0x380, s7;
	s21 =	sadd.s32 s25, s30;
	s15 =	sadd.s32 s15, s18;
	v57 =	vnsel vm13, $0x0, v33;
	v53 =	vadd.s32 $0x1, v47;
	vm3 =	vgt.s32 v27, $0x0  }
0x418: {  	s2 =	sand.u32 $0x70, s21;
	s15 =	sor.u32 s19, s15;
	v52 =	vadd.s32 $0x1, v27;
	vm7 =	vgt.s32 v47, $0x0;
	v62 =	vnsel vm1, $0x0, v31  }
0x419: {  	s7 =	sadd.s32 $0x100, s5;
	s5 =	sor.u32 s2, s15;
	vm1 =	vgt.s32 v46, $0x0;
	v63 =	vnsel vm2, $0x0, v51;
	v58 =	vmin.u32 v61, $0xDF  }
0x41a: {  	s21 =	simm.s32 $0xE000;
	[tilespmem:s5+$0x1EC00] =	vst v1;
	v59 =	vnsel vm0, $0x0, v48;
	v60 =	vnsel vm8, $0x0, v49;
	vm0 =	vlt.u32 v51, $0xE0  }
0x41b: {  	v1 =	vld.idx.msk [tilespmem:v34+s21+$0x0], $0xffff;
	vm14 =	vgt.s32 v53, $0x0;
	v43 =	vnsel vm3, $0x0, v27;
	vm2 =	vgt.s32 v52, $0x0  }
0x41c: {  	v32 =	vld.idx.msk [tilespmem:v32+s21+$0x0], $0xffff;
	v37 =	vmin.u32 v62, $0xDF;
	v61 =	vnsel vm1, $0x0, v46;
	v50 =	vmin.u32 v60, $0xDF  }
0x41d: {  	v29 =	vld.idx.msk [tilespmem:v29+s21+$0x0], $0xffff;
	v34 =	vmin.u32 v59, $0xDF;
	vm1 =	vlt.u32 v33, $0xE0;
	vm3 =	vlt.u32 v54, $0xE0  }
0x41e: {  	v30 =	vld.idx.msk [tilespmem:v30+s21+$0x0], $0xffff;
	v62 =	vmin.u32 v43, $0xDF;
	v41 =	vmin.u32 v61, $0xDF;
	v55 =	vshll.u32 v37, $0x8  }
0x41f: {  	v37 =	vshll.u32 v37, $0x7;
	v56 =	vshll.u32 v62, $0x8;
	v55 =	vand.u32 $0xF800, v55  }
0x420: {  	v5 =	vand.u32 $0x380, v37;
	v37 =	vshll.u32 v41, $0x8;
	v41 =	vshll.u32 v41, $0x7  }
0x421: {  	v56 =	vand.u32 $0xF800, v56;
	v8 =	vor.u32 v55, v5;
	v1 =	vmul.f32 v40, v1  }
0x422: {  	v37 =	vand.u32 $0xF800, v37;
	v32 =	vmul.f32 v0, v32;
	v29 =	vmul.f32 v40, v29  }
0x423: {  	v0 =	vmul.f32 v0, v30;
	v30 =	vnsel vm14, $0x0, v53;
	v40 =	vnsel vm6, $0x0, v54  }
0x424: {  	v41 =	vand.u32 $0x380, v41;
	v30 =	vmin.u32 v30, $0xDF;
	v40 =	vmin.u32 v40, $0xDF  }
0x425: {  	v1 =	vadd.f32 v1, v32;
	v0 =	vadd.f32 v29, v0;
	v29 =	vnsel vm7, $0x0, v47  }
0x426: {  	v32 =	vshll.u32 v58, $0x7;
	v59 =	vshll.u32 v30, $0x3;
	v60 =	vshll.u32 v40, $0x3  }
0x427: {  	v30 =	vand.u32 $0x7F, v30;
	v40 =	vand.u32 $0x7F, v40;
	v29 =	vmin.u32 v29, $0xDF  }
0x428: {  	v59 =	vand.u32 $0x400, v59;
	v60 =	vand.u32 $0x400, v60;
	v8 =	vor.u32 v40, v8  }
0x429: {  	v1 =	vmul.f32 v1, v35;
	v0 =	vmul.f32 v0, v42;
	v35 =	vmin.u32 v63, $0xDF  }
0x42a: {  	v63 =	vnsel vm2, $0x0, v52;
	v42 =	vshll.u32 v62, $0x7;
	v61 =	vshll.u32 v29, $0x3  }
0x42b: {  	v62 =	vshll.u32 v34, $0x3;
	v29 =	vand.u32 $0x7F, v29;
	v34 =	vand.u32 $0x7F, v34  }
0x42c: {  	v13 =	vor.u32 v30, v59;
	vm2 =	vlt.u32 v53, $0xE0;
	v43 =	vmin.u32 v63, $0xDF  }
0x42d: {  	v63 =	vand.u32 $0x380, v32;
	v32 =	vshll.u32 v50, $0x8;
	v6 =	vand.u32 $0x380, v42  }
0x42e: {  	v61 =	vand.u32 $0x400, v61;
	v62 =	vand.u32 $0x400, v62;
	v50 =	vshll.u32 v50, $0x7  }
0x42f: {  	v0 =	vadd.f32 v0, v1;
	v1 =	vmin.u32 v57, $0xDF;
	v57 =	vshll.u32 v35, $0x3  }
0x430: {  	v42 =	vshll.u32 v43, $0x8;
	v35 =	vand.u32 $0x7F, v35;
	v32 =	vand.u32 $0xF800, v32  }
0x431: {  	v9 =	vor.u32 v56, v6;
	v43 =	vshll.u32 v43, $0x7;
	v29 =	vor.u32 v29, v61  }
0x432: {  	v57 =	vand.u32 $0x400, v57;
	v42 =	vand.u32 $0xF800, v42;
	v13 =	vor.u32 v32, v13  }
0x433: {  	v9 =	vor.u32 v35, v9;
	[tilespmem:s5+$0x1F400] =	vst v0;
	v0 =	vshll.u32 v58, $0x8;
	v58 =	vshll.u32 v1, $0x3  }
0x434: {  	v1 =	vand.u32 $0x7F, v1;
	v11 =	vor.u32 v35, v57;
	v35 =	vor.u32 v60, v8  }
0x435: {  	v8 =	vcvt.s32.f32 v27;
	v0 =	vand.u32 $0xF800, v0;
	v58 =	vand.u32 $0x400, v58  }
0x436: {  	[tilespmem:$0x1FE10] =	vst v7;
	v11 =	vor.u32 v42, v11;
	v7 =	vor.u32 v0, v63;
	v1 =	vor.u32 v1, v58  }
0x437: {  	v58 =	vor.u32 v40, v60;
	v0 =	vor.u32 v0, v29;
	v7 =	vor.u32 v30, v7  }
0x438: {  	v30 =	vor.u32 v34, v62;
	v34 =	vor.u32 v32, v29;
	v58 =	vor.u32 v37, v58  }
0x439: {  	v61 =	vor.u32 v42, v1;
	v29 =	vand.u32 $0x380, v50;
	v62 =	vcvt.s32.f32 v33  }
0x43a: {  	v1 =	vor.u32 v56, v1;
	v50 =	vand.u32 $0x380, v43;
	v43 =	vor.u32 v59, v7  }
0x43b: {  	v56 =	vcvt.s32.f32 v47;
	v32 =	vor.u32 v37, v30;
	v42 =	vor.u32 v29, v34  }
0x43c: {  	v55 =	vor.u32 v55, v30;
	v40 =	vor.u32 v29, v13;
	v30 =	vor.u32 v57, v9  }
0x43d: {  	v34 =	vor.u32 v41, v58;
	v29 =	vor.u32 v50, v11;
	v37 =	vor.u32 v41, v32  }
0x43e: {  	v32 =	vor.u32 v50, v61;
	v50 =	vor.u32 v63, v0;
	v0 =	vsub.f32 v38, v62;
	v54 =	vld.idx.msk [tilespmem:v35+s26+$0x0], $0xffff  }
0x43f: {  	v7 =	vcvt.s32.f32 v48;
	v13 =	vcvt.s32.f32 v31;
	v38 =	vor.u32 v6, v1;
	v6 =	vld.idx.msk [tilespmem:v43+s26+$0x0], $0xffff  }
0x440: {  	v41 =	vor.u32 v5, v55;
	v5 =	vsub.f32 v44, v56;
	v9 =	vsub.f32 $1.000000000e+00, v0;
	v11 =	vld.idx.msk [tilespmem:v42+s26+$0x0], $0xffff  }
0x441: {  	v1 =	vcvt.s32.f32 v28;
	v7 =	vsub.f32 v45, v7;
	v56 =	vsub.f32 v39, v13;
	v59 =	vld.idx.msk [tilespmem:v40+s26+$0x0], $0xffff  }
0x442: {  	v51 =	vnsel vm1, $0x0, v9;
	vm1 =	vlt.u32 v47, $0xE0;
	v47 =	vnsel vm0, $0x0, v0;
	v0 =	vld.idx.msk [tilespmem:v34+s26+$0x0], $0xffff  }
0x443: {  	s14 =	sadd.s32 $0x12494, s14;
	s6 =	sadd.s32 $0x80, s6;
	v44 =	vsub.f32 $1.000000000e+00, v5;
	v57 =	vsub.f32 v15, v1;
	v55 =	vnsel vm2, $0x0, v5;
	v61 =	vld.idx.msk [tilespmem:v30+s26+$0x0], $0xffff  }
0x444: {  	s17 =	sadd.s32 $0x12494, s17;
	s20 =	sadd.s32 $0x2, s20;
	s6 =	sand.u32 $0xFFFFFC00, s6;
	vm2 =	vlt.u32 v46, $0xE0;
	v45 =	vsub.f32 $1.000000000e+00, v7;
	v15 =	vnsel vm3, $0x0, v7;
	v9 =	vld.idx.msk [tilespmem:v37+s26+$0x0], $0xffff  }
.Ltmp5:
0x445: {  	s16 =	sadd.s32 s16, s9;
	s25 =	rddreg [dreg:$0x1f];
	v53 =	vsub.f32 $1.000000000e+00, v56;
	v60 =	vld.idx.msk [tilespmem:v29+s26+$0x0], $0xffff;
	v62 =	vsub.f32 $1.000000000e+00, v57;
	v33 =	vnsel vm1, $0x0, v44;
	(pc) =	sbr.rel @p1 .LBB2_12-.Ltmp5, $4  }
0x446: {  	s6 =	sadd.s32 s6, s25;
	s18 =	sand.u32 $0xFFFFFC00, s16;
	s19 =	sand.u32 $0xFFFFFC00, s7;
	v48 =	vnsel vm15, $0x0, v45;
	v45 =	vsub.f32 v36, v8;
	v58 =	vld.idx.msk [tilespmem:v32+s26+$0x0], $0xffff;
	v44 =	vmul.f32 v15, v54  }
0x447: {  	s6 =	sor.u32 s0, s6;
	s3 =	sadd.s32 s18, s3;
	s10 =	sadd.s32 s19, s10;
	vm0 =	vlt.u32 v52, $0xE0;
	v63 =	vld.idx.msk [tilespmem:v50+s26+$0x0], $0xffff;
	v1 =	vmul.f32 v33, v11;
	v5 =	vmul.f32 v55, v59  }
0x448: {  	s31 =	sor.u32 s31, s6;
	s3 =	sor.u32 s12, s3;
	s30 =	sor.u32 s8, s10;
	vm1 =	vlt.u32 v49, $0xE0;
	v52 =	vld.idx.msk [tilespmem:v38+s26+$0x0], $0xffff;
	v39 =	vsub.f32 $1.000000000e+00, v45;
	v36 =	vmul.f32 v55, v6  }
0x449: {  	s6 =	rddreg [dreg:$0xc];
	s2 =	sor.u32 s1, s3;
	s29 =	sor.u32 s11, s30;
	v59 =	vld.idx.msk [tilespmem:v41+s26+$0x0], $0xffff;
	v46 =	vmul.f32 v15, v0;
	v54 =	vmul.f32 v48, v9;
	v49 =	vadd.f32 v1, v5  }
0x44a: {  	_ =	sdelay $0x1  }
0x44b: {  	v0 =	vmul.f32 v33, v63;
	_ =	sdelay $0x1  }
0x44c: {  	vm3 =	vlt.u32 v28, $0xE0;
	v6 =	vnsel vm1, $0x0, v57;
	v0 =	vadd.f32 v0, v36  }
0x44d: {  	v1 =	vmul.f32 v47, v61;
	v5 =	vnsel vm3, $0x0, v62;
	v8 =	vmul.f32 v49, v6  }
0x44e: {  	v7 =	vmul.f32 v48, v59;
	v0 =	vmul.f32 v0, v5  }
0x44f: {  	vm14 =	vlt.u32 v31, $0xE0;
	v13 =	vmul.f32 v47, v60;
	v11 =	vadd.f32 v54, v46  }
0x450: {  	v28 =	vnsel vm2, $0x0, v56;
	v7 =	vadd.f32 v7, v44;
	v0 =	vadd.f32 v8, v0  }
0x451: {  	v9 =	vmul.f32 v51, v58;
	v54 =	vmul.f32 v51, v52;
	v8 =	vnsel vm14, $0x0, v53  }
0x452: {  	v11 =	vmul.f32 v11, v28;
	v7 =	vmul.f32 v7, v8;
	[tilespmem:s31+$0x1EC00] =	vst v0  }
0x453: {  	v9 =	vadd.f32 v9, v13;
	v56 =	vld.idx.msk [tilespmem:v50+s21+$0x0], $0xffff  }
0x454: {  	vm15 =	vlt.u32 v27, $0xE0;
	v1 =	vadd.f32 v54, v1;
	v7 =	vadd.f32 v11, v7;
	v57 =	vld.idx.msk [tilespmem:v43+s21+$0x0], $0xffff  }
0x455: {  	v27 =	vnsel vm15, $0x0, v39;
	v0 =	vnsel vm0, $0x0, v45;
	v58 =	vld.idx.msk [tilespmem:v42+s21+$0x0], $0xffff  }
0x456: {  	v1 =	vmul.f32 v1, v27;
	v9 =	vmul.f32 v9, v0;
	v59 =	vld.idx.msk [tilespmem:v40+s21+$0x0], $0xffff;
	[tilespmem:s29+$0x1EC00] =	vst v7  }
0x457: {  	v62 =	vld.idx.msk [tilespmem:v41+s21+$0x0], $0xffff  }
0x458: {  	v1 =	vadd.f32 v9, v1;
	v36 =	vld.idx.msk [tilespmem:v35+s21+$0x0], $0xffff  }
0x459: {  	v40 =	vld.idx.msk [tilespmem:v34+s21+$0x0], $0xffff  }
0x45a: {  	[tilespmem:s2+$0x1EC00] =	vst v1;
	v1 =	vld.idx.msk [tilespmem:v37+s21+$0x0], $0xffff  }
0x45b: {  	v41 =	vld [tilespmem:$0x1FE10]  }
0x45c: {  	v3 =	vmul.f32 v3, v18;
	v19 =	vmul.f32 v10, v19;
	v42 =	vld [tilespmem:$0x1FDD0]  }
0x45d: {  	v20 =	vmul.f32 v12, v20;
	v60 =	vmul.f32 v10, v22;
	v43 =	vld.idx.msk [tilespmem:v38+s21+$0x0], $0xffff  }
0x45e: {  	v61 =	vmul.f32 v2, v23;
	v31 =	vmul.f32 v4, v24;
	v44 =	vld [tilespmem:$0x1FE30]  }
0x45f: {  	v2 =	vmul.f32 v2, v25;
	v63 =	vmul.f32 v12, v21;
	v46 =	vld.idx.msk [tilespmem:v30+s21+$0x0], $0xffff  }
0x460: {  	v49 =	vld [tilespmem:$0x1FE50];
	v13 =	vmul.f32 v33, v56;
	v11 =	vmul.f32 v55, v57  }
0x461: {  	v3 =	vadd.f32 v16, v3;
	v37 =	vmul.f32 v4, v26;
	v50 =	vld.idx.msk [tilespmem:v32+s21+$0x0], $0xffff;
	v18 =	vmul.f32 v33, v58  }
0x462: {  	v52 =	vld [tilespmem:$0x1FE60];
	v54 =	vmul.f32 v55, v59;
	v11 =	vadd.f32 v13, v11;
	v55 =	vmul.f32 v48, v62  }
0x463: {  	v39 =	vadd.f32 v19, v20;
	v53 =	vld.idx.msk [tilespmem:v29+s21+$0x0], $0xffff;
	v56 =	vmul.f32 v15, v36;
	v12 =	vmul.f32 v15, v40  }
0x464: {  	v9 =	vadd.f32 v61, v31;
	v61 =	vld [tilespmem:$0x1FE00];
	v1 =	vmul.f32 v48, v1;
	v5 =	vmul.f32 v11, v5  }
0x465: {  	v10 =	vadd.f32 v60, v63;
	v45 =	vld [tilespmem:$0x1FDE0];
	v17 =	vmul.f32 v17, v41;
	v3 =	vmul.f32 v3, v42  }
0x466: {  	v2 =	vadd.f32 v2, v37;
	v16 =	vmul.f32 v39, v44;
	v9 =	vmul.f32 v9, v49  }
0x467: {  	v4 =	vadd.f32 v18, v54;
	v57 =	vmul.f32 v51, v43;
	v58 =	vmul.f32 v47, v46  }
0x468: {  	v14 =	vadd.f32 v14, v52;
	v59 =	vmul.f32 v51, v50;
	v60 =	vmul.f32 v47, v53  }
0x469: {  	s0 =	rddreg [dreg:$0x12];
	v7 =	vadd.f32 v55, v56;
	v2 =	vmul.f32 v2, v61;
	v1 =	vadd.f32 v1, v12  }
0x46a: {  	v10 =	vmul.f32 v10, v45;
	v3 =	vadd.f32 v3, v17;
	v13 =	vadd.f32 v57, v58;
	[tilespmem:s0+$0x1F400] =	vst v14  }
0x46b: {  	v4 =	vmul.f32 v4, v6;
	v62 =	vadd.f32 v59, v60;
	v2 =	vadd.f32 v2, v9;
	s0 =	rddreg [dreg:$0x8]  }
0x46c: {  	v10 =	vadd.f32 v10, v16;
	v1 =	vmul.f32 v1, v28;
	[tilespmem:s0+$0x1F400] =	vst v3;
	v3 =	vmul.f32 v7, v8  }
0x46d: {  	v4 =	vadd.f32 v4, v5;
	v63 =	vmul.f32 v13, v27;
	v0 =	vmul.f32 v62, v0;
	s0 =	rddreg [dreg:$0xa];
	[tilespmem:s13+$0x1F400] =	vst v2  }
0x46e: {  	[tilespmem:s0+$0x1F400] =	vst v10;
	v1 =	vadd.f32 v1, v3  }
0x46f: {  	v0 =	vadd.f32 v0, v63;
	s0 =	sld [smem:$0x7F2];
	[tilespmem:s31+$0x1F400] =	vst v4  }
0x470: {  	s1 =	sld [smem:$0x7F5];
	[tilespmem:s29+$0x1F400] =	vst v1  }
0x471: {  	[tilespmem:s2+$0x1F400] =	vst v0  }
0x472: {  	s6 =	sld [smem:$0x7F3];
	_ =	sdelay $0x2  }
0x473: {  	s6 =	sadd.s32 $0x1, s6  }
0x474: {  	p0 =	sne.s32 s6, $0xE  }
.Ltmp6:
0x475: {  	s29 =	sld [smem:$0x7F8];
	s0 =	sshll.u32 s0, $0xB;
	(pc) =	sbr.rel @p0 .LBB2_5-.Ltmp6, $4  }
0x476: {  	s0 =	sadd.s32 s1, s0  }
0x477: {  	s0 =	sshrl.u32 s0, $0x3  }
0x478: {  	s30 =	simm.s32 $0x800;
	s31 =	simm.s32 $0x1EC00;
	s0 =	sadd.s32 s29, s0  }
0x479: {  	v1 =	vimm.s32 $0x0;
	[hbm4b:s0+s30] =	stream.strided.scatter [tilespmem:s31], [sflag:$0x5], $0x1000, s21, s30, $0x38;
	[tilespmem:$0x1FD00] =	vst v63  }
0x47a: {  	s0 =	simm.s32 $0x4  }
0x47b: {  	_ =	swait.ge [sflag:s0], $0x1000  }
0x47c: {  	[sflag:s0] =	ssyncset.done $0x0  }
0x47d: {  	s31 =	simm.s32 $0x5;
	[sflag:s0] =	ssyncadd.s32 $0xFFFFF000  }
0x47e: {  	_ =	swait.ge [sflag:s31], $0x1000  }
0x47f: {  	s1 =	sld [smem:$0x7F4];
	_ =	sdelay $0x2  }
0x480: {  	s1 =	sadd.s32 $0x1, s1  }
0x481: {  	p0 =	sne.s32 s1, $0xC  }
.Ltmp7:
0x482: {  	_ = 	snop;
	(pc) =	sbr.rel @p0 .LBB2_4-.Ltmp7, $3  }
0x483: {  	_ =	sdelay $0x1  }
0x484: {  	[sflag:s31] =	ssyncset.done $0x0  }
0x485: {  	[sflag:s31] =	ssyncadd.s32 $0xFFFFF000  }
0x486: {  	s1 =	sld [smem:$0x7F6]  }
0x487: {  	s0 =	sld [smem:$0x7FD];
	_ =	sdelay $0x1  }
0x488: {  	s1 =	sadd.s32 $0x1, s1  }
0x489: {  	p0 =	sne.s32 s1, s0  }
.Ltmp8:
0x48a: {  	_ = 	snop;
	(pc) =	sbr.rel @p0 .LBB2_1-.Ltmp8, $2  }
0x48b: {  	_ =	sdelay $0x2  }
0x48c: {  	v0 =	vlaneseq.u32  }
0x48d: {  	_ =	sfence.sel $0x180000  }
0x48e: {  	[bflag:$0x0] =	sbarrier.arrive $0xFFFF  }
0x48f: {  	_ =	strace $0x90000047  }
0x490: {  	s0 =	stileid.u32;
	[bflag:$0x2] =	sbarrier.arrive $0xFFFF  }
0x491: {  	p0 =	sne.s32 s0, $0x0;
	s0 =	rddreg [dreg:$0x2]  }
0x492: {  	s0 =	sadd.s32 @!p0 $0x100000, s0  }
0x493: {  	[sflag:s0] =	ssyncadd.tile.s32 @!p0 $0x1;
	_ =	shalt  }
.Lfunc_end2:
_tile_overlayer_lowered:
.L_overlay_start_2:
0x494: {  	(tag) =	ssettag $0x2  }
0x495: {  	s0 =	rddreg [dreg:$0x0];
	s2 =	stileid.u32  }
0x496: {  	s1 =	rddreg [dreg:$0x1];
	p0 =	sne.s32 s2, $0x0  }
0x497: {  	s3 =	rddreg [dreg:$0x2];
	[bflag:$0x3] =	sbarrier.arrive $0xFFFF;
	s2 =	simm.s32 @!p0 $0x1C06  }
0x498: {  	[timem:s3], [sflag:s2] =	dma.local @!p0 [hbm:s0], s1  }
0x499: {  	s0 =	simm.s32 @!p0 $0x6  }
0x49a: {  	_ =	swait.ge @!p0 [sflag:s0], s1  }
0x49b: {  	s1 =	ssub.s32 @!p0 $0x0, s1;
	[sflag:s0] =	ssyncset.done @!p0 $0x0  }
0x49c: {  	[sflag:s0] =	ssyncadd.s32 @!p0 s1  }
0x49d: {  	[bflag:$0x3] =	sbarrier.arrive $0xFFFF  }
0x49e: {  	_ =	shalt  }

</sc_bundles>
